<compile_context>
chip_gen: v7x
topology: tpu7x:2x2x1
jax: 0.10.2.dev20260603
libtpu: 0.0.44.dev20260713+nightly
codegen_flags: <defaults>
</compile_context>

<pallas_src>
import functools

import jax
import jax.numpy as jnp
from jax import lax
from jax.experimental import pallas as pl
from jax.experimental.pallas import tpu as pltpu
from jax.experimental.pallas import tpu_sc as plsc

P = 32768
MT = 8192
MS = 256
NC = 2
NS = 16
L = 16
E = MT // NS
QC = P // NS
QCHUNK = 1024
INVALID_TOKEN = -1


BPL = E // L


def _body(qv, qt, qs, qp, params,
          o_tok, o_seq, o_pos, o_val,
          nq_tok, nq_seq, nq_pos, nq_val, o_cnt,
          tok_v, seq_v, pos_v, val_v, rank_v, dest_v,
          hist2_v, prefix2_v, hist_v, allhist_v, cursor_v, counts_v, param_v,
          qtmp_i, qtmp_f, const_i, const_f, shared_hist, dma_sem):
    c = lax.axis_index("c")
    sid = lax.axis_index("s")
    pltpu.sync_copy(params, param_v)
    pvec = param_v[pl.ds(0, L)]
    num = pvec[0]
    max_seq = pvec[1]

    @pl.when(c == 0)
    def _sort_side():
        base = pl.multiple_of(sid * E, 8)
        with jax.named_scope("ph_stage_in"):
            pltpu.sync_copy(qt.at[pl.ds(base, E)], tok_v)
            pltpu.sync_copy(qs.at[pl.ds(base, E)], seq_v)
            pltpu.sync_copy(qp.at[pl.ds(base, E)], pos_v)
            pltpu.sync_copy(qv.at[pl.ds(base, E)], val_v)

        zero16 = jnp.zeros((L,), jnp.int32)
        iota16 = lax.iota(jnp.int32, L)

        with jax.named_scope("ph_zero"):
            @pl.loop(0, L * MS // L)
            def _zero(i):
                hist2_v[pl.ds(i * L, L)] = zero16

        with jax.named_scope("ph_hist"):
            @pl.loop(0, BPL)
            def _count(t):
                eidx = iota16 * BPL + t
                s = plsc.load_gather(seq_v, [eidx])
                hidx = iota16 * MS + s
                old = plsc.load_gather(hist2_v, [hidx])
                plsc.store_scatter(rank_v, [eidx], old)
                plsc.store_scatter(hist2_v, [hidx], old + 1)

        with jax.named_scope("ph_lane_prefix"):
            @pl.loop(0, MS // L)
            def _lane_prefix(g):
                acc = zero16
                for l in range(L):
                    off = l * MS + g * L
                    row = hist2_v[pl.ds(off, L)]
                    prefix2_v[pl.ds(off, L)] = acc
                    acc = acc + row
                hist_v[pl.ds(g * L, L)] = acc

        with jax.named_scope("ph_exchange"):
            pltpu.sync_copy(hist_v, shared_hist.at[sid])
            plsc.subcore_barrier()
            pltpu.sync_copy(shared_hist, allhist_v)

        with jax.named_scope("ph_offsets"):
            @pl.loop(0, MS // L, init_carry=jnp.int32(0))
            def _offsets(g, carry):
                sl = pl.ds(g * L, L)
                total = jnp.zeros((L,), jnp.int32)
                before = jnp.zeros((L,), jnp.int32)
                for w in range(NS):
                    row = allhist_v[w, sl]
                    total = total + row
                    before = before + row * (jnp.int32(w) < sid).astype(jnp.int32)
                inc = plsc.cumsum(total)
                excl = inc - total + carry
                cursor_v[sl] = excl + before
                bidx = iota16 + g * L
                cnt = jnp.minimum(jnp.maximum(num - excl, 0), total)
                cnt = jnp.where(bidx < max_seq, cnt, zero16)
                counts_v[sl] = cnt
                return carry + jnp.sum(total)

            @pl.when(sid == 0)
            def _write_counts():
                pltpu.sync_copy(counts_v, o_cnt)

        with jax.named_scope("ph_dest"):
            for t in range(E // L):
                sl = pl.ds(t * L, L)
                sv = seq_v[sl]
                cur = plsc.load_gather(cursor_v, [sv])
                pre = plsc.load_gather(prefix2_v,
                                       [jnp.int32((t // 2) * MS) + sv])
                dest_v[t // 8, pl.ds((t % 8) * L, L)] = cur + pre + rank_v[sl]

        with jax.named_scope("ph_scatter"):
            descs = []
            for src, dst in ((tok_v, o_tok), (seq_v, o_seq),
                             (pos_v, o_pos), (val_v, o_val)):
                for h in range(E // 128):
                    descs.append(pltpu.async_copy(
                        src.at[pl.ds(h * 128, 128)],
                        dst.at[dest_v.at[h]], dma_sem))
            for d in descs:
                d.wait()

    @pl.when(c == 1)
    def _roll_side():
        neg16 = jnp.full((L,), INVALID_TOKEN, jnp.int32)
        zf16 = jnp.zeros((L,), jnp.float32)

        @pl.loop(0, QCHUNK // L)
        def _fill(i):
            const_i[pl.ds(i * L, L)] = neg16
            const_f[pl.ds(i * L, L)] = zf16

        cutoff = P - num
        for ck in range(QC // QCHUNK):
            b0 = sid * QC + ck * QCHUNK
            dst_off = pl.multiple_of(b0, 8)
            src_off = pl.multiple_of(b0 + num, 8)

            @pl.when(b0 < cutoff)
            def _copy():
                for src, dst, tmp in ((qt, nq_tok, qtmp_i),
                                      (qs, nq_seq, qtmp_i),
                                      (qp, nq_pos, qtmp_i),
                                      (qv, nq_val, qtmp_f)):
                    pltpu.sync_copy(src.at[pl.ds(src_off, QCHUNK)], tmp)
                    pltpu.sync_copy(tmp, dst.at[pl.ds(dst_off, QCHUNK)])

            @pl.when(b0 >= cutoff)
            def _mask():
                pltpu.sync_copy(const_i, nq_tok.at[pl.ds(dst_off, QCHUNK)])
                pltpu.sync_copy(const_i, nq_seq.at[pl.ds(dst_off, QCHUNK)])
                pltpu.sync_copy(const_i, nq_pos.at[pl.ds(dst_off, QCHUNK)])
                pltpu.sync_copy(const_f, nq_val.at[pl.ds(dst_off, QCHUNK)])


@jax.jit
def _packed(queued_values, queued_tokens, queued_seq_ids, queued_pos_ids,
            params):
    mesh = plsc.VectorSubcoreMesh(core_axis_name="c", subcore_axis_name="s",
                                  num_cores=NC, num_subcores=NS)
    i32 = jnp.int32
    f32 = jnp.float32
    run = pl.kernel(
        _body,
        out_type=(
            jax.ShapeDtypeStruct((MT,), i32),
            jax.ShapeDtypeStruct((MT,), i32),
            jax.ShapeDtypeStruct((MT,), i32),
            jax.ShapeDtypeStruct((MT,), f32),
            jax.ShapeDtypeStruct((P,), i32),
            jax.ShapeDtypeStruct((P,), i32),
            jax.ShapeDtypeStruct((P,), i32),
            jax.ShapeDtypeStruct((P,), f32),
            jax.ShapeDtypeStruct((MS,), i32),
        ),
        mesh=mesh,
        compiler_params=pltpu.CompilerParams(needs_layout_passes=False),
        scratch_types=[
            pltpu.VMEM((E,), i32),
            pltpu.VMEM((E,), i32),
            pltpu.VMEM((E,), i32),
            pltpu.VMEM((E,), f32),
            pltpu.VMEM((E,), i32),
            pltpu.VMEM((E // 128, 128), i32),
            pltpu.VMEM((L * MS,), i32),
            pltpu.VMEM((L * MS,), i32),
            pltpu.VMEM((MS,), i32),
            pltpu.VMEM((NS, MS), i32),
            pltpu.VMEM((MS,), i32),
            pltpu.VMEM((MS,), i32),
            pltpu.VMEM((16,), i32),
            pltpu.VMEM((QCHUNK,), i32),
            pltpu.VMEM((QCHUNK,), f32),
            pltpu.VMEM((QCHUNK,), i32),
            pltpu.VMEM((QCHUNK,), f32),
            pltpu.VMEM_SHARED((NS, MS), i32),
            pltpu.SemaphoreType.DMA,
        ],
    )
    return run(queued_values, queued_tokens, queued_seq_ids, queued_pos_ids,
               params)


def kernel(queued_values, queued_tokens, queued_seq_ids, queued_pos_ids,
           num_queued_tokens, max_tokens, max_sequences):
    nqt = jnp.asarray(num_queued_tokens, jnp.int32)
    mt = jnp.asarray(max_tokens, jnp.int32)
    ms = jnp.asarray(max_sequences, jnp.int32)
    num = jnp.minimum(nqt, mt)
    pad = jnp.zeros((14,), jnp.int32)
    params = jnp.concatenate([num[None], ms[None], pad])
    (tokens, seq_ids, pos_ids, vals,
     nq_tok, nq_seq, nq_pos, nq_val, counts) = _packed(
        queued_values, queued_tokens, queued_seq_ids, queued_pos_ids, params)
    return (tokens, seq_ids, pos_ids, vals,
            nq_tok, nq_seq, nq_pos, nq_val, counts, num, nqt - num)

# --- scband reference (transcript-rebuilt; emitter-appended) ---
"""Pipeline reference for scband-decode-state-23811298689268 (READ-ONLY COPY).

The authoritative reference and input builder live on the scoring server;
editing this copy changes nothing except your own understanding.
"""

import jax, jax.numpy as jnp
import numpy as np

INVALID = -1


def setup_inputs(seed: int = 0) -> dict:
    key = jax.random.key(seed)
    k1, k2, k3, k4 = jax.random.split(key, 4)
    P = 32768
    return {
        "queued_values": jax.random.normal(k4, (P,), dtype=jnp.float32),
        "queued_tokens": jax.random.randint(k1, (P,), 0, 32000, dtype=jnp.int32),
        "queued_seq_ids": jax.random.randint(k2, (P,), 0, 256, dtype=jnp.int32),
        "queued_pos_ids": jax.random.randint(k3, (P,), 0, 4096, dtype=jnp.int32),
        "num_queued_tokens": 24000,
        "max_tokens": 8192,
        "max_sequences": 256,
    }


def reference(queued_values, queued_tokens, queued_seq_ids, queued_pos_ids, num_queued_tokens, max_tokens, max_sequences):
    # Faithful translation of TokenQueue.pack_next_sequence followed by
    # PackedSequence.token_counts_per_sequence (the hot path of DecodeState's
    # ragged-sequence packing during decoding).
    P = queued_tokens.shape[0]
    MAX_TOKENS = 8192
    MAX_SEQUENCES = 256
    num = jnp.minimum(jnp.asarray(num_queued_tokens, dtype=jnp.int32), jnp.asarray(max_tokens, dtype=jnp.int32))

    # slice off the head of the queue (up to max_tokens)
    tokens = queued_tokens[:MAX_TOKENS]
    seq_ids = queued_seq_ids[:MAX_TOKENS]
    pos_ids = queued_pos_ids[:MAX_TOKENS]
    vals = queued_values[:MAX_TOKENS]

    # roll the remaining queue forward and mask the freed tail with INVALID
    rolled_tokens = jnp.roll(queued_tokens, -num)
    rolled_seq_ids = jnp.roll(queued_seq_ids, -num)
    rolled_pos_ids = jnp.roll(queued_pos_ids, -num)
    rolled_values = jnp.roll(queued_values, -num)
    idx = jnp.arange(P)
    mask = idx >= (P - num)
    new_q_tokens = jnp.where(mask, jnp.full_like(rolled_tokens, INVALID), rolled_tokens)
    new_q_seq_ids = jnp.where(mask, jnp.full_like(rolled_seq_ids, INVALID), rolled_seq_ids)
    new_q_pos_ids = jnp.where(mask, jnp.full_like(rolled_pos_ids, INVALID), rolled_pos_ids)
    new_q_values = jnp.where(mask, jnp.zeros_like(rolled_values), rolled_values)

    # stable sort packed tokens by seq id (argsort + gather)
    order = jnp.argsort(seq_ids, stable=True)
    tokens = jnp.take(tokens, order)
    seq_ids = jnp.take(seq_ids, order)
    pos_ids = jnp.take(pos_ids, order)
    vals = jnp.take(vals, order)

    # PackedSequence.token_counts_per_sequence: masked bincount over seq ids
    weights = jnp.where(jnp.arange(MAX_TOKENS) < num, 1, 0)
    counts = jnp.bincount(seq_ids, weights=weights, length=MAX_SEQUENCES)
    counts = jnp.where(jnp.arange(MAX_SEQUENCES) < jnp.asarray(max_sequences, dtype=jnp.int32), counts, 0)

    new_num_queued = jnp.asarray(num_queued_tokens, dtype=jnp.int32) - num
    return (tokens, seq_ids, pos_ids, vals, new_q_tokens, new_q_seq_ids, new_q_pos_ids, new_q_values, counts, num, new_num_queued)

if __name__ == "__main__":
    import jax
    _d = setup_inputs()
    print(jax.jit(kernel)(*tuple(_d.values())))

</pallas_src>

<mosaic_0001>
#map = affine_map<(d0, d1) -> (0)>
module attributes {stable_mosaic.version = 14 : i64} {
  func.func @_body(%arg0: i32, %arg1: i32, %arg2: memref<32768xf32, #tpu.memory_space<hbm>>, %arg3: memref<32768xi32, #tpu.memory_space<hbm>>, %arg4: memref<32768xi32, #tpu.memory_space<hbm>>, %arg5: memref<32768xi32, #tpu.memory_space<hbm>>, %arg6: memref<16xi32, #tpu.memory_space<hbm>>, %arg7: memref<8192xi32, #tpu.memory_space<hbm>>, %arg8: memref<8192xi32, #tpu.memory_space<hbm>>, %arg9: memref<8192xi32, #tpu.memory_space<hbm>>, %arg10: memref<8192xf32, #tpu.memory_space<hbm>>, %arg11: memref<32768xi32, #tpu.memory_space<hbm>>, %arg12: memref<32768xi32, #tpu.memory_space<hbm>>, %arg13: memref<32768xi32, #tpu.memory_space<hbm>>, %arg14: memref<32768xf32, #tpu.memory_space<hbm>>, %arg15: memref<256xi32, #tpu.memory_space<hbm>>, %arg16: memref<512xi32, #tpu.memory_space<vmem>>, %arg17: memref<512xi32, #tpu.memory_space<vmem>>, %arg18: memref<512xi32, #tpu.memory_space<vmem>>, %arg19: memref<512xf32, #tpu.memory_space<vmem>>, %arg20: memref<512xi32, #tpu.memory_space<vmem>>, %arg21: memref<4x128xi32, #tpu.memory_space<vmem>>, %arg22: memref<4096xi32, #tpu.memory_space<vmem>>, %arg23: memref<4096xi32, #tpu.memory_space<vmem>>, %arg24: memref<256xi32, #tpu.memory_space<vmem>>, %arg25: memref<16x256xi32, #tpu.memory_space<vmem>>, %arg26: memref<256xi32, #tpu.memory_space<vmem>>, %arg27: memref<256xi32, #tpu.memory_space<vmem>>, %arg28: memref<16xi32, #tpu.memory_space<vmem>>, %arg29: memref<1024xi32, #tpu.memory_space<vmem>>, %arg30: memref<1024xf32, #tpu.memory_space<vmem>>, %arg31: memref<1024xi32, #tpu.memory_space<vmem>>, %arg32: memref<1024xf32, #tpu.memory_space<vmem>>, %arg33: memref<16x256xi32, #tpu.memory_space<vmem_shared>>, %arg34: memref<!tpu.dma_semaphore, #tpu.memory_space<semaphore_mem>>) attributes {dimension_semantics = [#tpu.dimension_semantics<core_parallel>, #tpu.dimension_semantics<subcore_parallel>], iteration_bounds = array<i64: 2, 16>, scalar_prefetch = 0 : i64, scratch_operands = 19 : i64, tpu.core_type = #tpu.core_type<sc_vector_subcore>, window_params = [{transform_indices = #map}, {transform_indices = #map}, {transform_indices = #map}, {transform_indices = #map}, {transform_indices = #map}, {transform_indices = #map}, {transform_indices = #map}, {transform_indices = #map}, {transform_indices = #map}, {transform_indices = #map}, {transform_indices = #map}, {transform_indices = #map}, {transform_indices = #map}, {transform_indices = #map}]} {
    "tpu.region"() ({
      %run_scoped3A = tpu.sem_alloc : memref<!tpu.dma_semaphore, #tpu.memory_space<semaphore_mem>>
      tpu.enqueue_dma source(%arg6 : memref<16xi32, #tpu.memory_space<hbm>>) target(%arg28 : memref<16xi32, #tpu.memory_space<vmem>>) target_semaphore(%run_scoped3A : memref<!tpu.dma_semaphore, #tpu.memory_space<semaphore_mem>>)
      tpu.wait_dma2 semaphore(%run_scoped3A : memref<!tpu.dma_semaphore, #tpu.memory_space<semaphore_mem>>) src(%arg6 : memref<16xi32, #tpu.memory_space<hbm>>) dst(%arg28 : memref<16xi32, #tpu.memory_space<vmem>>)
      tpu.yield
    }) : () -> ()
    %get3A = arith.constant 0 : index
    %get3A_0 = tpu.vector_load %arg28[%get3A] {strides = array<i32>} : memref<16xi32, #tpu.memory_space<vmem>>, vector<16xi32>,
    %slice3A = vector.extract_strided_slice %get3A_0 {offsets = [0], sizes = [1], strides = [1]} : vector<16xi32> to vector<1xi32>
    %squeeze3A = vector.extract %slice3A[0] : i32 from vector<1xi32>
    %slice3A_1 = vector.extract_strided_slice %get3A_0 {offsets = [1], sizes = [1], strides = [1]} : vector<16xi32> to vector<1xi32>
    %squeeze3A_2 = vector.extract %slice3A_1[0] : i32 from vector<1xi32>
    %eq3A = arith.constant 0 : i32
    %eq3A_3 = arith.cmpi eq, %arg0, %eq3A : i32
    %convert_element_type3A = arith.extui %eq3A_3 : i1 to i32
    %cond3A = arith.constant 0 : i32
    %cond3A_4 = arith.cmpi ne, %convert_element_type3A, %cond3A : i32
    scf.if %cond3A_4 {
      %mul3A = arith.constant 512 : i32
      %mul3A_10 = arith.muli %arg1, %mul3A : i32
      %multiple_of3A = tpu.assume_multiple %mul3A_10, 8 : i32
      "tpu.trace_start"() <{level = 10 : i32, message = "ph_stage_in"}> : () -> ()
      "tpu.region"() ({
        %run_scoped3A = tpu.sem_alloc : memref<!tpu.dma_semaphore, #tpu.memory_space<semaphore_mem>>
        %dma_start3A_769 = tpu.memref_slice %arg3[%multiple_of3A] : memref<32768xi32, #tpu.memory_space<hbm>> -> memref<512xi32, #tpu.memory_space<hbm>>
        %dma_start3A_770 = tpu.memref_slice %arg3[%multiple_of3A] : memref<32768xi32, #tpu.memory_space<hbm>> -> memref<512xi32, #tpu.memory_space<hbm>>
        tpu.enqueue_dma source(%dma_start3A_770 : memref<512xi32, #tpu.memory_space<hbm>>) target(%arg16 : memref<512xi32, #tpu.memory_space<vmem>>) target_semaphore(%run_scoped3A : memref<!tpu.dma_semaphore, #tpu.memory_space<semaphore_mem>>)
        %dma_wait3A_771 = tpu.memref_slice %arg3[%multiple_of3A] : memref<32768xi32, #tpu.memory_space<hbm>> -> memref<512xi32, #tpu.memory_space<hbm>>
        %dma_wait3A_772 = tpu.memref_slice %arg3[%multiple_of3A] : memref<32768xi32, #tpu.memory_space<hbm>> -> memref<512xi32, #tpu.memory_space<hbm>>
        tpu.wait_dma2 semaphore(%run_scoped3A : memref<!tpu.dma_semaphore, #tpu.memory_space<semaphore_mem>>) src(%dma_wait3A_772 : memref<512xi32, #tpu.memory_space<hbm>>) dst(%arg16 : memref<512xi32, #tpu.memory_space<vmem>>)
        tpu.yield
      }) : () -> ()
      "tpu.region"() ({
        %run_scoped3A = tpu.sem_alloc : memref<!tpu.dma_semaphore, #tpu.memory_space<semaphore_mem>>
        %dma_start3A_769 = tpu.memref_slice %arg4[%multiple_of3A] : memref<32768xi32, #tpu.memory_space<hbm>> -> memref<512xi32, #tpu.memory_space<hbm>>
        %dma_start3A_770 = tpu.memref_slice %arg4[%multiple_of3A] : memref<32768xi32, #tpu.memory_space<hbm>> -> memref<512xi32, #tpu.memory_space<hbm>>
        tpu.enqueue_dma source(%dma_start3A_770 : memref<512xi32, #tpu.memory_space<hbm>>) target(%arg17 : memref<512xi32, #tpu.memory_space<vmem>>) target_semaphore(%run_scoped3A : memref<!tpu.dma_semaphore, #tpu.memory_space<semaphore_mem>>)
        %dma_wait3A_771 = tpu.memref_slice %arg4[%multiple_of3A] : memref<32768xi32, #tpu.memory_space<hbm>> -> memref<512xi32, #tpu.memory_space<hbm>>
        %dma_wait3A_772 = tpu.memref_slice %arg4[%multiple_of3A] : memref<32768xi32, #tpu.memory_space<hbm>> -> memref<512xi32, #tpu.memory_space<hbm>>
        tpu.wait_dma2 semaphore(%run_scoped3A : memref<!tpu.dma_semaphore, #tpu.memory_space<semaphore_mem>>) src(%dma_wait3A_772 : memref<512xi32, #tpu.memory_space<hbm>>) dst(%arg17 : memref<512xi32, #tpu.memory_space<vmem>>)
        tpu.yield
      }) : () -> ()
      "tpu.region"() ({
        %run_scoped3A = tpu.sem_alloc : memref<!tpu.dma_semaphore, #tpu.memory_space<semaphore_mem>>
        %dma_start3A_769 = tpu.memref_slice %arg5[%multiple_of3A] : memref<32768xi32, #tpu.memory_space<hbm>> -> memref<512xi32, #tpu.memory_space<hbm>>
        %dma_start3A_770 = tpu.memref_slice %arg5[%multiple_of3A] : memref<32768xi32, #tpu.memory_space<hbm>> -> memref<512xi32, #tpu.memory_space<hbm>>
        tpu.enqueue_dma source(%dma_start3A_770 : memref<512xi32, #tpu.memory_space<hbm>>) target(%arg18 : memref<512xi32, #tpu.memory_space<vmem>>) target_semaphore(%run_scoped3A : memref<!tpu.dma_semaphore, #tpu.memory_space<semaphore_mem>>)
        %dma_wait3A_771 = tpu.memref_slice %arg5[%multiple_of3A] : memref<32768xi32, #tpu.memory_space<hbm>> -> memref<512xi32, #tpu.memory_space<hbm>>
        %dma_wait3A_772 = tpu.memref_slice %arg5[%multiple_of3A] : memref<32768xi32, #tpu.memory_space<hbm>> -> memref<512xi32, #tpu.memory_space<hbm>>
        tpu.wait_dma2 semaphore(%run_scoped3A : memref<!tpu.dma_semaphore, #tpu.memory_space<semaphore_mem>>) src(%dma_wait3A_772 : memref<512xi32, #tpu.memory_space<hbm>>) dst(%arg18 : memref<512xi32, #tpu.memory_space<vmem>>)
        tpu.yield
      }) : () -> ()
      "tpu.region"() ({
        %run_scoped3A = tpu.sem_alloc : memref<!tpu.dma_semaphore, #tpu.memory_space<semaphore_mem>>
        %dma_start3A_769 = tpu.memref_slice %arg2[%multiple_of3A] : memref<32768xf32, #tpu.memory_space<hbm>> -> memref<512xf32, #tpu.memory_space<hbm>>
        %dma_start3A_770 = tpu.memref_slice %arg2[%multiple_of3A] : memref<32768xf32, #tpu.memory_space<hbm>> -> memref<512xf32, #tpu.memory_space<hbm>>
        tpu.enqueue_dma source(%dma_start3A_770 : memref<512xf32, #tpu.memory_space<hbm>>) target(%arg19 : memref<512xf32, #tpu.memory_space<vmem>>) target_semaphore(%run_scoped3A : memref<!tpu.dma_semaphore, #tpu.memory_space<semaphore_mem>>)
        %dma_wait3A_771 = tpu.memref_slice %arg2[%multiple_of3A] : memref<32768xf32, #tpu.memory_space<hbm>> -> memref<512xf32, #tpu.memory_space<hbm>>
        %dma_wait3A_772 = tpu.memref_slice %arg2[%multiple_of3A] : memref<32768xf32, #tpu.memory_space<hbm>> -> memref<512xf32, #tpu.memory_space<hbm>>
        tpu.wait_dma2 semaphore(%run_scoped3A : memref<!tpu.dma_semaphore, #tpu.memory_space<semaphore_mem>>) src(%dma_wait3A_772 : memref<512xf32, #tpu.memory_space<hbm>>) dst(%arg19 : memref<512xf32, #tpu.memory_space<vmem>>)
        tpu.yield
      }) : () -> ()
      %broadcast_in_dim3A = arith.constant 0 : i32
      "tpu.trace_stop"() : () -> ()
      %broadcast_in_dim3A_11 = vector.broadcast %broadcast_in_dim3A : i32 to vector<16xi32>
      %iota3A = tpu.iota {dimensions = array<i32: 0>} : vector<16xi32>
      "tpu.trace_start"() <{level = 10 : i32, message = "ph_zero"}> : () -> ()
      %scan3A = arith.constant 0 : i32
      %scan3A_12 = arith.constant 256 : i32
      %scan3A_13 = arith.addi %scan3A, %scan3A_12 : i32
      %scan3A_14 = arith.constant 1 : i32
      scf.for %scan3A_769 = %scan3A to %scan3A_13 step %scan3A_14  : i32 {
        %mul3A_770 = arith.constant 1 : i32
        %mul3A_771 = arith.muli %scan3A_769, %mul3A_770 : i32
        %add3A_772 = arith.constant 0 : i32
        %add3A_773 = arith.addi %add3A_772, %mul3A_771 : i32
        %mul3A_774 = arith.constant 16 : i32
        %mul3A_775 = arith.muli %add3A_773, %mul3A_774 : i32
        %swap3A_776 = arith.index_cast %mul3A_775 : i32 to index
        %swap3A_777 = tpu.vector_load %arg22[%swap3A_776] {strides = array<i32>} : memref<4096xi32, #tpu.memory_space<vmem>>, vector<16xi32>,
        tpu.vector_store %arg22[%swap3A_776], %broadcast_in_dim3A_11 {strides = array<i32>} : memref<4096xi32, #tpu.memory_space<vmem>>, vector<16xi32>,
      }
      %scan3A_15 = arith.constant 256 : i32
      "tpu.trace_stop"() : () -> ()
      "tpu.trace_start"() <{level = 10 : i32, message = "ph_hist"}> : () -> ()
      %scan3A_16 = arith.constant 0 : i32
      %scan3A_17 = arith.constant 32 : i32
      %scan3A_18 = arith.addi %scan3A_16, %scan3A_17 : i32
      %scan3A_19 = arith.constant 1 : i32
      scf.for %scan3A_769 = %scan3A_16 to %scan3A_18 step %scan3A_19  : i32 {
        %mul3A_770 = arith.constant 1 : i32
        %mul3A_771 = arith.muli %scan3A_769, %mul3A_770 : i32
        %add3A_772 = arith.constant 0 : i32
        %add3A_773 = arith.addi %add3A_772, %mul3A_771 : i32
        %mul3A_774 = arith.constant 32 : i32
        %mul3A_775 = vector.broadcast %mul3A_774 : i32 to vector<16xi32>
        %mul3A_776 = arith.muli %iota3A, %mul3A_775 : vector<16xi32>
        %add3A_777 = vector.broadcast %add3A_773 : i32 to vector<16xi32>
        %add3A_778 = arith.addi %mul3A_776, %add3A_777 : vector<16xi32>
        %gather3A_779 = tpu.vector_load_idx %arg17[%add3A_778] : memref<512xi32, #tpu.memory_space<vmem>>[vector<16xi32>], vector<16xi32>,
        %mul3A_780 = arith.constant 256 : i32
        %mul3A_781 = vector.broadcast %mul3A_780 : i32 to vector<16xi32>
        %mul3A_782 = arith.muli %iota3A, %mul3A_781 : vector<16xi32>
        %add3A_783 = arith.addi %mul3A_782, %gather3A_779 : vector<16xi32>
        %gather3A_784 = tpu.vector_load_idx %arg22[%add3A_783] : memref<4096xi32, #tpu.memory_space<vmem>>[vector<16xi32>], vector<16xi32>,
        tpu.vector_store_idx %arg20[%add3A_778], %gather3A_784 : memref<512xi32, #tpu.memory_space<vmem>>[vector<16xi32>], vector<16xi32>,
        %add3A_785 = arith.constant 1 : i32
        %add3A_786 = vector.broadcast %add3A_785 : i32 to vector<16xi32>
        %add3A_787 = arith.addi %gather3A_784, %add3A_786 : vector<16xi32>
        tpu.vector_store_idx %arg22[%add3A_783], %add3A_787 : memref<4096xi32, #tpu.memory_space<vmem>>[vector<16xi32>], vector<16xi32>,
      }
      %scan3A_20 = arith.constant 32 : i32
      "tpu.trace_stop"() : () -> ()
      "tpu.trace_start"() <{level = 10 : i32, message = "ph_lane_prefix"}> : () -> ()
      %scan3A_21 = arith.constant 0 : i32
      %scan3A_22 = arith.constant 16 : i32
      %scan3A_23 = arith.addi %scan3A_21, %scan3A_22 : i32
      %scan3A_24 = arith.constant 1 : i32
      scf.for %scan3A_769 = %scan3A_21 to %scan3A_23 step %scan3A_24  : i32 {
        %mul3A_770 = arith.constant 1 : i32
        %mul3A_771 = arith.muli %scan3A_769, %mul3A_770 : i32
        %add3A_772 = arith.constant 0 : i32
        %add3A_773 = arith.addi %add3A_772, %mul3A_771 : i32
        %mul3A_774 = arith.constant 16 : i32
        %mul3A_775 = arith.muli %add3A_773, %mul3A_774 : i32
        %add3A_776 = arith.constant 0 : i32
        %add3A_777 = arith.addi %add3A_776, %mul3A_775 : i32
        %get3A_778 = arith.index_cast %add3A_777 : i32 to index
        %get3A_779 = tpu.vector_load %arg22[%get3A_778] {strides = array<i32>} : memref<4096xi32, #tpu.memory_space<vmem>>, vector<16xi32>,
        %swap3A_780 = arith.index_cast %add3A_777 : i32 to index
        %swap3A_781 = tpu.vector_load %arg23[%swap3A_780] {strides = array<i32>} : memref<4096xi32, #tpu.memory_space<vmem>>, vector<16xi32>,
        tpu.vector_store %arg23[%swap3A_780], %broadcast_in_dim3A_11 {strides = array<i32>} : memref<4096xi32, #tpu.memory_space<vmem>>, vector<16xi32>,
        %add3A_782 = arith.addi %broadcast_in_dim3A_11, %get3A_779 : vector<16xi32>
        %mul3A_783 = arith.constant 16 : i32
        %mul3A_784 = arith.muli %add3A_773, %mul3A_783 : i32
        %add3A_785 = arith.constant 256 : i32
        %add3A_786 = arith.addi %add3A_785, %mul3A_784 : i32
        %get3A_787 = arith.index_cast %add3A_786 : i32 to index
        %get3A_788 = tpu.vector_load %arg22[%get3A_787] {strides = array<i32>} : memref<4096xi32, #tpu.memory_space<vmem>>, vector<16xi32>,
        %swap3A_789 = arith.index_cast %add3A_786 : i32 to index
        %swap3A_790 = tpu.vector_load %arg23[%swap3A_789] {strides = array<i32>} : memref<4096xi32, #tpu.memory_space<vmem>>, vector<16xi32>,
        tpu.vector_store %arg23[%swap3A_789], %add3A_782 {strides = array<i32>} : memref<4096xi32, #tpu.memory_space<vmem>>, vector<16xi32>,
        %add3A_791 = arith.addi %add3A_782, %get3A_788 : vector<16xi32>
        %mul3A_792 = arith.constant 16 : i32
        %mul3A_793 = arith.muli %add3A_773, %mul3A_792 : i32
        %add3A_794 = arith.constant 512 : i32
        %add3A_795 = arith.addi %add3A_794, %mul3A_793 : i32
        %get3A_796 = arith.index_cast %add3A_795 : i32 to index
        %get3A_797 = tpu.vector_load %arg22[%get3A_796] {strides = array<i32>} : memref<4096xi32, #tpu.memory_space<vmem>>, vector<16xi32>,
        %swap3A_798 = arith.index_cast %add3A_795 : i32 to index
        %swap3A_799 = tpu.vector_load %arg23[%swap3A_798] {strides = array<i32>} : memref<4096xi32, #tpu.memory_space<vmem>>, vector<16xi32>,
        tpu.vector_store %arg23[%swap3A_798], %add3A_791 {strides = array<i32>} : memref<4096xi32, #tpu.memory_space<vmem>>, vector<16xi32>,
        %add3A_800 = arith.addi %add3A_791, %get3A_797 : vector<16xi32>
        %mul3A_801 = arith.constant 16 : i32
        %mul3A_802 = arith.muli %add3A_773, %mul3A_801 : i32
        %add3A_803 = arith.constant 768 : i32
        %add3A_804 = arith.addi %add3A_803, %mul3A_802 : i32
        %get3A_805 = arith.index_cast %add3A_804 : i32 to index
        %get3A_806 = tpu.vector_load %arg22[%get3A_805] {strides = array<i32>} : memref<4096xi32, #tpu.memory_space<vmem>>, vector<16xi32>,
        %swap3A_807 = arith.index_cast %add3A_804 : i32 to index
        %swap3A_808 = tpu.vector_load %arg23[%swap3A_807] {strides = array<i32>} : memref<4096xi32, #tpu.memory_space<vmem>>, vector<16xi32>,
        tpu.vector_store %arg23[%swap3A_807], %add3A_800 {strides = array<i32>} : memref<4096xi32, #tpu.memory_space<vmem>>, vector<16xi32>,
        %add3A_809 = arith.addi %add3A_800, %get3A_806 : vector<16xi32>
        %mul3A_810 = arith.constant 16 : i32
        %mul3A_811 = arith.muli %add3A_773, %mul3A_810 : i32
        %add3A_812 = arith.constant 1024 : i32
        %add3A_813 = arith.addi %add3A_812, %mul3A_811 : i32
        %get3A_814 = arith.index_cast %add3A_813 : i32 to index
        %get3A_815 = tpu.vector_load %arg22[%get3A_814] {strides = array<i32>} : memref<4096xi32, #tpu.memory_space<vmem>>, vector<16xi32>,
        %swap3A_816 = arith.index_cast %add3A_813 : i32 to index
        %swap3A_817 = tpu.vector_load %arg23[%swap3A_816] {strides = array<i32>} : memref<4096xi32, #tpu.memory_space<vmem>>, vector<16xi32>,
        tpu.vector_store %arg23[%swap3A_816], %add3A_809 {strides = array<i32>} : memref<4096xi32, #tpu.memory_space<vmem>>, vector<16xi32>,
        %add3A_818 = arith.addi %add3A_809, %get3A_815 : vector<16xi32>
        %mul3A_819 = arith.constant 16 : i32
        %mul3A_820 = arith.muli %add3A_773, %mul3A_819 : i32
        %add3A_821 = arith.constant 1280 : i32
        %add3A_822 = arith.addi %add3A_821, %mul3A_820 : i32
        %get3A_823 = arith.index_cast %add3A_822 : i32 to index
        %get3A_824 = tpu.vector_load %arg22[%get3A_823] {strides = array<i32>} : memref<4096xi32, #tpu.memory_space<vmem>>, vector<16xi32>,
        %swap3A_825 = arith.index_cast %add3A_822 : i32 to index
        %swap3A_826 = tpu.vector_load %arg23[%swap3A_825] {strides = array<i32>} : memref<4096xi32, #tpu.memory_space<vmem>>, vector<16xi32>,
        tpu.vector_store %arg23[%swap3A_825], %add3A_818 {strides = array<i32>} : memref<4096xi32, #tpu.memory_space<vmem>>, vector<16xi32>,
        %add3A_827 = arith.addi %add3A_818, %get3A_824 : vector<16xi32>
        %mul3A_828 = arith.constant 16 : i32
        %mul3A_829 = arith.muli %add3A_773, %mul3A_828 : i32
        %add3A_830 = arith.constant 1536 : i32
        %add3A_831 = arith.addi %add3A_830, %mul3A_829 : i32
        %get3A_832 = arith.index_cast %add3A_831 : i32 to index
        %get3A_833 = tpu.vector_load %arg22[%get3A_832] {strides = array<i32>} : memref<4096xi32, #tpu.memory_space<vmem>>, vector<16xi32>,
        %swap3A_834 = arith.index_cast %add3A_831 : i32 to index
        %swap3A_835 = tpu.vector_load %arg23[%swap3A_834] {strides = array<i32>} : memref<4096xi32, #tpu.memory_space<vmem>>, vector<16xi32>,
        tpu.vector_store %arg23[%swap3A_834], %add3A_827 {strides = array<i32>} : memref<4096xi32, #tpu.memory_space<vmem>>, vector<16xi32>,
        %add3A_836 = arith.addi %add3A_827, %get3A_833 : vector<16xi32>
        %mul3A_837 = arith.constant 16 : i32
        %mul3A_838 = arith.muli %add3A_773, %mul3A_837 : i32
        %add3A_839 = arith.constant 1792 : i32
        %add3A_840 = arith.addi %add3A_839, %mul3A_838 : i32
        %get3A_841 = arith.index_cast %add3A_840 : i32 to index
        %get3A_842 = tpu.vector_load %arg22[%get3A_841] {strides = array<i32>} : memref<4096xi32, #tpu.memory_space<vmem>>, vector<16xi32>,
        %swap3A_843 = arith.index_cast %add3A_840 : i32 to index
        %swap3A_844 = tpu.vector_load %arg23[%swap3A_843] {strides = array<i32>} : memref<4096xi32, #tpu.memory_space<vmem>>, vector<16xi32>,
        tpu.vector_store %arg23[%swap3A_843], %add3A_836 {strides = array<i32>} : memref<4096xi32, #tpu.memory_space<vmem>>, vector<16xi32>,
        %add3A_845 = arith.addi %add3A_836, %get3A_842 : vector<16xi32>
        %mul3A_846 = arith.constant 16 : i32
        %mul3A_847 = arith.muli %add3A_773, %mul3A_846 : i32
        %add3A_848 = arith.constant 2048 : i32
        %add3A_849 = arith.addi %add3A_848, %mul3A_847 : i32
        %get3A_850 = arith.index_cast %add3A_849 : i32 to index
        %get3A_851 = tpu.vector_load %arg22[%get3A_850] {strides = array<i32>} : memref<4096xi32, #tpu.memory_space<vmem>>, vector<16xi32>,
        %swap3A_852 = arith.index_cast %add3A_849 : i32 to index
        %swap3A_853 = tpu.vector_load %arg23[%swap3A_852] {strides = array<i32>} : memref<4096xi32, #tpu.memory_space<vmem>>, vector<16xi32>,
        tpu.vector_store %arg23[%swap3A_852], %add3A_845 {strides = array<i32>} : memref<4096xi32, #tpu.memory_space<vmem>>, vector<16xi32>,
        %add3A_854 = arith.addi %add3A_845, %get3A_851 : vector<16xi32>
        %mul3A_855 = arith.constant 16 : i32
        %mul3A_856 = arith.muli %add3A_773, %mul3A_855 : i32
        %add3A_857 = arith.constant 2304 : i32
        %add3A_858 = arith.addi %add3A_857, %mul3A_856 : i32
        %get3A_859 = arith.index_cast %add3A_858 : i32 to index
        %get3A_860 = tpu.vector_load %arg22[%get3A_859] {strides = array<i32>} : memref<4096xi32, #tpu.memory_space<vmem>>, vector<16xi32>,
        %swap3A_861 = arith.index_cast %add3A_858 : i32 to index
        %swap3A_862 = tpu.vector_load %arg23[%swap3A_861] {strides = array<i32>} : memref<4096xi32, #tpu.memory_space<vmem>>, vector<16xi32>,
        tpu.vector_store %arg23[%swap3A_861], %add3A_854 {strides = array<i32>} : memref<4096xi32, #tpu.memory_space<vmem>>, vector<16xi32>,
        %add3A_863 = arith.addi %add3A_854, %get3A_860 : vector<16xi32>
        %mul3A_864 = arith.constant 16 : i32
        %mul3A_865 = arith.muli %add3A_773, %mul3A_864 : i32
        %add3A_866 = arith.constant 2560 : i32
        %add3A_867 = arith.addi %add3A_866, %mul3A_865 : i32
        %get3A_868 = arith.index_cast %add3A_867 : i32 to index
        %get3A_869 = tpu.vector_load %arg22[%get3A_868] {strides = array<i32>} : memref<4096xi32, #tpu.memory_space<vmem>>, vector<16xi32>,
        %swap3A_870 = arith.index_cast %add3A_867 : i32 to index
        %swap3A_871 = tpu.vector_load %arg23[%swap3A_870] {strides = array<i32>} : memref<4096xi32, #tpu.memory_space<vmem>>, vector<16xi32>,
        tpu.vector_store %arg23[%swap3A_870], %add3A_863 {strides = array<i32>} : memref<4096xi32, #tpu.memory_space<vmem>>, vector<16xi32>,
        %add3A_872 = arith.addi %add3A_863, %get3A_869 : vector<16xi32>
        %mul3A_873 = arith.constant 16 : i32
        %mul3A_874 = arith.muli %add3A_773, %mul3A_873 : i32
        %add3A_875 = arith.constant 2816 : i32
        %add3A_876 = arith.addi %add3A_875, %mul3A_874 : i32
        %get3A_877 = arith.index_cast %add3A_876 : i32 to index
        %get3A_878 = tpu.vector_load %arg22[%get3A_877] {strides = array<i32>} : memref<4096xi32, #tpu.memory_space<vmem>>, vector<16xi32>,
        %swap3A_879 = arith.index_cast %add3A_876 : i32 to index
        %swap3A_880 = tpu.vector_load %arg23[%swap3A_879] {strides = array<i32>} : memref<4096xi32, #tpu.memory_space<vmem>>, vector<16xi32>,
        tpu.vector_store %arg23[%swap3A_879], %add3A_872 {strides = array<i32>} : memref<4096xi32, #tpu.memory_space<vmem>>, vector<16xi32>,
        %add3A_881 = arith.addi %add3A_872, %get3A_878 : vector<16xi32>
        %mul3A_882 = arith.constant 16 : i32
        %mul3A_883 = arith.muli %add3A_773, %mul3A_882 : i32
        %add3A_884 = arith.constant 3072 : i32
        %add3A_885 = arith.addi %add3A_884, %mul3A_883 : i32
        %get3A_886 = arith.index_cast %add3A_885 : i32 to index
        %get3A_887 = tpu.vector_load %arg22[%get3A_886] {strides = array<i32>} : memref<4096xi32, #tpu.memory_space<vmem>>, vector<16xi32>,
        %swap3A_888 = arith.index_cast %add3A_885 : i32 to index
        %swap3A_889 = tpu.vector_load %arg23[%swap3A_888] {strides = array<i32>} : memref<4096xi32, #tpu.memory_space<vmem>>, vector<16xi32>,
        tpu.vector_store %arg23[%swap3A_888], %add3A_881 {strides = array<i32>} : memref<4096xi32, #tpu.memory_space<vmem>>, vector<16xi32>,
        %add3A_890 = arith.addi %add3A_881, %get3A_887 : vector<16xi32>
        %mul3A_891 = arith.constant 16 : i32
        %mul3A_892 = arith.muli %add3A_773, %mul3A_891 : i32
        %add3A_893 = arith.constant 3328 : i32
        %add3A_894 = arith.addi %add3A_893, %mul3A_892 : i32
        %get3A_895 = arith.index_cast %add3A_894 : i32 to index
        %get3A_896 = tpu.vector_load %arg22[%get3A_895] {strides = array<i32>} : memref<4096xi32, #tpu.memory_space<vmem>>, vector<16xi32>,
        %swap3A_897 = arith.index_cast %add3A_894 : i32 to index
        %swap3A_898 = tpu.vector_load %arg23[%swap3A_897] {strides = array<i32>} : memref<4096xi32, #tpu.memory_space<vmem>>, vector<16xi32>,
        tpu.vector_store %arg23[%swap3A_897], %add3A_890 {strides = array<i32>} : memref<4096xi32, #tpu.memory_space<vmem>>, vector<16xi32>,
        %add3A_899 = arith.addi %add3A_890, %get3A_896 : vector<16xi32>
        %mul3A_900 = arith.constant 16 : i32
        %mul3A_901 = arith.muli %add3A_773, %mul3A_900 : i32
        %add3A_902 = arith.constant 3584 : i32
        %add3A_903 = arith.addi %add3A_902, %mul3A_901 : i32
        %get3A_904 = arith.index_cast %add3A_903 : i32 to index
        %get3A_905 = tpu.vector_load %arg22[%get3A_904] {strides = array<i32>} : memref<4096xi32, #tpu.memory_space<vmem>>, vector<16xi32>,
        %swap3A_906 = arith.index_cast %add3A_903 : i32 to index
        %swap3A_907 = tpu.vector_load %arg23[%swap3A_906] {strides = array<i32>} : memref<4096xi32, #tpu.memory_space<vmem>>, vector<16xi32>,
        tpu.vector_store %arg23[%swap3A_906], %add3A_899 {strides = array<i32>} : memref<4096xi32, #tpu.memory_space<vmem>>, vector<16xi32>,
        %add3A_908 = arith.addi %add3A_899, %get3A_905 : vector<16xi32>
        %mul3A_909 = arith.constant 16 : i32
        %mul3A_910 = arith.muli %add3A_773, %mul3A_909 : i32
        %add3A_911 = arith.constant 3840 : i32
        %add3A_912 = arith.addi %add3A_911, %mul3A_910 : i32
        %get3A_913 = arith.index_cast %add3A_912 : i32 to index
        %get3A_914 = tpu.vector_load %arg22[%get3A_913] {strides = array<i32>} : memref<4096xi32, #tpu.memory_space<vmem>>, vector<16xi32>,
        %swap3A_915 = arith.index_cast %add3A_912 : i32 to index
        %swap3A_916 = tpu.vector_load %arg23[%swap3A_915] {strides = array<i32>} : memref<4096xi32, #tpu.memory_space<vmem>>, vector<16xi32>,
        tpu.vector_store %arg23[%swap3A_915], %add3A_908 {strides = array<i32>} : memref<4096xi32, #tpu.memory_space<vmem>>, vector<16xi32>,
        %add3A_917 = arith.addi %add3A_908, %get3A_914 : vector<16xi32>
        %mul3A_918 = arith.constant 16 : i32
        %mul3A_919 = arith.muli %add3A_773, %mul3A_918 : i32
        %swap3A_920 = arith.index_cast %mul3A_919 : i32 to index
        %swap3A_921 = tpu.vector_load %arg24[%swap3A_920] {strides = array<i32>} : memref<256xi32, #tpu.memory_space<vmem>>, vector<16xi32>,
        tpu.vector_store %arg24[%swap3A_920], %add3A_917 {strides = array<i32>} : memref<256xi32, #tpu.memory_space<vmem>>, vector<16xi32>,
      }
      %scan3A_25 = arith.constant 16 : i32
      "tpu.trace_stop"() : () -> ()
      "tpu.trace_start"() <{level = 10 : i32, message = "ph_exchange"}> : () -> ()
      "tpu.region"() ({
        %run_scoped3A = tpu.sem_alloc : memref<!tpu.dma_semaphore, #tpu.memory_space<semaphore_mem>>
        %dma_start3A_769 = arith.constant 0 : i32
        %dma_start3A_770 = tpu.memref_slice %arg33[%arg1, %dma_start3A_769] : memref<16x256xi32, #tpu.memory_space<vmem_shared>> -> memref<1x256xi32, #tpu.memory_space<vmem_shared>>
        %dma_start3A_771 = tpu.memref_squeeze %dma_start3A_770 : memref<1x256xi32, #tpu.memory_space<vmem_shared>> -> memref<256xi32, #tpu.memory_space<vmem_shared>>
        %dma_start3A_772 = arith.constant 0 : i32
        %dma_start3A_773 = tpu.memref_slice %arg33[%arg1, %dma_start3A_772] : memref<16x256xi32, #tpu.memory_space<vmem_shared>> -> memref<1x256xi32, #tpu.memory_space<vmem_shared>>
        %dma_start3A_774 = tpu.memref_squeeze %dma_start3A_773 : memref<1x256xi32, #tpu.memory_space<vmem_shared>> -> memref<256xi32, #tpu.memory_space<vmem_shared>>
        tpu.enqueue_dma source(%arg24 : memref<256xi32, #tpu.memory_space<vmem>>) target(%dma_start3A_774 : memref<256xi32, #tpu.memory_space<vmem_shared>>) target_semaphore(%run_scoped3A : memref<!tpu.dma_semaphore, #tpu.memory_space<semaphore_mem>>)
        %dma_wait3A_775 = arith.constant 0 : i32
        %dma_wait3A_776 = tpu.memref_slice %arg33[%arg1, %dma_wait3A_775] : memref<16x256xi32, #tpu.memory_space<vmem_shared>> -> memref<1x256xi32, #tpu.memory_space<vmem_shared>>
        %dma_wait3A_777 = tpu.memref_squeeze %dma_wait3A_776 : memref<1x256xi32, #tpu.memory_space<vmem_shared>> -> memref<256xi32, #tpu.memory_space<vmem_shared>>
        %dma_wait3A_778 = arith.constant 0 : i32
        %dma_wait3A_779 = tpu.memref_slice %arg33[%arg1, %dma_wait3A_778] : memref<16x256xi32, #tpu.memory_space<vmem_shared>> -> memref<1x256xi32, #tpu.memory_space<vmem_shared>>
        %dma_wait3A_780 = tpu.memref_squeeze %dma_wait3A_779 : memref<1x256xi32, #tpu.memory_space<vmem_shared>> -> memref<256xi32, #tpu.memory_space<vmem_shared>>
        tpu.wait_dma2 semaphore(%run_scoped3A : memref<!tpu.dma_semaphore, #tpu.memory_space<semaphore_mem>>) src(%arg24 : memref<256xi32, #tpu.memory_space<vmem>>) dst(%dma_wait3A_780 : memref<256xi32, #tpu.memory_space<vmem_shared>>)
        tpu.yield
      }) : () -> ()
      %barrier3A = arith.constant 0 : index
      tpu.barrier barrier_id(%barrier3A)
      "tpu.region"() ({
        %run_scoped3A = tpu.sem_alloc : memref<!tpu.dma_semaphore, #tpu.memory_space<semaphore_mem>>
        tpu.enqueue_dma source(%arg33 : memref<16x256xi32, #tpu.memory_space<vmem_shared>>) target(%arg25 : memref<16x256xi32, #tpu.memory_space<vmem>>) target_semaphore(%run_scoped3A : memref<!tpu.dma_semaphore, #tpu.memory_space<semaphore_mem>>)
        tpu.wait_dma2 semaphore(%run_scoped3A : memref<!tpu.dma_semaphore, #tpu.memory_space<semaphore_mem>>) src(%arg33 : memref<16x256xi32, #tpu.memory_space<vmem_shared>>) dst(%arg25 : memref<16x256xi32, #tpu.memory_space<vmem>>)
        tpu.yield
      }) : () -> ()
      "tpu.trace_stop"() : () -> ()
      "tpu.trace_start"() <{level = 10 : i32, message = "ph_offsets"}> : () -> ()
      %scan3A_26 = arith.constant 0 : i32
      %scan3A_27 = arith.constant 0 : i32
      %scan3A_28 = arith.constant 16 : i32
      %scan3A_29 = arith.addi %scan3A_27, %scan3A_28 : i32
      %scan3A_30 = arith.constant 1 : i32
      %scan3A_31 = scf.for %scan3A_769 = %scan3A_27 to %scan3A_29 step %scan3A_30 iter_args(%scan3A_770 = %scan3A_26) -> (i32)  : i32 {
        %mul3A_771 = arith.constant 1 : i32
        %mul3A_772 = arith.muli %scan3A_769, %mul3A_771 : i32
        %add3A_773 = arith.constant 0 : i32
        %add3A_774 = arith.addi %add3A_773, %mul3A_772 : i32
        %mul3A_775 = arith.constant 16 : i32
        %mul3A_776 = arith.muli %add3A_774, %mul3A_775 : i32
        %broadcast_in_dim3A_777 = arith.constant 0 : i32
        %broadcast_in_dim3A_778 = vector.broadcast %broadcast_in_dim3A_777 : i32 to vector<16xi32>
        %broadcast_in_dim3A_779 = arith.constant 0 : i32
        %broadcast_in_dim3A_780 = vector.broadcast %broadcast_in_dim3A_779 : i32 to vector<16xi32>
        %get3A_781 = arith.constant 0 : i32
        %get3A_782 = arith.index_cast %get3A_781 : i32 to index
        %get3A_783 = arith.index_cast %mul3A_776 : i32 to index
        %get3A_784 = tpu.vector_load %arg25[%get3A_782, %get3A_783] {strides = array<i32>} : memref<16x256xi32, #tpu.memory_space<vmem>>, vector<16xi32>,
        %add3A_785 = arith.addi %broadcast_in_dim3A_778, %get3A_784 : vector<16xi32>
        %lt3A = arith.constant 0 : i32
        %lt3A_786 = arith.cmpi slt, %lt3A, %arg1 : i32
        %convert_element_type3A_787 = arith.extui %lt3A_786 : i1 to i32
        %mul3A_788 = vector.broadcast %convert_element_type3A_787 : i32 to vector<16xi32>
        %mul3A_789 = arith.muli %get3A_784, %mul3A_788 : vector<16xi32>
        %add3A_790 = arith.addi %broadcast_in_dim3A_780, %mul3A_789 : vector<16xi32>
        %get3A_791 = arith.constant 1 : i32
        %get3A_792 = arith.index_cast %get3A_791 : i32 to index
        %get3A_793 = arith.index_cast %mul3A_776 : i32 to index
        %get3A_794 = tpu.vector_load %arg25[%get3A_792, %get3A_793] {strides = array<i32>} : memref<16x256xi32, #tpu.memory_space<vmem>>, vector<16xi32>,
        %add3A_795 = arith.addi %add3A_785, %get3A_794 : vector<16xi32>
        %lt3A_796 = arith.constant 1 : i32
        %lt3A_797 = arith.cmpi slt, %lt3A_796, %arg1 : i32
        %convert_element_type3A_798 = arith.extui %lt3A_797 : i1 to i32
        %mul3A_799 = vector.broadcast %convert_element_type3A_798 : i32 to vector<16xi32>
        %mul3A_800 = arith.muli %get3A_794, %mul3A_799 : vector<16xi32>
        %add3A_801 = arith.addi %add3A_790, %mul3A_800 : vector<16xi32>
        %get3A_802 = arith.constant 2 : i32
        %get3A_803 = arith.index_cast %get3A_802 : i32 to index
        %get3A_804 = arith.index_cast %mul3A_776 : i32 to index
        %get3A_805 = tpu.vector_load %arg25[%get3A_803, %get3A_804] {strides = array<i32>} : memref<16x256xi32, #tpu.memory_space<vmem>>, vector<16xi32>,
        %add3A_806 = arith.addi %add3A_795, %get3A_805 : vector<16xi32>
        %lt3A_807 = arith.constant 2 : i32
        %lt3A_808 = arith.cmpi slt, %lt3A_807, %arg1 : i32
        %convert_element_type3A_809 = arith.extui %lt3A_808 : i1 to i32
        %mul3A_810 = vector.broadcast %convert_element_type3A_809 : i32 to vector<16xi32>
        %mul3A_811 = arith.muli %get3A_805, %mul3A_810 : vector<16xi32>
        %add3A_812 = arith.addi %add3A_801, %mul3A_811 : vector<16xi32>
        %get3A_813 = arith.constant 3 : i32
        %get3A_814 = arith.index_cast %get3A_813 : i32 to index
        %get3A_815 = arith.index_cast %mul3A_776 : i32 to index
        %get3A_816 = tpu.vector_load %arg25[%get3A_814, %get3A_815] {strides = array<i32>} : memref<16x256xi32, #tpu.memory_space<vmem>>, vector<16xi32>,
        %add3A_817 = arith.addi %add3A_806, %get3A_816 : vector<16xi32>
        %lt3A_818 = arith.constant 3 : i32
        %lt3A_819 = arith.cmpi slt, %lt3A_818, %arg1 : i32
        %convert_element_type3A_820 = arith.extui %lt3A_819 : i1 to i32
        %mul3A_821 = vector.broadcast %convert_element_type3A_820 : i32 to vector<16xi32>
        %mul3A_822 = arith.muli %get3A_816, %mul3A_821 : vector<16xi32>
        %add3A_823 = arith.addi %add3A_812, %mul3A_822 : vector<16xi32>
        %get3A_824 = arith.constant 4 : i32
        %get3A_825 = arith.index_cast %get3A_824 : i32 to index
        %get3A_826 = arith.index_cast %mul3A_776 : i32 to index
        %get3A_827 = tpu.vector_load %arg25[%get3A_825, %get3A_826] {strides = array<i32>} : memref<16x256xi32, #tpu.memory_space<vmem>>, vector<16xi32>,
        %add3A_828 = arith.addi %add3A_817, %get3A_827 : vector<16xi32>
        %lt3A_829 = arith.constant 4 : i32
        %lt3A_830 = arith.cmpi slt, %lt3A_829, %arg1 : i32
        %convert_element_type3A_831 = arith.extui %lt3A_830 : i1 to i32
        %mul3A_832 = vector.broadcast %convert_element_type3A_831 : i32 to vector<16xi32>
        %mul3A_833 = arith.muli %get3A_827, %mul3A_832 : vector<16xi32>
        %add3A_834 = arith.addi %add3A_823, %mul3A_833 : vector<16xi32>
        %get3A_835 = arith.constant 5 : i32
        %get3A_836 = arith.index_cast %get3A_835 : i32 to index
        %get3A_837 = arith.index_cast %mul3A_776 : i32 to index
        %get3A_838 = tpu.vector_load %arg25[%get3A_836, %get3A_837] {strides = array<i32>} : memref<16x256xi32, #tpu.memory_space<vmem>>, vector<16xi32>,
        %add3A_839 = arith.addi %add3A_828, %get3A_838 : vector<16xi32>
        %lt3A_840 = arith.constant 5 : i32
        %lt3A_841 = arith.cmpi slt, %lt3A_840, %arg1 : i32
        %convert_element_type3A_842 = arith.extui %lt3A_841 : i1 to i32
        %mul3A_843 = vector.broadcast %convert_element_type3A_842 : i32 to vector<16xi32>
        %mul3A_844 = arith.muli %get3A_838, %mul3A_843 : vector<16xi32>
        %add3A_845 = arith.addi %add3A_834, %mul3A_844 : vector<16xi32>
        %get3A_846 = arith.constant 6 : i32
        %get3A_847 = arith.index_cast %get3A_846 : i32 to index
        %get3A_848 = arith.index_cast %mul3A_776 : i32 to index
        %get3A_849 = tpu.vector_load %arg25[%get3A_847, %get3A_848] {strides = array<i32>} : memref<16x256xi32, #tpu.memory_space<vmem>>, vector<16xi32>,
        %add3A_850 = arith.addi %add3A_839, %get3A_849 : vector<16xi32>
        %lt3A_851 = arith.constant 6 : i32
        %lt3A_852 = arith.cmpi slt, %lt3A_851, %arg1 : i32
        %convert_element_type3A_853 = arith.extui %lt3A_852 : i1 to i32
        %mul3A_854 = vector.broadcast %convert_element_type3A_853 : i32 to vector<16xi32>
        %mul3A_855 = arith.muli %get3A_849, %mul3A_854 : vector<16xi32>
        %add3A_856 = arith.addi %add3A_845, %mul3A_855 : vector<16xi32>
        %get3A_857 = arith.constant 7 : i32
        %get3A_858 = arith.index_cast %get3A_857 : i32 to index
        %get3A_859 = arith.index_cast %mul3A_776 : i32 to index
        %get3A_860 = tpu.vector_load %arg25[%get3A_858, %get3A_859] {strides = array<i32>} : memref<16x256xi32, #tpu.memory_space<vmem>>, vector<16xi32>,
        %add3A_861 = arith.addi %add3A_850, %get3A_860 : vector<16xi32>
        %lt3A_862 = arith.constant 7 : i32
        %lt3A_863 = arith.cmpi slt, %lt3A_862, %arg1 : i32
        %convert_element_type3A_864 = arith.extui %lt3A_863 : i1 to i32
        %mul3A_865 = vector.broadcast %convert_element_type3A_864 : i32 to vector<16xi32>
        %mul3A_866 = arith.muli %get3A_860, %mul3A_865 : vector<16xi32>
        %add3A_867 = arith.addi %add3A_856, %mul3A_866 : vector<16xi32>
        %get3A_868 = arith.constant 8 : i32
        %get3A_869 = arith.index_cast %get3A_868 : i32 to index
        %get3A_870 = arith.index_cast %mul3A_776 : i32 to index
        %get3A_871 = tpu.vector_load %arg25[%get3A_869, %get3A_870] {strides = array<i32>} : memref<16x256xi32, #tpu.memory_space<vmem>>, vector<16xi32>,
        %add3A_872 = arith.addi %add3A_861, %get3A_871 : vector<16xi32>
        %lt3A_873 = arith.constant 8 : i32
        %lt3A_874 = arith.cmpi slt, %lt3A_873, %arg1 : i32
        %convert_element_type3A_875 = arith.extui %lt3A_874 : i1 to i32
        %mul3A_876 = vector.broadcast %convert_element_type3A_875 : i32 to vector<16xi32>
        %mul3A_877 = arith.muli %get3A_871, %mul3A_876 : vector<16xi32>
        %add3A_878 = arith.addi %add3A_867, %mul3A_877 : vector<16xi32>
        %get3A_879 = arith.constant 9 : i32
        %get3A_880 = arith.index_cast %get3A_879 : i32 to index
        %get3A_881 = arith.index_cast %mul3A_776 : i32 to index
        %get3A_882 = tpu.vector_load %arg25[%get3A_880, %get3A_881] {strides = array<i32>} : memref<16x256xi32, #tpu.memory_space<vmem>>, vector<16xi32>,
        %add3A_883 = arith.addi %add3A_872, %get3A_882 : vector<16xi32>
        %lt3A_884 = arith.constant 9 : i32
        %lt3A_885 = arith.cmpi slt, %lt3A_884, %arg1 : i32
        %convert_element_type3A_886 = arith.extui %lt3A_885 : i1 to i32
        %mul3A_887 = vector.broadcast %convert_element_type3A_886 : i32 to vector<16xi32>
        %mul3A_888 = arith.muli %get3A_882, %mul3A_887 : vector<16xi32>
        %add3A_889 = arith.addi %add3A_878, %mul3A_888 : vector<16xi32>
        %get3A_890 = arith.constant 10 : i32
        %get3A_891 = arith.index_cast %get3A_890 : i32 to index
        %get3A_892 = arith.index_cast %mul3A_776 : i32 to index
        %get3A_893 = tpu.vector_load %arg25[%get3A_891, %get3A_892] {strides = array<i32>} : memref<16x256xi32, #tpu.memory_space<vmem>>, vector<16xi32>,
        %add3A_894 = arith.addi %add3A_883, %get3A_893 : vector<16xi32>
        %lt3A_895 = arith.constant 10 : i32
        %lt3A_896 = arith.cmpi slt, %lt3A_895, %arg1 : i32
        %convert_element_type3A_897 = arith.extui %lt3A_896 : i1 to i32
        %mul3A_898 = vector.broadcast %convert_element_type3A_897 : i32 to vector<16xi32>
        %mul3A_899 = arith.muli %get3A_893, %mul3A_898 : vector<16xi32>
        %add3A_900 = arith.addi %add3A_889, %mul3A_899 : vector<16xi32>
        %get3A_901 = arith.constant 11 : i32
        %get3A_902 = arith.index_cast %get3A_901 : i32 to index
        %get3A_903 = arith.index_cast %mul3A_776 : i32 to index
        %get3A_904 = tpu.vector_load %arg25[%get3A_902, %get3A_903] {strides = array<i32>} : memref<16x256xi32, #tpu.memory_space<vmem>>, vector<16xi32>,
        %add3A_905 = arith.addi %add3A_894, %get3A_904 : vector<16xi32>
        %lt3A_906 = arith.constant 11 : i32
        %lt3A_907 = arith.cmpi slt, %lt3A_906, %arg1 : i32
        %convert_element_type3A_908 = arith.extui %lt3A_907 : i1 to i32
        %mul3A_909 = vector.broadcast %convert_element_type3A_908 : i32 to vector<16xi32>
        %mul3A_910 = arith.muli %get3A_904, %mul3A_909 : vector<16xi32>
        %add3A_911 = arith.addi %add3A_900, %mul3A_910 : vector<16xi32>
        %get3A_912 = arith.constant 12 : i32
        %get3A_913 = arith.index_cast %get3A_912 : i32 to index
        %get3A_914 = arith.index_cast %mul3A_776 : i32 to index
        %get3A_915 = tpu.vector_load %arg25[%get3A_913, %get3A_914] {strides = array<i32>} : memref<16x256xi32, #tpu.memory_space<vmem>>, vector<16xi32>,
        %add3A_916 = arith.addi %add3A_905, %get3A_915 : vector<16xi32>
        %lt3A_917 = arith.constant 12 : i32
        %lt3A_918 = arith.cmpi slt, %lt3A_917, %arg1 : i32
        %convert_element_type3A_919 = arith.extui %lt3A_918 : i1 to i32
        %mul3A_920 = vector.broadcast %convert_element_type3A_919 : i32 to vector<16xi32>
        %mul3A_921 = arith.muli %get3A_915, %mul3A_920 : vector<16xi32>
        %add3A_922 = arith.addi %add3A_911, %mul3A_921 : vector<16xi32>
        %get3A_923 = arith.constant 13 : i32
        %get3A_924 = arith.index_cast %get3A_923 : i32 to index
        %get3A_925 = arith.index_cast %mul3A_776 : i32 to index
        %get3A_926 = tpu.vector_load %arg25[%get3A_924, %get3A_925] {strides = array<i32>} : memref<16x256xi32, #tpu.memory_space<vmem>>, vector<16xi32>,
        %add3A_927 = arith.addi %add3A_916, %get3A_926 : vector<16xi32>
        %lt3A_928 = arith.constant 13 : i32
        %lt3A_929 = arith.cmpi slt, %lt3A_928, %arg1 : i32
        %convert_element_type3A_930 = arith.extui %lt3A_929 : i1 to i32
        %mul3A_931 = vector.broadcast %convert_element_type3A_930 : i32 to vector<16xi32>
        %mul3A_932 = arith.muli %get3A_926, %mul3A_931 : vector<16xi32>
        %add3A_933 = arith.addi %add3A_922, %mul3A_932 : vector<16xi32>
        %get3A_934 = arith.constant 14 : i32
        %get3A_935 = arith.index_cast %get3A_934 : i32 to index
        %get3A_936 = arith.index_cast %mul3A_776 : i32 to index
        %get3A_937 = tpu.vector_load %arg25[%get3A_935, %get3A_936] {strides = array<i32>} : memref<16x256xi32, #tpu.memory_space<vmem>>, vector<16xi32>,
        %add3A_938 = arith.addi %add3A_927, %get3A_937 : vector<16xi32>
        %lt3A_939 = arith.constant 14 : i32
        %lt3A_940 = arith.cmpi slt, %lt3A_939, %arg1 : i32
        %convert_element_type3A_941 = arith.extui %lt3A_940 : i1 to i32
        %mul3A_942 = vector.broadcast %convert_element_type3A_941 : i32 to vector<16xi32>
        %mul3A_943 = arith.muli %get3A_937, %mul3A_942 : vector<16xi32>
        %add3A_944 = arith.addi %add3A_933, %mul3A_943 : vector<16xi32>
        %get3A_945 = arith.constant 15 : i32
        %get3A_946 = arith.index_cast %get3A_945 : i32 to index
        %get3A_947 = arith.index_cast %mul3A_776 : i32 to index
        %get3A_948 = tpu.vector_load %arg25[%get3A_946, %get3A_947] {strides = array<i32>} : memref<16x256xi32, #tpu.memory_space<vmem>>, vector<16xi32>,
        %add3A_949 = arith.addi %add3A_938, %get3A_948 : vector<16xi32>
        %lt3A_950 = arith.constant 15 : i32
        %lt3A_951 = arith.cmpi slt, %lt3A_950, %arg1 : i32
        %convert_element_type3A_952 = arith.extui %lt3A_951 : i1 to i32
        %mul3A_953 = vector.broadcast %convert_element_type3A_952 : i32 to vector<16xi32>
        %mul3A_954 = arith.muli %get3A_948, %mul3A_953 : vector<16xi32>
        %add3A_955 = arith.addi %add3A_944, %mul3A_954 : vector<16xi32>
        %broadcast_in_dim3A_956 = arith.constant true
        %broadcast_in_dim3A_957 = vector.broadcast %broadcast_in_dim3A_956 : i1 to vector<16xi1>
        %masked_cumsum3A = tpu.scan <sum>, %add3A_949 masked %broadcast_in_dim3A_957 : vector<16xi32>, vector<16xi1> -> vector<16xi32>
        %sub3A = arith.subi %masked_cumsum3A, %add3A_949 : vector<16xi32>
        %add3A_958 = vector.broadcast %scan3A_770 : i32 to vector<16xi32>
        %add3A_959 = arith.addi %sub3A, %add3A_958 : vector<16xi32>
        %add3A_960 = arith.addi %add3A_959, %add3A_955 : vector<16xi32>
        %swap3A_961 = arith.index_cast %mul3A_776 : i32 to index
        %swap3A_962 = tpu.vector_load %arg26[%swap3A_961] {strides = array<i32>} : memref<256xi32, #tpu.memory_space<vmem>>, vector<16xi32>,
        tpu.vector_store %arg26[%swap3A_961], %add3A_960 {strides = array<i32>} : memref<256xi32, #tpu.memory_space<vmem>>, vector<16xi32>,
        %mul3A_963 = arith.constant 16 : i32
        %mul3A_964 = arith.muli %add3A_774, %mul3A_963 : i32
        %add3A_965 = vector.broadcast %mul3A_964 : i32 to vector<16xi32>
        %add3A_966 = arith.addi %iota3A, %add3A_965 : vector<16xi32>
        %sub3A_967 = vector.broadcast %squeeze3A : i32 to vector<16xi32>
        %sub3A_968 = arith.subi %sub3A_967, %add3A_959 : vector<16xi32>
        %max3A = arith.constant 0 : i32
        %max3A_969 = vector.broadcast %max3A : i32 to vector<16xi32>
        %max3A_970 = arith.maxsi %sub3A_968, %max3A_969 : vector<16xi32>
        %min3A = arith.minsi %max3A_970, %add3A_949 : vector<16xi32>
        %lt3A_971 = vector.broadcast %squeeze3A_2 : i32 to vector<16xi32>
        %lt3A_972 = arith.cmpi slt, %add3A_966, %lt3A_971 : vector<16xi32>
        %select_n3A = arith.select %lt3A_972, %min3A, %broadcast_in_dim3A_11 : vector<16xi1>, vector<16xi32>
        %swap3A_973 = arith.index_cast %mul3A_776 : i32 to index
        %swap3A_974 = tpu.vector_load %arg27[%swap3A_973] {strides = array<i32>} : memref<256xi32, #tpu.memory_space<vmem>>, vector<16xi32>,
        tpu.vector_store %arg27[%swap3A_973], %select_n3A {strides = array<i32>} : memref<256xi32, #tpu.memory_space<vmem>>, vector<16xi32>,
        %reduce_sum3A = arith.constant true
        %reduce_sum3A_975 = vector.broadcast %reduce_sum3A : i1 to vector<16xi1>
        %reduce_sum3A_976 = tpu.scan <sum>, %add3A_949 masked %reduce_sum3A_975 : vector<16xi32>, vector<16xi1> -> vector<16xi32>
        %reduce_sum3A_977 = vector.extract %reduce_sum3A_976[15] : i32 from vector<16xi32>
        %add3A_978 = arith.addi %scan3A_770, %reduce_sum3A_977 : i32
        scf.yield %add3A_978 : i32
      }
      %scan3A_32 = arith.constant 16 : i32
      %eq3A_33 = arith.constant 0 : i32
      %eq3A_34 = arith.cmpi eq, %arg1, %eq3A_33 : i32
      %convert_element_type3A_35 = arith.extui %eq3A_34 : i1 to i32
      %cond3A_36 = arith.constant 0 : i32
      %cond3A_37 = arith.cmpi ne, %convert_element_type3A_35, %cond3A_36 : i32
      scf.if %cond3A_37 {
        "tpu.region"() ({
          %run_scoped3A = tpu.sem_alloc : memref<!tpu.dma_semaphore, #tpu.memory_space<semaphore_mem>>
          tpu.enqueue_dma source(%arg27 : memref<256xi32, #tpu.memory_space<vmem>>) target(%arg15 : memref<256xi32, #tpu.memory_space<hbm>>) target_semaphore(%run_scoped3A : memref<!tpu.dma_semaphore, #tpu.memory_space<semaphore_mem>>)
          tpu.wait_dma2 semaphore(%run_scoped3A : memref<!tpu.dma_semaphore, #tpu.memory_space<semaphore_mem>>) src(%arg27 : memref<256xi32, #tpu.memory_space<vmem>>) dst(%arg15 : memref<256xi32, #tpu.memory_space<hbm>>)
          tpu.yield
        }) : () -> ()
      } else {
      }
      "tpu.trace_stop"() : () -> ()
      "tpu.trace_start"() <{level = 10 : i32, message = "ph_dest"}> : () -> ()
      %get3A_38 = arith.constant 0 : index
      %get3A_39 = tpu.vector_load %arg17[%get3A_38] {strides = array<i32>} : memref<512xi32, #tpu.memory_space<vmem>>, vector<16xi32>,
      %gather3A = tpu.vector_load_idx %arg26[%get3A_39] : memref<256xi32, #tpu.memory_space<vmem>>[vector<16xi32>], vector<16xi32>,
      %add3A = arith.constant 0 : i32
      %add3A_40 = vector.broadcast %add3A : i32 to vector<16xi32>
      %add3A_41 = arith.addi %add3A_40, %get3A_39 : vector<16xi32>
      %gather3A_42 = tpu.vector_load_idx %arg23[%add3A_41] : memref<4096xi32, #tpu.memory_space<vmem>>[vector<16xi32>], vector<16xi32>,
      %add3A_43 = arith.addi %gather3A, %gather3A_42 : vector<16xi32>
      %get3A_44 = arith.constant 0 : index
      %get3A_45 = tpu.vector_load %arg20[%get3A_44] {strides = array<i32>} : memref<512xi32, #tpu.memory_space<vmem>>, vector<16xi32>,
      %add3A_46 = arith.addi %add3A_43, %get3A_45 : vector<16xi32>
      %swap3A = arith.constant 0 : i32
      %swap3A_47 = arith.index_cast %swap3A : i32 to index
      %swap3A_48 = arith.constant 0 : index
      %swap3A_49 = tpu.vector_load %arg21[%swap3A_47, %swap3A_48] {strides = array<i32>} : memref<4x128xi32, #tpu.memory_space<vmem>>, vector<16xi32>,
      tpu.vector_store %arg21[%swap3A_47, %swap3A_48], %add3A_46 {strides = array<i32>} : memref<4x128xi32, #tpu.memory_space<vmem>>, vector<16xi32>,
      %get3A_50 = arith.constant 16 : index
      %get3A_51 = tpu.vector_load %arg17[%get3A_50] {strides = array<i32>} : memref<512xi32, #tpu.memory_space<vmem>>, vector<16xi32>,
      %gather3A_52 = tpu.vector_load_idx %arg26[%get3A_51] : memref<256xi32, #tpu.memory_space<vmem>>[vector<16xi32>], vector<16xi32>,
      %add3A_53 = arith.constant 0 : i32
      %add3A_54 = vector.broadcast %add3A_53 : i32 to vector<16xi32>
      %add3A_55 = arith.addi %add3A_54, %get3A_51 : vector<16xi32>
      %gather3A_56 = tpu.vector_load_idx %arg23[%add3A_55] : memref<4096xi32, #tpu.memory_space<vmem>>[vector<16xi32>], vector<16xi32>,
      %add3A_57 = arith.addi %gather3A_52, %gather3A_56 : vector<16xi32>
      %get3A_58 = arith.constant 16 : index
      %get3A_59 = tpu.vector_load %arg20[%get3A_58] {strides = array<i32>} : memref<512xi32, #tpu.memory_space<vmem>>, vector<16xi32>,
      %add3A_60 = arith.addi %add3A_57, %get3A_59 : vector<16xi32>
      %swap3A_61 = arith.constant 0 : i32
      %swap3A_62 = arith.index_cast %swap3A_61 : i32 to index
      %swap3A_63 = arith.constant 16 : index
      %swap3A_64 = tpu.vector_load %arg21[%swap3A_62, %swap3A_63] {strides = array<i32>} : memref<4x128xi32, #tpu.memory_space<vmem>>, vector<16xi32>,
      tpu.vector_store %arg21[%swap3A_62, %swap3A_63], %add3A_60 {strides = array<i32>} : memref<4x128xi32, #tpu.memory_space<vmem>>, vector<16xi32>,
      %get3A_65 = arith.constant 32 : index
      %get3A_66 = tpu.vector_load %arg17[%get3A_65] {strides = array<i32>} : memref<512xi32, #tpu.memory_space<vmem>>, vector<16xi32>,
      %gather3A_67 = tpu.vector_load_idx %arg26[%get3A_66] : memref<256xi32, #tpu.memory_space<vmem>>[vector<16xi32>], vector<16xi32>,
      %add3A_68 = arith.constant 256 : i32
      %add3A_69 = vector.broadcast %add3A_68 : i32 to vector<16xi32>
      %add3A_70 = arith.addi %add3A_69, %get3A_66 : vector<16xi32>
      %gather3A_71 = tpu.vector_load_idx %arg23[%add3A_70] : memref<4096xi32, #tpu.memory_space<vmem>>[vector<16xi32>], vector<16xi32>,
      %add3A_72 = arith.addi %gather3A_67, %gather3A_71 : vector<16xi32>
      %get3A_73 = arith.constant 32 : index
      %get3A_74 = tpu.vector_load %arg20[%get3A_73] {strides = array<i32>} : memref<512xi32, #tpu.memory_space<vmem>>, vector<16xi32>,
      %add3A_75 = arith.addi %add3A_72, %get3A_74 : vector<16xi32>
      %swap3A_76 = arith.constant 0 : i32
      %swap3A_77 = arith.index_cast %swap3A_76 : i32 to index
      %swap3A_78 = arith.constant 32 : index
      %swap3A_79 = tpu.vector_load %arg21[%swap3A_77, %swap3A_78] {strides = array<i32>} : memref<4x128xi32, #tpu.memory_space<vmem>>, vector<16xi32>,
      tpu.vector_store %arg21[%swap3A_77, %swap3A_78], %add3A_75 {strides = array<i32>} : memref<4x128xi32, #tpu.memory_space<vmem>>, vector<16xi32>,
      %get3A_80 = arith.constant 48 : index
      %get3A_81 = tpu.vector_load %arg17[%get3A_80] {strides = array<i32>} : memref<512xi32, #tpu.memory_space<vmem>>, vector<16xi32>,
      %gather3A_82 = tpu.vector_load_idx %arg26[%get3A_81] : memref<256xi32, #tpu.memory_space<vmem>>[vector<16xi32>], vector<16xi32>,
      %add3A_83 = arith.constant 256 : i32
      %add3A_84 = vector.broadcast %add3A_83 : i32 to vector<16xi32>
      %add3A_85 = arith.addi %add3A_84, %get3A_81 : vector<16xi32>
      %gather3A_86 = tpu.vector_load_idx %arg23[%add3A_85] : memref<4096xi32, #tpu.memory_space<vmem>>[vector<16xi32>], vector<16xi32>,
      %add3A_87 = arith.addi %gather3A_82, %gather3A_86 : vector<16xi32>
      %get3A_88 = arith.constant 48 : index
      %get3A_89 = tpu.vector_load %arg20[%get3A_88] {strides = array<i32>} : memref<512xi32, #tpu.memory_space<vmem>>, vector<16xi32>,
      %add3A_90 = arith.addi %add3A_87, %get3A_89 : vector<16xi32>
      %swap3A_91 = arith.constant 0 : i32
      %swap3A_92 = arith.index_cast %swap3A_91 : i32 to index
      %swap3A_93 = arith.constant 48 : index
      %swap3A_94 = tpu.vector_load %arg21[%swap3A_92, %swap3A_93] {strides = array<i32>} : memref<4x128xi32, #tpu.memory_space<vmem>>, vector<16xi32>,
      tpu.vector_store %arg21[%swap3A_92, %swap3A_93], %add3A_90 {strides = array<i32>} : memref<4x128xi32, #tpu.memory_space<vmem>>, vector<16xi32>,
      %get3A_95 = arith.constant 64 : index
      %get3A_96 = tpu.vector_load %arg17[%get3A_95] {strides = array<i32>} : memref<512xi32, #tpu.memory_space<vmem>>, vector<16xi32>,
      %gather3A_97 = tpu.vector_load_idx %arg26[%get3A_96] : memref<256xi32, #tpu.memory_space<vmem>>[vector<16xi32>], vector<16xi32>,
      %add3A_98 = arith.constant 512 : i32
      %add3A_99 = vector.broadcast %add3A_98 : i32 to vector<16xi32>
      %add3A_100 = arith.addi %add3A_99, %get3A_96 : vector<16xi32>
      %gather3A_101 = tpu.vector_load_idx %arg23[%add3A_100] : memref<4096xi32, #tpu.memory_space<vmem>>[vector<16xi32>], vector<16xi32>,
      %add3A_102 = arith.addi %gather3A_97, %gather3A_101 : vector<16xi32>
      %get3A_103 = arith.constant 64 : index
      %get3A_104 = tpu.vector_load %arg20[%get3A_103] {strides = array<i32>} : memref<512xi32, #tpu.memory_space<vmem>>, vector<16xi32>,
      %add3A_105 = arith.addi %add3A_102, %get3A_104 : vector<16xi32>
      %swap3A_106 = arith.constant 0 : i32
      %swap3A_107 = arith.index_cast %swap3A_106 : i32 to index
      %swap3A_108 = arith.constant 64 : index
      %swap3A_109 = tpu.vector_load %arg21[%swap3A_107, %swap3A_108] {strides = array<i32>} : memref<4x128xi32, #tpu.memory_space<vmem>>, vector<16xi32>,
      tpu.vector_store %arg21[%swap3A_107, %swap3A_108], %add3A_105 {strides = array<i32>} : memref<4x128xi32, #tpu.memory_space<vmem>>, vector<16xi32>,
      %get3A_110 = arith.constant 80 : index
      %get3A_111 = tpu.vector_load %arg17[%get3A_110] {strides = array<i32>} : memref<512xi32, #tpu.memory_space<vmem>>, vector<16xi32>,
      %gather3A_112 = tpu.vector_load_idx %arg26[%get3A_111] : memref<256xi32, #tpu.memory_space<vmem>>[vector<16xi32>], vector<16xi32>,
      %add3A_113 = arith.constant 512 : i32
      %add3A_114 = vector.broadcast %add3A_113 : i32 to vector<16xi32>
      %add3A_115 = arith.addi %add3A_114, %get3A_111 : vector<16xi32>
      %gather3A_116 = tpu.vector_load_idx %arg23[%add3A_115] : memref<4096xi32, #tpu.memory_space<vmem>>[vector<16xi32>], vector<16xi32>,
      %add3A_117 = arith.addi %gather3A_112, %gather3A_116 : vector<16xi32>
      %get3A_118 = arith.constant 80 : index
      %get3A_119 = tpu.vector_load %arg20[%get3A_118] {strides = array<i32>} : memref<512xi32, #tpu.memory_space<vmem>>, vector<16xi32>,
      %add3A_120 = arith.addi %add3A_117, %get3A_119 : vector<16xi32>
      %swap3A_121 = arith.constant 0 : i32
      %swap3A_122 = arith.index_cast %swap3A_121 : i32 to index
      %swap3A_123 = arith.constant 80 : index
      %swap3A_124 = tpu.vector_load %arg21[%swap3A_122, %swap3A_123] {strides = array<i32>} : memref<4x128xi32, #tpu.memory_space<vmem>>, vector<16xi32>,
      tpu.vector_store %arg21[%swap3A_122, %swap3A_123], %add3A_120 {strides = array<i32>} : memref<4x128xi32, #tpu.memory_space<vmem>>, vector<16xi32>,
      %get3A_125 = arith.constant 96 : index
      %get3A_126 = tpu.vector_load %arg17[%get3A_125] {strides = array<i32>} : memref<512xi32, #tpu.memory_space<vmem>>, vector<16xi32>,
      %gather3A_127 = tpu.vector_load_idx %arg26[%get3A_126] : memref<256xi32, #tpu.memory_space<vmem>>[vector<16xi32>], vector<16xi32>,
      %add3A_128 = arith.constant 768 : i32
      %add3A_129 = vector.broadcast %add3A_128 : i32 to vector<16xi32>
      %add3A_130 = arith.addi %add3A_129, %get3A_126 : vector<16xi32>
      %gather3A_131 = tpu.vector_load_idx %arg23[%add3A_130] : memref<4096xi32, #tpu.memory_space<vmem>>[vector<16xi32>], vector<16xi32>,
      %add3A_132 = arith.addi %gather3A_127, %gather3A_131 : vector<16xi32>
      %get3A_133 = arith.constant 96 : index
      %get3A_134 = tpu.vector_load %arg20[%get3A_133] {strides = array<i32>} : memref<512xi32, #tpu.memory_space<vmem>>, vector<16xi32>,
      %add3A_135 = arith.addi %add3A_132, %get3A_134 : vector<16xi32>
      %swap3A_136 = arith.constant 0 : i32
      %swap3A_137 = arith.index_cast %swap3A_136 : i32 to index
      %swap3A_138 = arith.constant 96 : index
      %swap3A_139 = tpu.vector_load %arg21[%swap3A_137, %swap3A_138] {strides = array<i32>} : memref<4x128xi32, #tpu.memory_space<vmem>>, vector<16xi32>,
      tpu.vector_store %arg21[%swap3A_137, %swap3A_138], %add3A_135 {strides = array<i32>} : memref<4x128xi32, #tpu.memory_space<vmem>>, vector<16xi32>,
      %get3A_140 = arith.constant 112 : index
      %get3A_141 = tpu.vector_load %arg17[%get3A_140] {strides = array<i32>} : memref<512xi32, #tpu.memory_space<vmem>>, vector<16xi32>,
      %gather3A_142 = tpu.vector_load_idx %arg26[%get3A_141] : memref<256xi32, #tpu.memory_space<vmem>>[vector<16xi32>], vector<16xi32>,
      %add3A_143 = arith.constant 768 : i32
      %add3A_144 = vector.broadcast %add3A_143 : i32 to vector<16xi32>
      %add3A_145 = arith.addi %add3A_144, %get3A_141 : vector<16xi32>
      %gather3A_146 = tpu.vector_load_idx %arg23[%add3A_145] : memref<4096xi32, #tpu.memory_space<vmem>>[vector<16xi32>], vector<16xi32>,
      %add3A_147 = arith.addi %gather3A_142, %gather3A_146 : vector<16xi32>
      %get3A_148 = arith.constant 112 : index
      %get3A_149 = tpu.vector_load %arg20[%get3A_148] {strides = array<i32>} : memref<512xi32, #tpu.memory_space<vmem>>, vector<16xi32>,
      %add3A_150 = arith.addi %add3A_147, %get3A_149 : vector<16xi32>
      %swap3A_151 = arith.constant 0 : i32
      %swap3A_152 = arith.index_cast %swap3A_151 : i32 to index
      %swap3A_153 = arith.constant 112 : index
      %swap3A_154 = tpu.vector_load %arg21[%swap3A_152, %swap3A_153] {strides = array<i32>} : memref<4x128xi32, #tpu.memory_space<vmem>>, vector<16xi32>,
      tpu.vector_store %arg21[%swap3A_152, %swap3A_153], %add3A_150 {strides = array<i32>} : memref<4x128xi32, #tpu.memory_space<vmem>>, vector<16xi32>,
      %get3A_155 = arith.constant 128 : index
      %get3A_156 = tpu.vector_load %arg17[%get3A_155] {strides = array<i32>} : memref<512xi32, #tpu.memory_space<vmem>>, vector<16xi32>,
      %gather3A_157 = tpu.vector_load_idx %arg26[%get3A_156] : memref<256xi32, #tpu.memory_space<vmem>>[vector<16xi32>], vector<16xi32>,
      %add3A_158 = arith.constant 1024 : i32
      %add3A_159 = vector.broadcast %add3A_158 : i32 to vector<16xi32>
      %add3A_160 = arith.addi %add3A_159, %get3A_156 : vector<16xi32>
      %gather3A_161 = tpu.vector_load_idx %arg23[%add3A_160] : memref<4096xi32, #tpu.memory_space<vmem>>[vector<16xi32>], vector<16xi32>,
      %add3A_162 = arith.addi %gather3A_157, %gather3A_161 : vector<16xi32>
      %get3A_163 = arith.constant 128 : index
      %get3A_164 = tpu.vector_load %arg20[%get3A_163] {strides = array<i32>} : memref<512xi32, #tpu.memory_space<vmem>>, vector<16xi32>,
      %add3A_165 = arith.addi %add3A_162, %get3A_164 : vector<16xi32>
      %swap3A_166 = arith.constant 1 : i32
      %swap3A_167 = arith.index_cast %swap3A_166 : i32 to index
      %swap3A_168 = arith.constant 0 : index
      %swap3A_169 = tpu.vector_load %arg21[%swap3A_167, %swap3A_168] {strides = array<i32>} : memref<4x128xi32, #tpu.memory_space<vmem>>, vector<16xi32>,
      tpu.vector_store %arg21[%swap3A_167, %swap3A_168], %add3A_165 {strides = array<i32>} : memref<4x128xi32, #tpu.memory_space<vmem>>, vector<16xi32>,
      %get3A_170 = arith.constant 144 : index
      %get3A_171 = tpu.vector_load %arg17[%get3A_170] {strides = array<i32>} : memref<512xi32, #tpu.memory_space<vmem>>, vector<16xi32>,
      %gather3A_172 = tpu.vector_load_idx %arg26[%get3A_171] : memref<256xi32, #tpu.memory_space<vmem>>[vector<16xi32>], vector<16xi32>,
      %add3A_173 = arith.constant 1024 : i32
      %add3A_174 = vector.broadcast %add3A_173 : i32 to vector<16xi32>
      %add3A_175 = arith.addi %add3A_174, %get3A_171 : vector<16xi32>
      %gather3A_176 = tpu.vector_load_idx %arg23[%add3A_175] : memref<4096xi32, #tpu.memory_space<vmem>>[vector<16xi32>], vector<16xi32>,
      %add3A_177 = arith.addi %gather3A_172, %gather3A_176 : vector<16xi32>
      %get3A_178 = arith.constant 144 : index
      %get3A_179 = tpu.vector_load %arg20[%get3A_178] {strides = array<i32>} : memref<512xi32, #tpu.memory_space<vmem>>, vector<16xi32>,
      %add3A_180 = arith.addi %add3A_177, %get3A_179 : vector<16xi32>
      %swap3A_181 = arith.constant 1 : i32
      %swap3A_182 = arith.index_cast %swap3A_181 : i32 to index
      %swap3A_183 = arith.constant 16 : index
      %swap3A_184 = tpu.vector_load %arg21[%swap3A_182, %swap3A_183] {strides = array<i32>} : memref<4x128xi32, #tpu.memory_space<vmem>>, vector<16xi32>,
      tpu.vector_store %arg21[%swap3A_182, %swap3A_183], %add3A_180 {strides = array<i32>} : memref<4x128xi32, #tpu.memory_space<vmem>>, vector<16xi32>,
      %get3A_185 = arith.constant 160 : index
      %get3A_186 = tpu.vector_load %arg17[%get3A_185] {strides = array<i32>} : memref<512xi32, #tpu.memory_space<vmem>>, vector<16xi32>,
      %gather3A_187 = tpu.vector_load_idx %arg26[%get3A_186] : memref<256xi32, #tpu.memory_space<vmem>>[vector<16xi32>], vector<16xi32>,
      %add3A_188 = arith.constant 1280 : i32
      %add3A_189 = vector.broadcast %add3A_188 : i32 to vector<16xi32>
      %add3A_190 = arith.addi %add3A_189, %get3A_186 : vector<16xi32>
      %gather3A_191 = tpu.vector_load_idx %arg23[%add3A_190] : memref<4096xi32, #tpu.memory_space<vmem>>[vector<16xi32>], vector<16xi32>,
      %add3A_192 = arith.addi %gather3A_187, %gather3A_191 : vector<16xi32>
      %get3A_193 = arith.constant 160 : index
      %get3A_194 = tpu.vector_load %arg20[%get3A_193] {strides = array<i32>} : memref<512xi32, #tpu.memory_space<vmem>>, vector<16xi32>,
      %add3A_195 = arith.addi %add3A_192, %get3A_194 : vector<16xi32>
      %swap3A_196 = arith.constant 1 : i32
      %swap3A_197 = arith.index_cast %swap3A_196 : i32 to index
      %swap3A_198 = arith.constant 32 : index
      %swap3A_199 = tpu.vector_load %arg21[%swap3A_197, %swap3A_198] {strides = array<i32>} : memref<4x128xi32, #tpu.memory_space<vmem>>, vector<16xi32>,
      tpu.vector_store %arg21[%swap3A_197, %swap3A_198], %add3A_195 {strides = array<i32>} : memref<4x128xi32, #tpu.memory_space<vmem>>, vector<16xi32>,
      %get3A_200 = arith.constant 176 : index
      %get3A_201 = tpu.vector_load %arg17[%get3A_200] {strides = array<i32>} : memref<512xi32, #tpu.memory_space<vmem>>, vector<16xi32>,
      %gather3A_202 = tpu.vector_load_idx %arg26[%get3A_201] : memref<256xi32, #tpu.memory_space<vmem>>[vector<16xi32>], vector<16xi32>,
      %add3A_203 = arith.constant 1280 : i32
      %add3A_204 = vector.broadcast %add3A_203 : i32 to vector<16xi32>
      %add3A_205 = arith.addi %add3A_204, %get3A_201 : vector<16xi32>
      %gather3A_206 = tpu.vector_load_idx %arg23[%add3A_205] : memref<4096xi32, #tpu.memory_space<vmem>>[vector<16xi32>], vector<16xi32>,
      %add3A_207 = arith.addi %gather3A_202, %gather3A_206 : vector<16xi32>
      %get3A_208 = arith.constant 176 : index
      %get3A_209 = tpu.vector_load %arg20[%get3A_208] {strides = array<i32>} : memref<512xi32, #tpu.memory_space<vmem>>, vector<16xi32>,
      %add3A_210 = arith.addi %add3A_207, %get3A_209 : vector<16xi32>
      %swap3A_211 = arith.constant 1 : i32
      %swap3A_212 = arith.index_cast %swap3A_211 : i32 to index
      %swap3A_213 = arith.constant 48 : index
      %swap3A_214 = tpu.vector_load %arg21[%swap3A_212, %swap3A_213] {strides = array<i32>} : memref<4x128xi32, #tpu.memory_space<vmem>>, vector<16xi32>,
      tpu.vector_store %arg21[%swap3A_212, %swap3A_213], %add3A_210 {strides = array<i32>} : memref<4x128xi32, #tpu.memory_space<vmem>>, vector<16xi32>,
      %get3A_215 = arith.constant 192 : index
      %get3A_216 = tpu.vector_load %arg17[%get3A_215] {strides = array<i32>} : memref<512xi32, #tpu.memory_space<vmem>>, vector<16xi32>,
      %gather3A_217 = tpu.vector_load_idx %arg26[%get3A_216] : memref<256xi32, #tpu.memory_space<vmem>>[vector<16xi32>], vector<16xi32>,
      %add3A_218 = arith.constant 1536 : i32
      %add3A_219 = vector.broadcast %add3A_218 : i32 to vector<16xi32>
      %add3A_220 = arith.addi %add3A_219, %get3A_216 : vector<16xi32>
      %gather3A_221 = tpu.vector_load_idx %arg23[%add3A_220] : memref<4096xi32, #tpu.memory_space<vmem>>[vector<16xi32>], vector<16xi32>,
      %add3A_222 = arith.addi %gather3A_217, %gather3A_221 : vector<16xi32>
      %get3A_223 = arith.constant 192 : index
      %get3A_224 = tpu.vector_load %arg20[%get3A_223] {strides = array<i32>} : memref<512xi32, #tpu.memory_space<vmem>>, vector<16xi32>,
      %add3A_225 = arith.addi %add3A_222, %get3A_224 : vector<16xi32>
      %swap3A_226 = arith.constant 1 : i32
      %swap3A_227 = arith.index_cast %swap3A_226 : i32 to index
      %swap3A_228 = arith.constant 64 : index
      %swap3A_229 = tpu.vector_load %arg21[%swap3A_227, %swap3A_228] {strides = array<i32>} : memref<4x128xi32, #tpu.memory_space<vmem>>, vector<16xi32>,
      tpu.vector_store %arg21[%swap3A_227, %swap3A_228], %add3A_225 {strides = array<i32>} : memref<4x128xi32, #tpu.memory_space<vmem>>, vector<16xi32>,
      %get3A_230 = arith.constant 208 : index
      %get3A_231 = tpu.vector_load %arg17[%get3A_230] {strides = array<i32>} : memref<512xi32, #tpu.memory_space<vmem>>, vector<16xi32>,
      %gather3A_232 = tpu.vector_load_idx %arg26[%get3A_231] : memref<256xi32, #tpu.memory_space<vmem>>[vector<16xi32>], vector<16xi32>,
      %add3A_233 = arith.constant 1536 : i32
      %add3A_234 = vector.broadcast %add3A_233 : i32 to vector<16xi32>
      %add3A_235 = arith.addi %add3A_234, %get3A_231 : vector<16xi32>
      %gather3A_236 = tpu.vector_load_idx %arg23[%add3A_235] : memref<4096xi32, #tpu.memory_space<vmem>>[vector<16xi32>], vector<16xi32>,
      %add3A_237 = arith.addi %gather3A_232, %gather3A_236 : vector<16xi32>
      %get3A_238 = arith.constant 208 : index
      %get3A_239 = tpu.vector_load %arg20[%get3A_238] {strides = array<i32>} : memref<512xi32, #tpu.memory_space<vmem>>, vector<16xi32>,
      %add3A_240 = arith.addi %add3A_237, %get3A_239 : vector<16xi32>
      %swap3A_241 = arith.constant 1 : i32
      %swap3A_242 = arith.index_cast %swap3A_241 : i32 to index
      %swap3A_243 = arith.constant 80 : index
      %swap3A_244 = tpu.vector_load %arg21[%swap3A_242, %swap3A_243] {strides = array<i32>} : memref<4x128xi32, #tpu.memory_space<vmem>>, vector<16xi32>,
      tpu.vector_store %arg21[%swap3A_242, %swap3A_243], %add3A_240 {strides = array<i32>} : memref<4x128xi32, #tpu.memory_space<vmem>>, vector<16xi32>,
      %get3A_245 = arith.constant 224 : index
      %get3A_246 = tpu.vector_load %arg17[%get3A_245] {strides = array<i32>} : memref<512xi32, #tpu.memory_space<vmem>>, vector<16xi32>,
      %gather3A_247 = tpu.vector_load_idx %arg26[%get3A_246] : memref<256xi32, #tpu.memory_space<vmem>>[vector<16xi32>], vector<16xi32>,
      %add3A_248 = arith.constant 1792 : i32
      %add3A_249 = vector.broadcast %add3A_248 : i32 to vector<16xi32>
      %add3A_250 = arith.addi %add3A_249, %get3A_246 : vector<16xi32>
      %gather3A_251 = tpu.vector_load_idx %arg23[%add3A_250] : memref<4096xi32, #tpu.memory_space<vmem>>[vector<16xi32>], vector<16xi32>,
      %add3A_252 = arith.addi %gather3A_247, %gather3A_251 : vector<16xi32>
      %get3A_253 = arith.constant 224 : index
      %get3A_254 = tpu.vector_load %arg20[%get3A_253] {strides = array<i32>} : memref<512xi32, #tpu.memory_space<vmem>>, vector<16xi32>,
      %add3A_255 = arith.addi %add3A_252, %get3A_254 : vector<16xi32>
      %swap3A_256 = arith.constant 1 : i32
      %swap3A_257 = arith.index_cast %swap3A_256 : i32 to index
      %swap3A_258 = arith.constant 96 : index
      %swap3A_259 = tpu.vector_load %arg21[%swap3A_257, %swap3A_258] {strides = array<i32>} : memref<4x128xi32, #tpu.memory_space<vmem>>, vector<16xi32>,
      tpu.vector_store %arg21[%swap3A_257, %swap3A_258], %add3A_255 {strides = array<i32>} : memref<4x128xi32, #tpu.memory_space<vmem>>, vector<16xi32>,
      %get3A_260 = arith.constant 240 : index
      %get3A_261 = tpu.vector_load %arg17[%get3A_260] {strides = array<i32>} : memref<512xi32, #tpu.memory_space<vmem>>, vector<16xi32>,
      %gather3A_262 = tpu.vector_load_idx %arg26[%get3A_261] : memref<256xi32, #tpu.memory_space<vmem>>[vector<16xi32>], vector<16xi32>,
      %add3A_263 = arith.constant 1792 : i32
      %add3A_264 = vector.broadcast %add3A_263 : i32 to vector<16xi32>
      %add3A_265 = arith.addi %add3A_264, %get3A_261 : vector<16xi32>
      %gather3A_266 = tpu.vector_load_idx %arg23[%add3A_265] : memref<4096xi32, #tpu.memory_space<vmem>>[vector<16xi32>], vector<16xi32>,
      %add3A_267 = arith.addi %gather3A_262, %gather3A_266 : vector<16xi32>
      %get3A_268 = arith.constant 240 : index
      %get3A_269 = tpu.vector_load %arg20[%get3A_268] {strides = array<i32>} : memref<512xi32, #tpu.memory_space<vmem>>, vector<16xi32>,
      %add3A_270 = arith.addi %add3A_267, %get3A_269 : vector<16xi32>
      %swap3A_271 = arith.constant 1 : i32
      %swap3A_272 = arith.index_cast %swap3A_271 : i32 to index
      %swap3A_273 = arith.constant 112 : index
      %swap3A_274 = tpu.vector_load %arg21[%swap3A_272, %swap3A_273] {strides = array<i32>} : memref<4x128xi32, #tpu.memory_space<vmem>>, vector<16xi32>,
      tpu.vector_store %arg21[%swap3A_272, %swap3A_273], %add3A_270 {strides = array<i32>} : memref<4x128xi32, #tpu.memory_space<vmem>>, vector<16xi32>,
      %get3A_275 = arith.constant 256 : index
      %get3A_276 = tpu.vector_load %arg17[%get3A_275] {strides = array<i32>} : memref<512xi32, #tpu.memory_space<vmem>>, vector<16xi32>,
      %gather3A_277 = tpu.vector_load_idx %arg26[%get3A_276] : memref<256xi32, #tpu.memory_space<vmem>>[vector<16xi32>], vector<16xi32>,
      %add3A_278 = arith.constant 2048 : i32
      %add3A_279 = vector.broadcast %add3A_278 : i32 to vector<16xi32>
      %add3A_280 = arith.addi %add3A_279, %get3A_276 : vector<16xi32>
      %gather3A_281 = tpu.vector_load_idx %arg23[%add3A_280] : memref<4096xi32, #tpu.memory_space<vmem>>[vector<16xi32>], vector<16xi32>,
      %add3A_282 = arith.addi %gather3A_277, %gather3A_281 : vector<16xi32>
      %get3A_283 = arith.constant 256 : index
      %get3A_284 = tpu.vector_load %arg20[%get3A_283] {strides = array<i32>} : memref<512xi32, #tpu.memory_space<vmem>>, vector<16xi32>,
      %add3A_285 = arith.addi %add3A_282, %get3A_284 : vector<16xi32>
      %swap3A_286 = arith.constant 2 : i32
      %swap3A_287 = arith.index_cast %swap3A_286 : i32 to index
      %swap3A_288 = arith.constant 0 : index
      %swap3A_289 = tpu.vector_load %arg21[%swap3A_287, %swap3A_288] {strides = array<i32>} : memref<4x128xi32, #tpu.memory_space<vmem>>, vector<16xi32>,
      tpu.vector_store %arg21[%swap3A_287, %swap3A_288], %add3A_285 {strides = array<i32>} : memref<4x128xi32, #tpu.memory_space<vmem>>, vector<16xi32>,
      %get3A_290 = arith.constant 272 : index
      %get3A_291 = tpu.vector_load %arg17[%get3A_290] {strides = array<i32>} : memref<512xi32, #tpu.memory_space<vmem>>, vector<16xi32>,
      %gather3A_292 = tpu.vector_load_idx %arg26[%get3A_291] : memref<256xi32, #tpu.memory_space<vmem>>[vector<16xi32>], vector<16xi32>,
      %add3A_293 = arith.constant 2048 : i32
      %add3A_294 = vector.broadcast %add3A_293 : i32 to vector<16xi32>
      %add3A_295 = arith.addi %add3A_294, %get3A_291 : vector<16xi32>
      %gather3A_296 = tpu.vector_load_idx %arg23[%add3A_295] : memref<4096xi32, #tpu.memory_space<vmem>>[vector<16xi32>], vector<16xi32>,
      %add3A_297 = arith.addi %gather3A_292, %gather3A_296 : vector<16xi32>
      %get3A_298 = arith.constant 272 : index
      %get3A_299 = tpu.vector_load %arg20[%get3A_298] {strides = array<i32>} : memref<512xi32, #tpu.memory_space<vmem>>, vector<16xi32>,
      %add3A_300 = arith.addi %add3A_297, %get3A_299 : vector<16xi32>
      %swap3A_301 = arith.constant 2 : i32
      %swap3A_302 = arith.index_cast %swap3A_301 : i32 to index
      %swap3A_303 = arith.constant 16 : index
      %swap3A_304 = tpu.vector_load %arg21[%swap3A_302, %swap3A_303] {strides = array<i32>} : memref<4x128xi32, #tpu.memory_space<vmem>>, vector<16xi32>,
      tpu.vector_store %arg21[%swap3A_302, %swap3A_303], %add3A_300 {strides = array<i32>} : memref<4x128xi32, #tpu.memory_space<vmem>>, vector<16xi32>,
      %get3A_305 = arith.constant 288 : index
      %get3A_306 = tpu.vector_load %arg17[%get3A_305] {strides = array<i32>} : memref<512xi32, #tpu.memory_space<vmem>>, vector<16xi32>,
      %gather3A_307 = tpu.vector_load_idx %arg26[%get3A_306] : memref<256xi32, #tpu.memory_space<vmem>>[vector<16xi32>], vector<16xi32>,
      %add3A_308 = arith.constant 2304 : i32
      %add3A_309 = vector.broadcast %add3A_308 : i32 to vector<16xi32>
      %add3A_310 = arith.addi %add3A_309, %get3A_306 : vector<16xi32>
      %gather3A_311 = tpu.vector_load_idx %arg23[%add3A_310] : memref<4096xi32, #tpu.memory_space<vmem>>[vector<16xi32>], vector<16xi32>,
      %add3A_312 = arith.addi %gather3A_307, %gather3A_311 : vector<16xi32>
      %get3A_313 = arith.constant 288 : index
      %get3A_314 = tpu.vector_load %arg20[%get3A_313] {strides = array<i32>} : memref<512xi32, #tpu.memory_space<vmem>>, vector<16xi32>,
      %add3A_315 = arith.addi %add3A_312, %get3A_314 : vector<16xi32>
      %swap3A_316 = arith.constant 2 : i32
      %swap3A_317 = arith.index_cast %swap3A_316 : i32 to index
      %swap3A_318 = arith.constant 32 : index
      %swap3A_319 = tpu.vector_load %arg21[%swap3A_317, %swap3A_318] {strides = array<i32>} : memref<4x128xi32, #tpu.memory_space<vmem>>, vector<16xi32>,
      tpu.vector_store %arg21[%swap3A_317, %swap3A_318], %add3A_315 {strides = array<i32>} : memref<4x128xi32, #tpu.memory_space<vmem>>, vector<16xi32>,
      %get3A_320 = arith.constant 304 : index
      %get3A_321 = tpu.vector_load %arg17[%get3A_320] {strides = array<i32>} : memref<512xi32, #tpu.memory_space<vmem>>, vector<16xi32>,
      %gather3A_322 = tpu.vector_load_idx %arg26[%get3A_321] : memref<256xi32, #tpu.memory_space<vmem>>[vector<16xi32>], vector<16xi32>,
      %add3A_323 = arith.constant 2304 : i32
      %add3A_324 = vector.broadcast %add3A_323 : i32 to vector<16xi32>
      %add3A_325 = arith.addi %add3A_324, %get3A_321 : vector<16xi32>
      %gather3A_326 = tpu.vector_load_idx %arg23[%add3A_325] : memref<4096xi32, #tpu.memory_space<vmem>>[vector<16xi32>], vector<16xi32>,
      %add3A_327 = arith.addi %gather3A_322, %gather3A_326 : vector<16xi32>
      %get3A_328 = arith.constant 304 : index
      %get3A_329 = tpu.vector_load %arg20[%get3A_328] {strides = array<i32>} : memref<512xi32, #tpu.memory_space<vmem>>, vector<16xi32>,
      %add3A_330 = arith.addi %add3A_327, %get3A_329 : vector<16xi32>
      %swap3A_331 = arith.constant 2 : i32
      %swap3A_332 = arith.index_cast %swap3A_331 : i32 to index
      %swap3A_333 = arith.constant 48 : index
      %swap3A_334 = tpu.vector_load %arg21[%swap3A_332, %swap3A_333] {strides = array<i32>} : memref<4x128xi32, #tpu.memory_space<vmem>>, vector<16xi32>,
      tpu.vector_store %arg21[%swap3A_332, %swap3A_333], %add3A_330 {strides = array<i32>} : memref<4x128xi32, #tpu.memory_space<vmem>>, vector<16xi32>,
      %get3A_335 = arith.constant 320 : index
      %get3A_336 = tpu.vector_load %arg17[%get3A_335] {strides = array<i32>} : memref<512xi32, #tpu.memory_space<vmem>>, vector<16xi32>,
      %gather3A_337 = tpu.vector_load_idx %arg26[%get3A_336] : memref<256xi32, #tpu.memory_space<vmem>>[vector<16xi32>], vector<16xi32>,
      %add3A_338 = arith.constant 2560 : i32
      %add3A_339 = vector.broadcast %add3A_338 : i32 to vector<16xi32>
      %add3A_340 = arith.addi %add3A_339, %get3A_336 : vector<16xi32>
      %gather3A_341 = tpu.vector_load_idx %arg23[%add3A_340] : memref<4096xi32, #tpu.memory_space<vmem>>[vector<16xi32>], vector<16xi32>,
      %add3A_342 = arith.addi %gather3A_337, %gather3A_341 : vector<16xi32>
      %get3A_343 = arith.constant 320 : index
      %get3A_344 = tpu.vector_load %arg20[%get3A_343] {strides = array<i32>} : memref<512xi32, #tpu.memory_space<vmem>>, vector<16xi32>,
      %add3A_345 = arith.addi %add3A_342, %get3A_344 : vector<16xi32>
      %swap3A_346 = arith.constant 2 : i32
      %swap3A_347 = arith.index_cast %swap3A_346 : i32 to index
      %swap3A_348 = arith.constant 64 : index
      %swap3A_349 = tpu.vector_load %arg21[%swap3A_347, %swap3A_348] {strides = array<i32>} : memref<4x128xi32, #tpu.memory_space<vmem>>, vector<16xi32>,
      tpu.vector_store %arg21[%swap3A_347, %swap3A_348], %add3A_345 {strides = array<i32>} : memref<4x128xi32, #tpu.memory_space<vmem>>, vector<16xi32>,
      %get3A_350 = arith.constant 336 : index
      %get3A_351 = tpu.vector_load %arg17[%get3A_350] {strides = array<i32>} : memref<512xi32, #tpu.memory_space<vmem>>, vector<16xi32>,
      %gather3A_352 = tpu.vector_load_idx %arg26[%get3A_351] : memref<256xi32, #tpu.memory_space<vmem>>[vector<16xi32>], vector<16xi32>,
      %add3A_353 = arith.constant 2560 : i32
      %add3A_354 = vector.broadcast %add3A_353 : i32 to vector<16xi32>
      %add3A_355 = arith.addi %add3A_354, %get3A_351 : vector<16xi32>
      %gather3A_356 = tpu.vector_load_idx %arg23[%add3A_355] : memref<4096xi32, #tpu.memory_space<vmem>>[vector<16xi32>], vector<16xi32>,
      %add3A_357 = arith.addi %gather3A_352, %gather3A_356 : vector<16xi32>
      %get3A_358 = arith.constant 336 : index
      %get3A_359 = tpu.vector_load %arg20[%get3A_358] {strides = array<i32>} : memref<512xi32, #tpu.memory_space<vmem>>, vector<16xi32>,
      %add3A_360 = arith.addi %add3A_357, %get3A_359 : vector<16xi32>
      %swap3A_361 = arith.constant 2 : i32
      %swap3A_362 = arith.index_cast %swap3A_361 : i32 to index
      %swap3A_363 = arith.constant 80 : index
      %swap3A_364 = tpu.vector_load %arg21[%swap3A_362, %swap3A_363] {strides = array<i32>} : memref<4x128xi32, #tpu.memory_space<vmem>>, vector<16xi32>,
      tpu.vector_store %arg21[%swap3A_362, %swap3A_363], %add3A_360 {strides = array<i32>} : memref<4x128xi32, #tpu.memory_space<vmem>>, vector<16xi32>,
      %get3A_365 = arith.constant 352 : index
      %get3A_366 = tpu.vector_load %arg17[%get3A_365] {strides = array<i32>} : memref<512xi32, #tpu.memory_space<vmem>>, vector<16xi32>,
      %gather3A_367 = tpu.vector_load_idx %arg26[%get3A_366] : memref<256xi32, #tpu.memory_space<vmem>>[vector<16xi32>], vector<16xi32>,
      %add3A_368 = arith.constant 2816 : i32
      %add3A_369 = vector.broadcast %add3A_368 : i32 to vector<16xi32>
      %add3A_370 = arith.addi %add3A_369, %get3A_366 : vector<16xi32>
      %gather3A_371 = tpu.vector_load_idx %arg23[%add3A_370] : memref<4096xi32, #tpu.memory_space<vmem>>[vector<16xi32>], vector<16xi32>,
      %add3A_372 = arith.addi %gather3A_367, %gather3A_371 : vector<16xi32>
      %get3A_373 = arith.constant 352 : index
      %get3A_374 = tpu.vector_load %arg20[%get3A_373] {strides = array<i32>} : memref<512xi32, #tpu.memory_space<vmem>>, vector<16xi32>,
      %add3A_375 = arith.addi %add3A_372, %get3A_374 : vector<16xi32>
      %swap3A_376 = arith.constant 2 : i32
      %swap3A_377 = arith.index_cast %swap3A_376 : i32 to index
      %swap3A_378 = arith.constant 96 : index
      %swap3A_379 = tpu.vector_load %arg21[%swap3A_377, %swap3A_378] {strides = array<i32>} : memref<4x128xi32, #tpu.memory_space<vmem>>, vector<16xi32>,
      tpu.vector_store %arg21[%swap3A_377, %swap3A_378], %add3A_375 {strides = array<i32>} : memref<4x128xi32, #tpu.memory_space<vmem>>, vector<16xi32>,
      %get3A_380 = arith.constant 368 : index
      %get3A_381 = tpu.vector_load %arg17[%get3A_380] {strides = array<i32>} : memref<512xi32, #tpu.memory_space<vmem>>, vector<16xi32>,
      %gather3A_382 = tpu.vector_load_idx %arg26[%get3A_381] : memref<256xi32, #tpu.memory_space<vmem>>[vector<16xi32>], vector<16xi32>,
      %add3A_383 = arith.constant 2816 : i32
      %add3A_384 = vector.broadcast %add3A_383 : i32 to vector<16xi32>
      %add3A_385 = arith.addi %add3A_384, %get3A_381 : vector<16xi32>
      %gather3A_386 = tpu.vector_load_idx %arg23[%add3A_385] : memref<4096xi32, #tpu.memory_space<vmem>>[vector<16xi32>], vector<16xi32>,
      %add3A_387 = arith.addi %gather3A_382, %gather3A_386 : vector<16xi32>
      %get3A_388 = arith.constant 368 : index
      %get3A_389 = tpu.vector_load %arg20[%get3A_388] {strides = array<i32>} : memref<512xi32, #tpu.memory_space<vmem>>, vector<16xi32>,
      %add3A_390 = arith.addi %add3A_387, %get3A_389 : vector<16xi32>
      %swap3A_391 = arith.constant 2 : i32
      %swap3A_392 = arith.index_cast %swap3A_391 : i32 to index
      %swap3A_393 = arith.constant 112 : index
      %swap3A_394 = tpu.vector_load %arg21[%swap3A_392, %swap3A_393] {strides = array<i32>} : memref<4x128xi32, #tpu.memory_space<vmem>>, vector<16xi32>,
      tpu.vector_store %arg21[%swap3A_392, %swap3A_393], %add3A_390 {strides = array<i32>} : memref<4x128xi32, #tpu.memory_space<vmem>>, vector<16xi32>,
      %get3A_395 = arith.constant 384 : index
      %get3A_396 = tpu.vector_load %arg17[%get3A_395] {strides = array<i32>} : memref<512xi32, #tpu.memory_space<vmem>>, vector<16xi32>,
      %gather3A_397 = tpu.vector_load_idx %arg26[%get3A_396] : memref<256xi32, #tpu.memory_space<vmem>>[vector<16xi32>], vector<16xi32>,
      %add3A_398 = arith.constant 3072 : i32
      %add3A_399 = vector.broadcast %add3A_398 : i32 to vector<16xi32>
      %add3A_400 = arith.addi %add3A_399, %get3A_396 : vector<16xi32>
      %gather3A_401 = tpu.vector_load_idx %arg23[%add3A_400] : memref<4096xi32, #tpu.memory_space<vmem>>[vector<16xi32>], vector<16xi32>,
      %add3A_402 = arith.addi %gather3A_397, %gather3A_401 : vector<16xi32>
      %get3A_403 = arith.constant 384 : index
      %get3A_404 = tpu.vector_load %arg20[%get3A_403] {strides = array<i32>} : memref<512xi32, #tpu.memory_space<vmem>>, vector<16xi32>,
      %add3A_405 = arith.addi %add3A_402, %get3A_404 : vector<16xi32>
      %swap3A_406 = arith.constant 3 : i32
      %swap3A_407 = arith.index_cast %swap3A_406 : i32 to index
      %swap3A_408 = arith.constant 0 : index
      %swap3A_409 = tpu.vector_load %arg21[%swap3A_407, %swap3A_408] {strides = array<i32>} : memref<4x128xi32, #tpu.memory_space<vmem>>, vector<16xi32>,
      tpu.vector_store %arg21[%swap3A_407, %swap3A_408], %add3A_405 {strides = array<i32>} : memref<4x128xi32, #tpu.memory_space<vmem>>, vector<16xi32>,
      %get3A_410 = arith.constant 400 : index
      %get3A_411 = tpu.vector_load %arg17[%get3A_410] {strides = array<i32>} : memref<512xi32, #tpu.memory_space<vmem>>, vector<16xi32>,
      %gather3A_412 = tpu.vector_load_idx %arg26[%get3A_411] : memref<256xi32, #tpu.memory_space<vmem>>[vector<16xi32>], vector<16xi32>,
      %add3A_413 = arith.constant 3072 : i32
      %add3A_414 = vector.broadcast %add3A_413 : i32 to vector<16xi32>
      %add3A_415 = arith.addi %add3A_414, %get3A_411 : vector<16xi32>
      %gather3A_416 = tpu.vector_load_idx %arg23[%add3A_415] : memref<4096xi32, #tpu.memory_space<vmem>>[vector<16xi32>], vector<16xi32>,
      %add3A_417 = arith.addi %gather3A_412, %gather3A_416 : vector<16xi32>
      %get3A_418 = arith.constant 400 : index
      %get3A_419 = tpu.vector_load %arg20[%get3A_418] {strides = array<i32>} : memref<512xi32, #tpu.memory_space<vmem>>, vector<16xi32>,
      %add3A_420 = arith.addi %add3A_417, %get3A_419 : vector<16xi32>
      %swap3A_421 = arith.constant 3 : i32
      %swap3A_422 = arith.index_cast %swap3A_421 : i32 to index
      %swap3A_423 = arith.constant 16 : index
      %swap3A_424 = tpu.vector_load %arg21[%swap3A_422, %swap3A_423] {strides = array<i32>} : memref<4x128xi32, #tpu.memory_space<vmem>>, vector<16xi32>,
      tpu.vector_store %arg21[%swap3A_422, %swap3A_423], %add3A_420 {strides = array<i32>} : memref<4x128xi32, #tpu.memory_space<vmem>>, vector<16xi32>,
      %get3A_425 = arith.constant 416 : index
      %get3A_426 = tpu.vector_load %arg17[%get3A_425] {strides = array<i32>} : memref<512xi32, #tpu.memory_space<vmem>>, vector<16xi32>,
      %gather3A_427 = tpu.vector_load_idx %arg26[%get3A_426] : memref<256xi32, #tpu.memory_space<vmem>>[vector<16xi32>], vector<16xi32>,
      %add3A_428 = arith.constant 3328 : i32
      %add3A_429 = vector.broadcast %add3A_428 : i32 to vector<16xi32>
      %add3A_430 = arith.addi %add3A_429, %get3A_426 : vector<16xi32>
      %gather3A_431 = tpu.vector_load_idx %arg23[%add3A_430] : memref<4096xi32, #tpu.memory_space<vmem>>[vector<16xi32>], vector<16xi32>,
      %add3A_432 = arith.addi %gather3A_427, %gather3A_431 : vector<16xi32>
      %get3A_433 = arith.constant 416 : index
      %get3A_434 = tpu.vector_load %arg20[%get3A_433] {strides = array<i32>} : memref<512xi32, #tpu.memory_space<vmem>>, vector<16xi32>,
      %add3A_435 = arith.addi %add3A_432, %get3A_434 : vector<16xi32>
      %swap3A_436 = arith.constant 3 : i32
      %swap3A_437 = arith.index_cast %swap3A_436 : i32 to index
      %swap3A_438 = arith.constant 32 : index
      %swap3A_439 = tpu.vector_load %arg21[%swap3A_437, %swap3A_438] {strides = array<i32>} : memref<4x128xi32, #tpu.memory_space<vmem>>, vector<16xi32>,
      tpu.vector_store %arg21[%swap3A_437, %swap3A_438], %add3A_435 {strides = array<i32>} : memref<4x128xi32, #tpu.memory_space<vmem>>, vector<16xi32>,
      %get3A_440 = arith.constant 432 : index
      %get3A_441 = tpu.vector_load %arg17[%get3A_440] {strides = array<i32>} : memref<512xi32, #tpu.memory_space<vmem>>, vector<16xi32>,
      %gather3A_442 = tpu.vector_load_idx %arg26[%get3A_441] : memref<256xi32, #tpu.memory_space<vmem>>[vector<16xi32>], vector<16xi32>,
      %add3A_443 = arith.constant 3328 : i32
      %add3A_444 = vector.broadcast %add3A_443 : i32 to vector<16xi32>
      %add3A_445 = arith.addi %add3A_444, %get3A_441 : vector<16xi32>
      %gather3A_446 = tpu.vector_load_idx %arg23[%add3A_445] : memref<4096xi32, #tpu.memory_space<vmem>>[vector<16xi32>], vector<16xi32>,
      %add3A_447 = arith.addi %gather3A_442, %gather3A_446 : vector<16xi32>
      %get3A_448 = arith.constant 432 : index
      %get3A_449 = tpu.vector_load %arg20[%get3A_448] {strides = array<i32>} : memref<512xi32, #tpu.memory_space<vmem>>, vector<16xi32>,
      %add3A_450 = arith.addi %add3A_447, %get3A_449 : vector<16xi32>
      %swap3A_451 = arith.constant 3 : i32
      %swap3A_452 = arith.index_cast %swap3A_451 : i32 to index
      %swap3A_453 = arith.constant 48 : index
      %swap3A_454 = tpu.vector_load %arg21[%swap3A_452, %swap3A_453] {strides = array<i32>} : memref<4x128xi32, #tpu.memory_space<vmem>>, vector<16xi32>,
      tpu.vector_store %arg21[%swap3A_452, %swap3A_453], %add3A_450 {strides = array<i32>} : memref<4x128xi32, #tpu.memory_space<vmem>>, vector<16xi32>,
      %get3A_455 = arith.constant 448 : index
      %get3A_456 = tpu.vector_load %arg17[%get3A_455] {strides = array<i32>} : memref<512xi32, #tpu.memory_space<vmem>>, vector<16xi32>,
      %gather3A_457 = tpu.vector_load_idx %arg26[%get3A_456] : memref<256xi32, #tpu.memory_space<vmem>>[vector<16xi32>], vector<16xi32>,
      %add3A_458 = arith.constant 3584 : i32
      %add3A_459 = vector.broadcast %add3A_458 : i32 to vector<16xi32>
      %add3A_460 = arith.addi %add3A_459, %get3A_456 : vector<16xi32>
      %gather3A_461 = tpu.vector_load_idx %arg23[%add3A_460] : memref<4096xi32, #tpu.memory_space<vmem>>[vector<16xi32>], vector<16xi32>,
      %add3A_462 = arith.addi %gather3A_457, %gather3A_461 : vector<16xi32>
      %get3A_463 = arith.constant 448 : index
      %get3A_464 = tpu.vector_load %arg20[%get3A_463] {strides = array<i32>} : memref<512xi32, #tpu.memory_space<vmem>>, vector<16xi32>,
      %add3A_465 = arith.addi %add3A_462, %get3A_464 : vector<16xi32>
      %swap3A_466 = arith.constant 3 : i32
      %swap3A_467 = arith.index_cast %swap3A_466 : i32 to index
      %swap3A_468 = arith.constant 64 : index
      %swap3A_469 = tpu.vector_load %arg21[%swap3A_467, %swap3A_468] {strides = array<i32>} : memref<4x128xi32, #tpu.memory_space<vmem>>, vector<16xi32>,
      tpu.vector_store %arg21[%swap3A_467, %swap3A_468], %add3A_465 {strides = array<i32>} : memref<4x128xi32, #tpu.memory_space<vmem>>, vector<16xi32>,
      %get3A_470 = arith.constant 464 : index
      %get3A_471 = tpu.vector_load %arg17[%get3A_470] {strides = array<i32>} : memref<512xi32, #tpu.memory_space<vmem>>, vector<16xi32>,
      %gather3A_472 = tpu.vector_load_idx %arg26[%get3A_471] : memref<256xi32, #tpu.memory_space<vmem>>[vector<16xi32>], vector<16xi32>,
      %add3A_473 = arith.constant 3584 : i32
      %add3A_474 = vector.broadcast %add3A_473 : i32 to vector<16xi32>
      %add3A_475 = arith.addi %add3A_474, %get3A_471 : vector<16xi32>
      %gather3A_476 = tpu.vector_load_idx %arg23[%add3A_475] : memref<4096xi32, #tpu.memory_space<vmem>>[vector<16xi32>], vector<16xi32>,
      %add3A_477 = arith.addi %gather3A_472, %gather3A_476 : vector<16xi32>
      %get3A_478 = arith.constant 464 : index
      %get3A_479 = tpu.vector_load %arg20[%get3A_478] {strides = array<i32>} : memref<512xi32, #tpu.memory_space<vmem>>, vector<16xi32>,
      %add3A_480 = arith.addi %add3A_477, %get3A_479 : vector<16xi32>
      %swap3A_481 = arith.constant 3 : i32
      %swap3A_482 = arith.index_cast %swap3A_481 : i32 to index
      %swap3A_483 = arith.constant 80 : index
      %swap3A_484 = tpu.vector_load %arg21[%swap3A_482, %swap3A_483] {strides = array<i32>} : memref<4x128xi32, #tpu.memory_space<vmem>>, vector<16xi32>,
      tpu.vector_store %arg21[%swap3A_482, %swap3A_483], %add3A_480 {strides = array<i32>} : memref<4x128xi32, #tpu.memory_space<vmem>>, vector<16xi32>,
      %get3A_485 = arith.constant 480 : index
      %get3A_486 = tpu.vector_load %arg17[%get3A_485] {strides = array<i32>} : memref<512xi32, #tpu.memory_space<vmem>>, vector<16xi32>,
      %gather3A_487 = tpu.vector_load_idx %arg26[%get3A_486] : memref<256xi32, #tpu.memory_space<vmem>>[vector<16xi32>], vector<16xi32>,
      %add3A_488 = arith.constant 3840 : i32
      %add3A_489 = vector.broadcast %add3A_488 : i32 to vector<16xi32>
      %add3A_490 = arith.addi %add3A_489, %get3A_486 : vector<16xi32>
      %gather3A_491 = tpu.vector_load_idx %arg23[%add3A_490] : memref<4096xi32, #tpu.memory_space<vmem>>[vector<16xi32>], vector<16xi32>,
      %add3A_492 = arith.addi %gather3A_487, %gather3A_491 : vector<16xi32>
      %get3A_493 = arith.constant 480 : index
      %get3A_494 = tpu.vector_load %arg20[%get3A_493] {strides = array<i32>} : memref<512xi32, #tpu.memory_space<vmem>>, vector<16xi32>,
      %add3A_495 = arith.addi %add3A_492, %get3A_494 : vector<16xi32>
      %swap3A_496 = arith.constant 3 : i32
      %swap3A_497 = arith.index_cast %swap3A_496 : i32 to index
      %swap3A_498 = arith.constant 96 : index
      %swap3A_499 = tpu.vector_load %arg21[%swap3A_497, %swap3A_498] {strides = array<i32>} : memref<4x128xi32, #tpu.memory_space<vmem>>, vector<16xi32>,
      tpu.vector_store %arg21[%swap3A_497, %swap3A_498], %add3A_495 {strides = array<i32>} : memref<4x128xi32, #tpu.memory_space<vmem>>, vector<16xi32>,
      %get3A_500 = arith.constant 496 : index
      %get3A_501 = tpu.vector_load %arg17[%get3A_500] {strides = array<i32>} : memref<512xi32, #tpu.memory_space<vmem>>, vector<16xi32>,
      %gather3A_502 = tpu.vector_load_idx %arg26[%get3A_501] : memref<256xi32, #tpu.memory_space<vmem>>[vector<16xi32>], vector<16xi32>,
      %add3A_503 = arith.constant 3840 : i32
      %add3A_504 = vector.broadcast %add3A_503 : i32 to vector<16xi32>
      %add3A_505 = arith.addi %add3A_504, %get3A_501 : vector<16xi32>
      %gather3A_506 = tpu.vector_load_idx %arg23[%add3A_505] : memref<4096xi32, #tpu.memory_space<vmem>>[vector<16xi32>], vector<16xi32>,
      %add3A_507 = arith.addi %gather3A_502, %gather3A_506 : vector<16xi32>
      %get3A_508 = arith.constant 496 : index
      %get3A_509 = tpu.vector_load %arg20[%get3A_508] {strides = array<i32>} : memref<512xi32, #tpu.memory_space<vmem>>, vector<16xi32>,
      %add3A_510 = arith.addi %add3A_507, %get3A_509 : vector<16xi32>
      %swap3A_511 = arith.constant 3 : i32
      %swap3A_512 = arith.index_cast %swap3A_511 : i32 to index
      %swap3A_513 = arith.constant 112 : index
      %swap3A_514 = tpu.vector_load %arg21[%swap3A_512, %swap3A_513] {strides = array<i32>} : memref<4x128xi32, #tpu.memory_space<vmem>>, vector<16xi32>,
      tpu.vector_store %arg21[%swap3A_512, %swap3A_513], %add3A_510 {strides = array<i32>} : memref<4x128xi32, #tpu.memory_space<vmem>>, vector<16xi32>,
      %dma_start3A = arith.constant 0 : i32
      "tpu.trace_stop"() : () -> ()
      "tpu.trace_start"() <{level = 10 : i32, message = "ph_scatter"}> : () -> ()
      %dma_start3A_515 = arith.constant 0 : i32
      %dma_start3A_516 = tpu.memref_slice %arg16[%dma_start3A_515] : memref<512xi32, #tpu.memory_space<vmem>> -> memref<128xi32, #tpu.memory_space<vmem>>
      %dma_start3A_517 = arith.constant 0 : i32
      %dma_start3A_518 = tpu.memref_slice %arg21[%dma_start3A, %dma_start3A_517] : memref<4x128xi32, #tpu.memory_space<vmem>> -> memref<1x128xi32, #tpu.memory_space<vmem>>
      %dma_start3A_519 = tpu.memref_squeeze %dma_start3A_518 : memref<1x128xi32, #tpu.memory_space<vmem>> -> memref<128xi32, #tpu.memory_space<vmem>>
      %dma_start3A_520 = arith.constant 0 : i32
      %dma_start3A_521 = tpu.memref_slice %arg7[%dma_start3A_520] : memref<8192xi32, #tpu.memory_space<hbm>> -> memref<8192xi32, #tpu.memory_space<hbm>>
      tpu.enqueue_indirect_dma source(%dma_start3A_516 : memref<128xi32, #tpu.memory_space<vmem>>) target(%dma_start3A_521 : memref<8192xi32, #tpu.memory_space<hbm>>) offsets(%dma_start3A_519 : memref<128xi32, #tpu.memory_space<vmem>>) semaphore(%arg34 : memref<!tpu.dma_semaphore, #tpu.memory_space<semaphore_mem>>)
      %dma_start3A_522 = arith.constant 1 : i32
      %dma_start3A_523 = arith.constant 128 : i32
      %dma_start3A_524 = tpu.memref_slice %arg16[%dma_start3A_523] : memref<512xi32, #tpu.memory_space<vmem>> -> memref<128xi32, #tpu.memory_space<vmem>>
      %dma_start3A_525 = arith.constant 0 : i32
      %dma_start3A_526 = tpu.memref_slice %arg21[%dma_start3A_522, %dma_start3A_525] : memref<4x128xi32, #tpu.memory_space<vmem>> -> memref<1x128xi32, #tpu.memory_space<vmem>>
      %dma_start3A_527 = tpu.memref_squeeze %dma_start3A_526 : memref<1x128xi32, #tpu.memory_space<vmem>> -> memref<128xi32, #tpu.memory_space<vmem>>
      %dma_start3A_528 = arith.constant 0 : i32
      %dma_start3A_529 = tpu.memref_slice %arg7[%dma_start3A_528] : memref<8192xi32, #tpu.memory_space<hbm>> -> memref<8192xi32, #tpu.memory_space<hbm>>
      tpu.enqueue_indirect_dma source(%dma_start3A_524 : memref<128xi32, #tpu.memory_space<vmem>>) target(%dma_start3A_529 : memref<8192xi32, #tpu.memory_space<hbm>>) offsets(%dma_start3A_527 : memref<128xi32, #tpu.memory_space<vmem>>) semaphore(%arg34 : memref<!tpu.dma_semaphore, #tpu.memory_space<semaphore_mem>>)
      %dma_start3A_530 = arith.constant 2 : i32
      %dma_start3A_531 = arith.constant 256 : i32
      %dma_start3A_532 = tpu.memref_slice %arg16[%dma_start3A_531] : memref<512xi32, #tpu.memory_space<vmem>> -> memref<128xi32, #tpu.memory_space<vmem>>
      %dma_start3A_533 = arith.constant 0 : i32
      %dma_start3A_534 = tpu.memref_slice %arg21[%dma_start3A_530, %dma_start3A_533] : memref<4x128xi32, #tpu.memory_space<vmem>> -> memref<1x128xi32, #tpu.memory_space<vmem>>
      %dma_start3A_535 = tpu.memref_squeeze %dma_start3A_534 : memref<1x128xi32, #tpu.memory_space<vmem>> -> memref<128xi32, #tpu.memory_space<vmem>>
      %dma_start3A_536 = arith.constant 0 : i32
      %dma_start3A_537 = tpu.memref_slice %arg7[%dma_start3A_536] : memref<8192xi32, #tpu.memory_space<hbm>> -> memref<8192xi32, #tpu.memory_space<hbm>>
      tpu.enqueue_indirect_dma source(%dma_start3A_532 : memref<128xi32, #tpu.memory_space<vmem>>) target(%dma_start3A_537 : memref<8192xi32, #tpu.memory_space<hbm>>) offsets(%dma_start3A_535 : memref<128xi32, #tpu.memory_space<vmem>>) semaphore(%arg34 : memref<!tpu.dma_semaphore, #tpu.memory_space<semaphore_mem>>)
      %dma_start3A_538 = arith.constant 3 : i32
      %dma_start3A_539 = arith.constant 384 : i32
      %dma_start3A_540 = tpu.memref_slice %arg16[%dma_start3A_539] : memref<512xi32, #tpu.memory_space<vmem>> -> memref<128xi32, #tpu.memory_space<vmem>>
      %dma_start3A_541 = arith.constant 0 : i32
      %dma_start3A_542 = tpu.memref_slice %arg21[%dma_start3A_538, %dma_start3A_541] : memref<4x128xi32, #tpu.memory_space<vmem>> -> memref<1x128xi32, #tpu.memory_space<vmem>>
      %dma_start3A_543 = tpu.memref_squeeze %dma_start3A_542 : memref<1x128xi32, #tpu.memory_space<vmem>> -> memref<128xi32, #tpu.memory_space<vmem>>
      %dma_start3A_544 = arith.constant 0 : i32
      %dma_start3A_545 = tpu.memref_slice %arg7[%dma_start3A_544] : memref<8192xi32, #tpu.memory_space<hbm>> -> memref<8192xi32, #tpu.memory_space<hbm>>
      tpu.enqueue_indirect_dma source(%dma_start3A_540 : memref<128xi32, #tpu.memory_space<vmem>>) target(%dma_start3A_545 : memref<8192xi32, #tpu.memory_space<hbm>>) offsets(%dma_start3A_543 : memref<128xi32, #tpu.memory_space<vmem>>) semaphore(%arg34 : memref<!tpu.dma_semaphore, #tpu.memory_space<semaphore_mem>>)
      %dma_start3A_546 = arith.constant 0 : i32
      %dma_start3A_547 = arith.constant 0 : i32
      %dma_start3A_548 = tpu.memref_slice %arg17[%dma_start3A_547] : memref<512xi32, #tpu.memory_space<vmem>> -> memref<128xi32, #tpu.memory_space<vmem>>
      %dma_start3A_549 = arith.constant 0 : i32
      %dma_start3A_550 = tpu.memref_slice %arg21[%dma_start3A_546, %dma_start3A_549] : memref<4x128xi32, #tpu.memory_space<vmem>> -> memref<1x128xi32, #tpu.memory_space<vmem>>
      %dma_start3A_551 = tpu.memref_squeeze %dma_start3A_550 : memref<1x128xi32, #tpu.memory_space<vmem>> -> memref<128xi32, #tpu.memory_space<vmem>>
      %dma_start3A_552 = arith.constant 0 : i32
      %dma_start3A_553 = tpu.memref_slice %arg8[%dma_start3A_552] : memref<8192xi32, #tpu.memory_space<hbm>> -> memref<8192xi32, #tpu.memory_space<hbm>>
      tpu.enqueue_indirect_dma source(%dma_start3A_548 : memref<128xi32, #tpu.memory_space<vmem>>) target(%dma_start3A_553 : memref<8192xi32, #tpu.memory_space<hbm>>) offsets(%dma_start3A_551 : memref<128xi32, #tpu.memory_space<vmem>>) semaphore(%arg34 : memref<!tpu.dma_semaphore, #tpu.memory_space<semaphore_mem>>)
      %dma_start3A_554 = arith.constant 1 : i32
      %dma_start3A_555 = arith.constant 128 : i32
      %dma_start3A_556 = tpu.memref_slice %arg17[%dma_start3A_555] : memref<512xi32, #tpu.memory_space<vmem>> -> memref<128xi32, #tpu.memory_space<vmem>>
      %dma_start3A_557 = arith.constant 0 : i32
      %dma_start3A_558 = tpu.memref_slice %arg21[%dma_start3A_554, %dma_start3A_557] : memref<4x128xi32, #tpu.memory_space<vmem>> -> memref<1x128xi32, #tpu.memory_space<vmem>>
      %dma_start3A_559 = tpu.memref_squeeze %dma_start3A_558 : memref<1x128xi32, #tpu.memory_space<vmem>> -> memref<128xi32, #tpu.memory_space<vmem>>
      %dma_start3A_560 = arith.constant 0 : i32
      %dma_start3A_561 = tpu.memref_slice %arg8[%dma_start3A_560] : memref<8192xi32, #tpu.memory_space<hbm>> -> memref<8192xi32, #tpu.memory_space<hbm>>
      tpu.enqueue_indirect_dma source(%dma_start3A_556 : memref<128xi32, #tpu.memory_space<vmem>>) target(%dma_start3A_561 : memref<8192xi32, #tpu.memory_space<hbm>>) offsets(%dma_start3A_559 : memref<128xi32, #tpu.memory_space<vmem>>) semaphore(%arg34 : memref<!tpu.dma_semaphore, #tpu.memory_space<semaphore_mem>>)
      %dma_start3A_562 = arith.constant 2 : i32
      %dma_start3A_563 = arith.constant 256 : i32
      %dma_start3A_564 = tpu.memref_slice %arg17[%dma_start3A_563] : memref<512xi32, #tpu.memory_space<vmem>> -> memref<128xi32, #tpu.memory_space<vmem>>
      %dma_start3A_565 = arith.constant 0 : i32
      %dma_start3A_566 = tpu.memref_slice %arg21[%dma_start3A_562, %dma_start3A_565] : memref<4x128xi32, #tpu.memory_space<vmem>> -> memref<1x128xi32, #tpu.memory_space<vmem>>
      %dma_start3A_567 = tpu.memref_squeeze %dma_start3A_566 : memref<1x128xi32, #tpu.memory_space<vmem>> -> memref<128xi32, #tpu.memory_space<vmem>>
      %dma_start3A_568 = arith.constant 0 : i32
      %dma_start3A_569 = tpu.memref_slice %arg8[%dma_start3A_568] : memref<8192xi32, #tpu.memory_space<hbm>> -> memref<8192xi32, #tpu.memory_space<hbm>>
      tpu.enqueue_indirect_dma source(%dma_start3A_564 : memref<128xi32, #tpu.memory_space<vmem>>) target(%dma_start3A_569 : memref<8192xi32, #tpu.memory_space<hbm>>) offsets(%dma_start3A_567 : memref<128xi32, #tpu.memory_space<vmem>>) semaphore(%arg34 : memref<!tpu.dma_semaphore, #tpu.memory_space<semaphore_mem>>)
      %dma_start3A_570 = arith.constant 3 : i32
      %dma_start3A_571 = arith.constant 384 : i32
      %dma_start3A_572 = tpu.memref_slice %arg17[%dma_start3A_571] : memref<512xi32, #tpu.memory_space<vmem>> -> memref<128xi32, #tpu.memory_space<vmem>>
      %dma_start3A_573 = arith.constant 0 : i32
      %dma_start3A_574 = tpu.memref_slice %arg21[%dma_start3A_570, %dma_start3A_573] : memref<4x128xi32, #tpu.memory_space<vmem>> -> memref<1x128xi32, #tpu.memory_space<vmem>>
      %dma_start3A_575 = tpu.memref_squeeze %dma_start3A_574 : memref<1x128xi32, #tpu.memory_space<vmem>> -> memref<128xi32, #tpu.memory_space<vmem>>
      %dma_start3A_576 = arith.constant 0 : i32
      %dma_start3A_577 = tpu.memref_slice %arg8[%dma_start3A_576] : memref<8192xi32, #tpu.memory_space<hbm>> -> memref<8192xi32, #tpu.memory_space<hbm>>
      tpu.enqueue_indirect_dma source(%dma_start3A_572 : memref<128xi32, #tpu.memory_space<vmem>>) target(%dma_start3A_577 : memref<8192xi32, #tpu.memory_space<hbm>>) offsets(%dma_start3A_575 : memref<128xi32, #tpu.memory_space<vmem>>) semaphore(%arg34 : memref<!tpu.dma_semaphore, #tpu.memory_space<semaphore_mem>>)
      %dma_start3A_578 = arith.constant 0 : i32
      %dma_start3A_579 = arith.constant 0 : i32
      %dma_start3A_580 = tpu.memref_slice %arg18[%dma_start3A_579] : memref<512xi32, #tpu.memory_space<vmem>> -> memref<128xi32, #tpu.memory_space<vmem>>
      %dma_start3A_581 = arith.constant 0 : i32
      %dma_start3A_582 = tpu.memref_slice %arg21[%dma_start3A_578, %dma_start3A_581] : memref<4x128xi32, #tpu.memory_space<vmem>> -> memref<1x128xi32, #tpu.memory_space<vmem>>
      %dma_start3A_583 = tpu.memref_squeeze %dma_start3A_582 : memref<1x128xi32, #tpu.memory_space<vmem>> -> memref<128xi32, #tpu.memory_space<vmem>>
      %dma_start3A_584 = arith.constant 0 : i32
      %dma_start3A_585 = tpu.memref_slice %arg9[%dma_start3A_584] : memref<8192xi32, #tpu.memory_space<hbm>> -> memref<8192xi32, #tpu.memory_space<hbm>>
      tpu.enqueue_indirect_dma source(%dma_start3A_580 : memref<128xi32, #tpu.memory_space<vmem>>) target(%dma_start3A_585 : memref<8192xi32, #tpu.memory_space<hbm>>) offsets(%dma_start3A_583 : memref<128xi32, #tpu.memory_space<vmem>>) semaphore(%arg34 : memref<!tpu.dma_semaphore, #tpu.memory_space<semaphore_mem>>)
      %dma_start3A_586 = arith.constant 1 : i32
      %dma_start3A_587 = arith.constant 128 : i32
      %dma_start3A_588 = tpu.memref_slice %arg18[%dma_start3A_587] : memref<512xi32, #tpu.memory_space<vmem>> -> memref<128xi32, #tpu.memory_space<vmem>>
      %dma_start3A_589 = arith.constant 0 : i32
      %dma_start3A_590 = tpu.memref_slice %arg21[%dma_start3A_586, %dma_start3A_589] : memref<4x128xi32, #tpu.memory_space<vmem>> -> memref<1x128xi32, #tpu.memory_space<vmem>>
      %dma_start3A_591 = tpu.memref_squeeze %dma_start3A_590 : memref<1x128xi32, #tpu.memory_space<vmem>> -> memref<128xi32, #tpu.memory_space<vmem>>
      %dma_start3A_592 = arith.constant 0 : i32
      %dma_start3A_593 = tpu.memref_slice %arg9[%dma_start3A_592] : memref<8192xi32, #tpu.memory_space<hbm>> -> memref<8192xi32, #tpu.memory_space<hbm>>
      tpu.enqueue_indirect_dma source(%dma_start3A_588 : memref<128xi32, #tpu.memory_space<vmem>>) target(%dma_start3A_593 : memref<8192xi32, #tpu.memory_space<hbm>>) offsets(%dma_start3A_591 : memref<128xi32, #tpu.memory_space<vmem>>) semaphore(%arg34 : memref<!tpu.dma_semaphore, #tpu.memory_space<semaphore_mem>>)
      %dma_start3A_594 = arith.constant 2 : i32
      %dma_start3A_595 = arith.constant 256 : i32
      %dma_start3A_596 = tpu.memref_slice %arg18[%dma_start3A_595] : memref<512xi32, #tpu.memory_space<vmem>> -> memref<128xi32, #tpu.memory_space<vmem>>
      %dma_start3A_597 = arith.constant 0 : i32
      %dma_start3A_598 = tpu.memref_slice %arg21[%dma_start3A_594, %dma_start3A_597] : memref<4x128xi32, #tpu.memory_space<vmem>> -> memref<1x128xi32, #tpu.memory_space<vmem>>
      %dma_start3A_599 = tpu.memref_squeeze %dma_start3A_598 : memref<1x128xi32, #tpu.memory_space<vmem>> -> memref<128xi32, #tpu.memory_space<vmem>>
      %dma_start3A_600 = arith.constant 0 : i32
      %dma_start3A_601 = tpu.memref_slice %arg9[%dma_start3A_600] : memref<8192xi32, #tpu.memory_space<hbm>> -> memref<8192xi32, #tpu.memory_space<hbm>>
      tpu.enqueue_indirect_dma source(%dma_start3A_596 : memref<128xi32, #tpu.memory_space<vmem>>) target(%dma_start3A_601 : memref<8192xi32, #tpu.memory_space<hbm>>) offsets(%dma_start3A_599 : memref<128xi32, #tpu.memory_space<vmem>>) semaphore(%arg34 : memref<!tpu.dma_semaphore, #tpu.memory_space<semaphore_mem>>)
      %dma_start3A_602 = arith.constant 3 : i32
      %dma_start3A_603 = arith.constant 384 : i32
      %dma_start3A_604 = tpu.memref_slice %arg18[%dma_start3A_603] : memref<512xi32, #tpu.memory_space<vmem>> -> memref<128xi32, #tpu.memory_space<vmem>>
      %dma_start3A_605 = arith.constant 0 : i32
      %dma_start3A_606 = tpu.memref_slice %arg21[%dma_start3A_602, %dma_start3A_605] : memref<4x128xi32, #tpu.memory_space<vmem>> -> memref<1x128xi32, #tpu.memory_space<vmem>>
      %dma_start3A_607 = tpu.memref_squeeze %dma_start3A_606 : memref<1x128xi32, #tpu.memory_space<vmem>> -> memref<128xi32, #tpu.memory_space<vmem>>
      %dma_start3A_608 = arith.constant 0 : i32
      %dma_start3A_609 = tpu.memref_slice %arg9[%dma_start3A_608] : memref<8192xi32, #tpu.memory_space<hbm>> -> memref<8192xi32, #tpu.memory_space<hbm>>
      tpu.enqueue_indirect_dma source(%dma_start3A_604 : memref<128xi32, #tpu.memory_space<vmem>>) target(%dma_start3A_609 : memref<8192xi32, #tpu.memory_space<hbm>>) offsets(%dma_start3A_607 : memref<128xi32, #tpu.memory_space<vmem>>) semaphore(%arg34 : memref<!tpu.dma_semaphore, #tpu.memory_space<semaphore_mem>>)
      %dma_start3A_610 = arith.constant 0 : i32
      %dma_start3A_611 = arith.constant 0 : i32
      %dma_start3A_612 = tpu.memref_slice %arg19[%dma_start3A_611] : memref<512xf32, #tpu.memory_space<vmem>> -> memref<128xf32, #tpu.memory_space<vmem>>
      %dma_start3A_613 = arith.constant 0 : i32
      %dma_start3A_614 = tpu.memref_slice %arg21[%dma_start3A_610, %dma_start3A_613] : memref<4x128xi32, #tpu.memory_space<vmem>> -> memref<1x128xi32, #tpu.memory_space<vmem>>
      %dma_start3A_615 = tpu.memref_squeeze %dma_start3A_614 : memref<1x128xi32, #tpu.memory_space<vmem>> -> memref<128xi32, #tpu.memory_space<vmem>>
      %dma_start3A_616 = arith.constant 0 : i32
      %dma_start3A_617 = tpu.memref_slice %arg10[%dma_start3A_616] : memref<8192xf32, #tpu.memory_space<hbm>> -> memref<8192xf32, #tpu.memory_space<hbm>>
      tpu.enqueue_indirect_dma source(%dma_start3A_612 : memref<128xf32, #tpu.memory_space<vmem>>) target(%dma_start3A_617 : memref<8192xf32, #tpu.memory_space<hbm>>) offsets(%dma_start3A_615 : memref<128xi32, #tpu.memory_space<vmem>>) semaphore(%arg34 : memref<!tpu.dma_semaphore, #tpu.memory_space<semaphore_mem>>)
      %dma_start3A_618 = arith.constant 1 : i32
      %dma_start3A_619 = arith.constant 128 : i32
      %dma_start3A_620 = tpu.memref_slice %arg19[%dma_start3A_619] : memref<512xf32, #tpu.memory_space<vmem>> -> memref<128xf32, #tpu.memory_space<vmem>>
      %dma_start3A_621 = arith.constant 0 : i32
      %dma_start3A_622 = tpu.memref_slice %arg21[%dma_start3A_618, %dma_start3A_621] : memref<4x128xi32, #tpu.memory_space<vmem>> -> memref<1x128xi32, #tpu.memory_space<vmem>>
      %dma_start3A_623 = tpu.memref_squeeze %dma_start3A_622 : memref<1x128xi32, #tpu.memory_space<vmem>> -> memref<128xi32, #tpu.memory_space<vmem>>
      %dma_start3A_624 = arith.constant 0 : i32
      %dma_start3A_625 = tpu.memref_slice %arg10[%dma_start3A_624] : memref<8192xf32, #tpu.memory_space<hbm>> -> memref<8192xf32, #tpu.memory_space<hbm>>
      tpu.enqueue_indirect_dma source(%dma_start3A_620 : memref<128xf32, #tpu.memory_space<vmem>>) target(%dma_start3A_625 : memref<8192xf32, #tpu.memory_space<hbm>>) offsets(%dma_start3A_623 : memref<128xi32, #tpu.memory_space<vmem>>) semaphore(%arg34 : memref<!tpu.dma_semaphore, #tpu.memory_space<semaphore_mem>>)
      %dma_start3A_626 = arith.constant 2 : i32
      %dma_start3A_627 = arith.constant 256 : i32
      %dma_start3A_628 = tpu.memref_slice %arg19[%dma_start3A_627] : memref<512xf32, #tpu.memory_space<vmem>> -> memref<128xf32, #tpu.memory_space<vmem>>
      %dma_start3A_629 = arith.constant 0 : i32
      %dma_start3A_630 = tpu.memref_slice %arg21[%dma_start3A_626, %dma_start3A_629] : memref<4x128xi32, #tpu.memory_space<vmem>> -> memref<1x128xi32, #tpu.memory_space<vmem>>
      %dma_start3A_631 = tpu.memref_squeeze %dma_start3A_630 : memref<1x128xi32, #tpu.memory_space<vmem>> -> memref<128xi32, #tpu.memory_space<vmem>>
      %dma_start3A_632 = arith.constant 0 : i32
      %dma_start3A_633 = tpu.memref_slice %arg10[%dma_start3A_632] : memref<8192xf32, #tpu.memory_space<hbm>> -> memref<8192xf32, #tpu.memory_space<hbm>>
      tpu.enqueue_indirect_dma source(%dma_start3A_628 : memref<128xf32, #tpu.memory_space<vmem>>) target(%dma_start3A_633 : memref<8192xf32, #tpu.memory_space<hbm>>) offsets(%dma_start3A_631 : memref<128xi32, #tpu.memory_space<vmem>>) semaphore(%arg34 : memref<!tpu.dma_semaphore, #tpu.memory_space<semaphore_mem>>)
      %dma_start3A_634 = arith.constant 3 : i32
      %dma_start3A_635 = arith.constant 384 : i32
      %dma_start3A_636 = tpu.memref_slice %arg19[%dma_start3A_635] : memref<512xf32, #tpu.memory_space<vmem>> -> memref<128xf32, #tpu.memory_space<vmem>>
      %dma_start3A_637 = arith.constant 0 : i32
      %dma_start3A_638 = tpu.memref_slice %arg21[%dma_start3A_634, %dma_start3A_637] : memref<4x128xi32, #tpu.memory_space<vmem>> -> memref<1x128xi32, #tpu.memory_space<vmem>>
      %dma_start3A_639 = tpu.memref_squeeze %dma_start3A_638 : memref<1x128xi32, #tpu.memory_space<vmem>> -> memref<128xi32, #tpu.memory_space<vmem>>
      %dma_start3A_640 = arith.constant 0 : i32
      %dma_start3A_641 = tpu.memref_slice %arg10[%dma_start3A_640] : memref<8192xf32, #tpu.memory_space<hbm>> -> memref<8192xf32, #tpu.memory_space<hbm>>
      tpu.enqueue_indirect_dma source(%dma_start3A_636 : memref<128xf32, #tpu.memory_space<vmem>>) target(%dma_start3A_641 : memref<8192xf32, #tpu.memory_space<hbm>>) offsets(%dma_start3A_639 : memref<128xi32, #tpu.memory_space<vmem>>) semaphore(%arg34 : memref<!tpu.dma_semaphore, #tpu.memory_space<semaphore_mem>>)
      %dma_wait3A = arith.constant 0 : i32
      %dma_wait3A_642 = arith.constant 0 : i32
      %dma_wait3A_643 = tpu.memref_slice %arg16[%dma_wait3A_642] : memref<512xi32, #tpu.memory_space<vmem>> -> memref<128xi32, #tpu.memory_space<vmem>>
      %dma_wait3A_644 = arith.constant 0 : i32
      %dma_wait3A_645 = tpu.memref_slice %arg21[%dma_wait3A, %dma_wait3A_644] : memref<4x128xi32, #tpu.memory_space<vmem>> -> memref<1x128xi32, #tpu.memory_space<vmem>>
      %dma_wait3A_646 = tpu.memref_squeeze %dma_wait3A_645 : memref<1x128xi32, #tpu.memory_space<vmem>> -> memref<128xi32, #tpu.memory_space<vmem>>
      %dma_wait3A_647 = arith.constant 0 : i32
      %dma_wait3A_648 = tpu.memref_slice %arg7[%dma_wait3A_647] : memref<8192xi32, #tpu.memory_space<hbm>> -> memref<8192xi32, #tpu.memory_space<hbm>>
      tpu.wait_indirect_dma semaphore(%arg34 : memref<!tpu.dma_semaphore, #tpu.memory_space<semaphore_mem>>) src(%dma_wait3A_643 : memref<128xi32, #tpu.memory_space<vmem>>) dst(%dma_wait3A_648 : memref<8192xi32, #tpu.memory_space<hbm>>)
      %dma_wait3A_649 = arith.constant 1 : i32
      %dma_wait3A_650 = arith.constant 128 : i32
      %dma_wait3A_651 = tpu.memref_slice %arg16[%dma_wait3A_650] : memref<512xi32, #tpu.memory_space<vmem>> -> memref<128xi32, #tpu.memory_space<vmem>>
      %dma_wait3A_652 = arith.constant 0 : i32
      %dma_wait3A_653 = tpu.memref_slice %arg21[%dma_wait3A_649, %dma_wait3A_652] : memref<4x128xi32, #tpu.memory_space<vmem>> -> memref<1x128xi32, #tpu.memory_space<vmem>>
      %dma_wait3A_654 = tpu.memref_squeeze %dma_wait3A_653 : memref<1x128xi32, #tpu.memory_space<vmem>> -> memref<128xi32, #tpu.memory_space<vmem>>
      %dma_wait3A_655 = arith.constant 0 : i32
      %dma_wait3A_656 = tpu.memref_slice %arg7[%dma_wait3A_655] : memref<8192xi32, #tpu.memory_space<hbm>> -> memref<8192xi32, #tpu.memory_space<hbm>>
      tpu.wait_indirect_dma semaphore(%arg34 : memref<!tpu.dma_semaphore, #tpu.memory_space<semaphore_mem>>) src(%dma_wait3A_651 : memref<128xi32, #tpu.memory_space<vmem>>) dst(%dma_wait3A_656 : memref<8192xi32, #tpu.memory_space<hbm>>)
      %dma_wait3A_657 = arith.constant 2 : i32
      %dma_wait3A_658 = arith.constant 256 : i32
      %dma_wait3A_659 = tpu.memref_slice %arg16[%dma_wait3A_658] : memref<512xi32, #tpu.memory_space<vmem>> -> memref<128xi32, #tpu.memory_space<vmem>>
      %dma_wait3A_660 = arith.constant 0 : i32
      %dma_wait3A_661 = tpu.memref_slice %arg21[%dma_wait3A_657, %dma_wait3A_660] : memref<4x128xi32, #tpu.memory_space<vmem>> -> memref<1x128xi32, #tpu.memory_space<vmem>>
      %dma_wait3A_662 = tpu.memref_squeeze %dma_wait3A_661 : memref<1x128xi32, #tpu.memory_space<vmem>> -> memref<128xi32, #tpu.memory_space<vmem>>
      %dma_wait3A_663 = arith.constant 0 : i32
      %dma_wait3A_664 = tpu.memref_slice %arg7[%dma_wait3A_663] : memref<8192xi32, #tpu.memory_space<hbm>> -> memref<8192xi32, #tpu.memory_space<hbm>>
      tpu.wait_indirect_dma semaphore(%arg34 : memref<!tpu.dma_semaphore, #tpu.memory_space<semaphore_mem>>) src(%dma_wait3A_659 : memref<128xi32, #tpu.memory_space<vmem>>) dst(%dma_wait3A_664 : memref<8192xi32, #tpu.memory_space<hbm>>)
      %dma_wait3A_665 = arith.constant 3 : i32
      %dma_wait3A_666 = arith.constant 384 : i32
      %dma_wait3A_667 = tpu.memref_slice %arg16[%dma_wait3A_666] : memref<512xi32, #tpu.memory_space<vmem>> -> memref<128xi32, #tpu.memory_space<vmem>>
      %dma_wait3A_668 = arith.constant 0 : i32
      %dma_wait3A_669 = tpu.memref_slice %arg21[%dma_wait3A_665, %dma_wait3A_668] : memref<4x128xi32, #tpu.memory_space<vmem>> -> memref<1x128xi32, #tpu.memory_space<vmem>>
      %dma_wait3A_670 = tpu.memref_squeeze %dma_wait3A_669 : memref<1x128xi32, #tpu.memory_space<vmem>> -> memref<128xi32, #tpu.memory_space<vmem>>
      %dma_wait3A_671 = arith.constant 0 : i32
      %dma_wait3A_672 = tpu.memref_slice %arg7[%dma_wait3A_671] : memref<8192xi32, #tpu.memory_space<hbm>> -> memref<8192xi32, #tpu.memory_space<hbm>>
      tpu.wait_indirect_dma semaphore(%arg34 : memref<!tpu.dma_semaphore, #tpu.memory_space<semaphore_mem>>) src(%dma_wait3A_667 : memref<128xi32, #tpu.memory_space<vmem>>) dst(%dma_wait3A_672 : memref<8192xi32, #tpu.memory_space<hbm>>)
      %dma_wait3A_673 = arith.constant 0 : i32
      %dma_wait3A_674 = arith.constant 0 : i32
      %dma_wait3A_675 = tpu.memref_slice %arg17[%dma_wait3A_674] : memref<512xi32, #tpu.memory_space<vmem>> -> memref<128xi32, #tpu.memory_space<vmem>>
      %dma_wait3A_676 = arith.constant 0 : i32
      %dma_wait3A_677 = tpu.memref_slice %arg21[%dma_wait3A_673, %dma_wait3A_676] : memref<4x128xi32, #tpu.memory_space<vmem>> -> memref<1x128xi32, #tpu.memory_space<vmem>>
      %dma_wait3A_678 = tpu.memref_squeeze %dma_wait3A_677 : memref<1x128xi32, #tpu.memory_space<vmem>> -> memref<128xi32, #tpu.memory_space<vmem>>
      %dma_wait3A_679 = arith.constant 0 : i32
      %dma_wait3A_680 = tpu.memref_slice %arg8[%dma_wait3A_679] : memref<8192xi32, #tpu.memory_space<hbm>> -> memref<8192xi32, #tpu.memory_space<hbm>>
      tpu.wait_indirect_dma semaphore(%arg34 : memref<!tpu.dma_semaphore, #tpu.memory_space<semaphore_mem>>) src(%dma_wait3A_675 : memref<128xi32, #tpu.memory_space<vmem>>) dst(%dma_wait3A_680 : memref<8192xi32, #tpu.memory_space<hbm>>)
      %dma_wait3A_681 = arith.constant 1 : i32
      %dma_wait3A_682 = arith.constant 128 : i32
      %dma_wait3A_683 = tpu.memref_slice %arg17[%dma_wait3A_682] : memref<512xi32, #tpu.memory_space<vmem>> -> memref<128xi32, #tpu.memory_space<vmem>>
      %dma_wait3A_684 = arith.constant 0 : i32
      %dma_wait3A_685 = tpu.memref_slice %arg21[%dma_wait3A_681, %dma_wait3A_684] : memref<4x128xi32, #tpu.memory_space<vmem>> -> memref<1x128xi32, #tpu.memory_space<vmem>>
      %dma_wait3A_686 = tpu.memref_squeeze %dma_wait3A_685 : memref<1x128xi32, #tpu.memory_space<vmem>> -> memref<128xi32, #tpu.memory_space<vmem>>
      %dma_wait3A_687 = arith.constant 0 : i32
      %dma_wait3A_688 = tpu.memref_slice %arg8[%dma_wait3A_687] : memref<8192xi32, #tpu.memory_space<hbm>> -> memref<8192xi32, #tpu.memory_space<hbm>>
      tpu.wait_indirect_dma semaphore(%arg34 : memref<!tpu.dma_semaphore, #tpu.memory_space<semaphore_mem>>) src(%dma_wait3A_683 : memref<128xi32, #tpu.memory_space<vmem>>) dst(%dma_wait3A_688 : memref<8192xi32, #tpu.memory_space<hbm>>)
      %dma_wait3A_689 = arith.constant 2 : i32
      %dma_wait3A_690 = arith.constant 256 : i32
      %dma_wait3A_691 = tpu.memref_slice %arg17[%dma_wait3A_690] : memref<512xi32, #tpu.memory_space<vmem>> -> memref<128xi32, #tpu.memory_space<vmem>>
      %dma_wait3A_692 = arith.constant 0 : i32
      %dma_wait3A_693 = tpu.memref_slice %arg21[%dma_wait3A_689, %dma_wait3A_692] : memref<4x128xi32, #tpu.memory_space<vmem>> -> memref<1x128xi32, #tpu.memory_space<vmem>>
      %dma_wait3A_694 = tpu.memref_squeeze %dma_wait3A_693 : memref<1x128xi32, #tpu.memory_space<vmem>> -> memref<128xi32, #tpu.memory_space<vmem>>
      %dma_wait3A_695 = arith.constant 0 : i32
      %dma_wait3A_696 = tpu.memref_slice %arg8[%dma_wait3A_695] : memref<8192xi32, #tpu.memory_space<hbm>> -> memref<8192xi32, #tpu.memory_space<hbm>>
      tpu.wait_indirect_dma semaphore(%arg34 : memref<!tpu.dma_semaphore, #tpu.memory_space<semaphore_mem>>) src(%dma_wait3A_691 : memref<128xi32, #tpu.memory_space<vmem>>) dst(%dma_wait3A_696 : memref<8192xi32, #tpu.memory_space<hbm>>)
      %dma_wait3A_697 = arith.constant 3 : i32
      %dma_wait3A_698 = arith.constant 384 : i32
      %dma_wait3A_699 = tpu.memref_slice %arg17[%dma_wait3A_698] : memref<512xi32, #tpu.memory_space<vmem>> -> memref<128xi32, #tpu.memory_space<vmem>>
      %dma_wait3A_700 = arith.constant 0 : i32
      %dma_wait3A_701 = tpu.memref_slice %arg21[%dma_wait3A_697, %dma_wait3A_700] : memref<4x128xi32, #tpu.memory_space<vmem>> -> memref<1x128xi32, #tpu.memory_space<vmem>>
      %dma_wait3A_702 = tpu.memref_squeeze %dma_wait3A_701 : memref<1x128xi32, #tpu.memory_space<vmem>> -> memref<128xi32, #tpu.memory_space<vmem>>
      %dma_wait3A_703 = arith.constant 0 : i32
      %dma_wait3A_704 = tpu.memref_slice %arg8[%dma_wait3A_703] : memref<8192xi32, #tpu.memory_space<hbm>> -> memref<8192xi32, #tpu.memory_space<hbm>>
      tpu.wait_indirect_dma semaphore(%arg34 : memref<!tpu.dma_semaphore, #tpu.memory_space<semaphore_mem>>) src(%dma_wait3A_699 : memref<128xi32, #tpu.memory_space<vmem>>) dst(%dma_wait3A_704 : memref<8192xi32, #tpu.memory_space<hbm>>)
      %dma_wait3A_705 = arith.constant 0 : i32
      %dma_wait3A_706 = arith.constant 0 : i32
      %dma_wait3A_707 = tpu.memref_slice %arg18[%dma_wait3A_706] : memref<512xi32, #tpu.memory_space<vmem>> -> memref<128xi32, #tpu.memory_space<vmem>>
      %dma_wait3A_708 = arith.constant 0 : i32
      %dma_wait3A_709 = tpu.memref_slice %arg21[%dma_wait3A_705, %dma_wait3A_708] : memref<4x128xi32, #tpu.memory_space<vmem>> -> memref<1x128xi32, #tpu.memory_space<vmem>>
      %dma_wait3A_710 = tpu.memref_squeeze %dma_wait3A_709 : memref<1x128xi32, #tpu.memory_space<vmem>> -> memref<128xi32, #tpu.memory_space<vmem>>
      %dma_wait3A_711 = arith.constant 0 : i32
      %dma_wait3A_712 = tpu.memref_slice %arg9[%dma_wait3A_711] : memref<8192xi32, #tpu.memory_space<hbm>> -> memref<8192xi32, #tpu.memory_space<hbm>>
      tpu.wait_indirect_dma semaphore(%arg34 : memref<!tpu.dma_semaphore, #tpu.memory_space<semaphore_mem>>) src(%dma_wait3A_707 : memref<128xi32, #tpu.memory_space<vmem>>) dst(%dma_wait3A_712 : memref<8192xi32, #tpu.memory_space<hbm>>)
      %dma_wait3A_713 = arith.constant 1 : i32
      %dma_wait3A_714 = arith.constant 128 : i32
      %dma_wait3A_715 = tpu.memref_slice %arg18[%dma_wait3A_714] : memref<512xi32, #tpu.memory_space<vmem>> -> memref<128xi32, #tpu.memory_space<vmem>>
      %dma_wait3A_716 = arith.constant 0 : i32
      %dma_wait3A_717 = tpu.memref_slice %arg21[%dma_wait3A_713, %dma_wait3A_716] : memref<4x128xi32, #tpu.memory_space<vmem>> -> memref<1x128xi32, #tpu.memory_space<vmem>>
      %dma_wait3A_718 = tpu.memref_squeeze %dma_wait3A_717 : memref<1x128xi32, #tpu.memory_space<vmem>> -> memref<128xi32, #tpu.memory_space<vmem>>
      %dma_wait3A_719 = arith.constant 0 : i32
      %dma_wait3A_720 = tpu.memref_slice %arg9[%dma_wait3A_719] : memref<8192xi32, #tpu.memory_space<hbm>> -> memref<8192xi32, #tpu.memory_space<hbm>>
      tpu.wait_indirect_dma semaphore(%arg34 : memref<!tpu.dma_semaphore, #tpu.memory_space<semaphore_mem>>) src(%dma_wait3A_715 : memref<128xi32, #tpu.memory_space<vmem>>) dst(%dma_wait3A_720 : memref<8192xi32, #tpu.memory_space<hbm>>)
      %dma_wait3A_721 = arith.constant 2 : i32
      %dma_wait3A_722 = arith.constant 256 : i32
      %dma_wait3A_723 = tpu.memref_slice %arg18[%dma_wait3A_722] : memref<512xi32, #tpu.memory_space<vmem>> -> memref<128xi32, #tpu.memory_space<vmem>>
      %dma_wait3A_724 = arith.constant 0 : i32
      %dma_wait3A_725 = tpu.memref_slice %arg21[%dma_wait3A_721, %dma_wait3A_724] : memref<4x128xi32, #tpu.memory_space<vmem>> -> memref<1x128xi32, #tpu.memory_space<vmem>>
      %dma_wait3A_726 = tpu.memref_squeeze %dma_wait3A_725 : memref<1x128xi32, #tpu.memory_space<vmem>> -> memref<128xi32, #tpu.memory_space<vmem>>
      %dma_wait3A_727 = arith.constant 0 : i32
      %dma_wait3A_728 = tpu.memref_slice %arg9[%dma_wait3A_727] : memref<8192xi32, #tpu.memory_space<hbm>> -> memref<8192xi32, #tpu.memory_space<hbm>>
      tpu.wait_indirect_dma semaphore(%arg34 : memref<!tpu.dma_semaphore, #tpu.memory_space<semaphore_mem>>) src(%dma_wait3A_723 : memref<128xi32, #tpu.memory_space<vmem>>) dst(%dma_wait3A_728 : memref<8192xi32, #tpu.memory_space<hbm>>)
      %dma_wait3A_729 = arith.constant 3 : i32
      %dma_wait3A_730 = arith.constant 384 : i32
      %dma_wait3A_731 = tpu.memref_slice %arg18[%dma_wait3A_730] : memref<512xi32, #tpu.memory_space<vmem>> -> memref<128xi32, #tpu.memory_space<vmem>>
      %dma_wait3A_732 = arith.constant 0 : i32
      %dma_wait3A_733 = tpu.memref_slice %arg21[%dma_wait3A_729, %dma_wait3A_732] : memref<4x128xi32, #tpu.memory_space<vmem>> -> memref<1x128xi32, #tpu.memory_space<vmem>>
      %dma_wait3A_734 = tpu.memref_squeeze %dma_wait3A_733 : memref<1x128xi32, #tpu.memory_space<vmem>> -> memref<128xi32, #tpu.memory_space<vmem>>
      %dma_wait3A_735 = arith.constant 0 : i32
      %dma_wait3A_736 = tpu.memref_slice %arg9[%dma_wait3A_735] : memref<8192xi32, #tpu.memory_space<hbm>> -> memref<8192xi32, #tpu.memory_space<hbm>>
      tpu.wait_indirect_dma semaphore(%arg34 : memref<!tpu.dma_semaphore, #tpu.memory_space<semaphore_mem>>) src(%dma_wait3A_731 : memref<128xi32, #tpu.memory_space<vmem>>) dst(%dma_wait3A_736 : memref<8192xi32, #tpu.memory_space<hbm>>)
      %dma_wait3A_737 = arith.constant 0 : i32
      %dma_wait3A_738 = arith.constant 0 : i32
      %dma_wait3A_739 = tpu.memref_slice %arg19[%dma_wait3A_738] : memref<512xf32, #tpu.memory_space<vmem>> -> memref<128xf32, #tpu.memory_space<vmem>>
      %dma_wait3A_740 = arith.constant 0 : i32
      %dma_wait3A_741 = tpu.memref_slice %arg21[%dma_wait3A_737, %dma_wait3A_740] : memref<4x128xi32, #tpu.memory_space<vmem>> -> memref<1x128xi32, #tpu.memory_space<vmem>>
      %dma_wait3A_742 = tpu.memref_squeeze %dma_wait3A_741 : memref<1x128xi32, #tpu.memory_space<vmem>> -> memref<128xi32, #tpu.memory_space<vmem>>
      %dma_wait3A_743 = arith.constant 0 : i32
      %dma_wait3A_744 = tpu.memref_slice %arg10[%dma_wait3A_743] : memref<8192xf32, #tpu.memory_space<hbm>> -> memref<8192xf32, #tpu.memory_space<hbm>>
      tpu.wait_indirect_dma semaphore(%arg34 : memref<!tpu.dma_semaphore, #tpu.memory_space<semaphore_mem>>) src(%dma_wait3A_739 : memref<128xf32, #tpu.memory_space<vmem>>) dst(%dma_wait3A_744 : memref<8192xf32, #tpu.memory_space<hbm>>)
      %dma_wait3A_745 = arith.constant 1 : i32
      %dma_wait3A_746 = arith.constant 128 : i32
      %dma_wait3A_747 = tpu.memref_slice %arg19[%dma_wait3A_746] : memref<512xf32, #tpu.memory_space<vmem>> -> memref<128xf32, #tpu.memory_space<vmem>>
      %dma_wait3A_748 = arith.constant 0 : i32
      %dma_wait3A_749 = tpu.memref_slice %arg21[%dma_wait3A_745, %dma_wait3A_748] : memref<4x128xi32, #tpu.memory_space<vmem>> -> memref<1x128xi32, #tpu.memory_space<vmem>>
      %dma_wait3A_750 = tpu.memref_squeeze %dma_wait3A_749 : memref<1x128xi32, #tpu.memory_space<vmem>> -> memref<128xi32, #tpu.memory_space<vmem>>
      %dma_wait3A_751 = arith.constant 0 : i32
      %dma_wait3A_752 = tpu.memref_slice %arg10[%dma_wait3A_751] : memref<8192xf32, #tpu.memory_space<hbm>> -> memref<8192xf32, #tpu.memory_space<hbm>>
      tpu.wait_indirect_dma semaphore(%arg34 : memref<!tpu.dma_semaphore, #tpu.memory_space<semaphore_mem>>) src(%dma_wait3A_747 : memref<128xf32, #tpu.memory_space<vmem>>) dst(%dma_wait3A_752 : memref<8192xf32, #tpu.memory_space<hbm>>)
      %dma_wait3A_753 = arith.constant 2 : i32
      %dma_wait3A_754 = arith.constant 256 : i32
      %dma_wait3A_755 = tpu.memref_slice %arg19[%dma_wait3A_754] : memref<512xf32, #tpu.memory_space<vmem>> -> memref<128xf32, #tpu.memory_space<vmem>>
      %dma_wait3A_756 = arith.constant 0 : i32
      %dma_wait3A_757 = tpu.memref_slice %arg21[%dma_wait3A_753, %dma_wait3A_756] : memref<4x128xi32, #tpu.memory_space<vmem>> -> memref<1x128xi32, #tpu.memory_space<vmem>>
      %dma_wait3A_758 = tpu.memref_squeeze %dma_wait3A_757 : memref<1x128xi32, #tpu.memory_space<vmem>> -> memref<128xi32, #tpu.memory_space<vmem>>
      %dma_wait3A_759 = arith.constant 0 : i32
      %dma_wait3A_760 = tpu.memref_slice %arg10[%dma_wait3A_759] : memref<8192xf32, #tpu.memory_space<hbm>> -> memref<8192xf32, #tpu.memory_space<hbm>>
      tpu.wait_indirect_dma semaphore(%arg34 : memref<!tpu.dma_semaphore, #tpu.memory_space<semaphore_mem>>) src(%dma_wait3A_755 : memref<128xf32, #tpu.memory_space<vmem>>) dst(%dma_wait3A_760 : memref<8192xf32, #tpu.memory_space<hbm>>)
      %dma_wait3A_761 = arith.constant 3 : i32
      %dma_wait3A_762 = arith.constant 384 : i32
      %dma_wait3A_763 = tpu.memref_slice %arg19[%dma_wait3A_762] : memref<512xf32, #tpu.memory_space<vmem>> -> memref<128xf32, #tpu.memory_space<vmem>>
      %dma_wait3A_764 = arith.constant 0 : i32
      %dma_wait3A_765 = tpu.memref_slice %arg21[%dma_wait3A_761, %dma_wait3A_764] : memref<4x128xi32, #tpu.memory_space<vmem>> -> memref<1x128xi32, #tpu.memory_space<vmem>>
      %dma_wait3A_766 = tpu.memref_squeeze %dma_wait3A_765 : memref<1x128xi32, #tpu.memory_space<vmem>> -> memref<128xi32, #tpu.memory_space<vmem>>
      %dma_wait3A_767 = arith.constant 0 : i32
      %dma_wait3A_768 = tpu.memref_slice %arg10[%dma_wait3A_767] : memref<8192xf32, #tpu.memory_space<hbm>> -> memref<8192xf32, #tpu.memory_space<hbm>>
      tpu.wait_indirect_dma semaphore(%arg34 : memref<!tpu.dma_semaphore, #tpu.memory_space<semaphore_mem>>) src(%dma_wait3A_763 : memref<128xf32, #tpu.memory_space<vmem>>) dst(%dma_wait3A_768 : memref<8192xf32, #tpu.memory_space<hbm>>)
      "tpu.trace_stop"() : () -> ()
    } else {
    }
    %eq3A_5 = arith.constant 1 : i32
    %eq3A_6 = arith.cmpi eq, %arg0, %eq3A_5 : i32
    %convert_element_type3A_7 = arith.extui %eq3A_6 : i1 to i32
    %cond3A_8 = arith.constant 0 : i32
    %cond3A_9 = arith.cmpi ne, %convert_element_type3A_7, %cond3A_8 : i32
    scf.if %cond3A_9 {
      %broadcast_in_dim3A = arith.constant -1 : i32
      %broadcast_in_dim3A_10 = vector.broadcast %broadcast_in_dim3A : i32 to vector<16xi32>
      %broadcast_in_dim3A_11 = arith.constant 0.000000e+00 : f32
      %broadcast_in_dim3A_12 = vector.broadcast %broadcast_in_dim3A_11 : f32 to vector<16xf32>
      %scan3A = arith.constant 0 : i32
      %scan3A_13 = arith.constant 64 : i32
      %scan3A_14 = arith.addi %scan3A, %scan3A_13 : i32
      %scan3A_15 = arith.constant 1 : i32
      scf.for %scan3A_43 = %scan3A to %scan3A_14 step %scan3A_15  : i32 {
        %mul3A_44 = arith.constant 1 : i32
        %mul3A_45 = arith.muli %scan3A_43, %mul3A_44 : i32
        %add3A_46 = arith.constant 0 : i32
        %add3A_47 = arith.addi %add3A_46, %mul3A_45 : i32
        %mul3A_48 = arith.constant 16 : i32
        %mul3A_49 = arith.muli %add3A_47, %mul3A_48 : i32
        %swap3A = arith.index_cast %mul3A_49 : i32 to index
        %swap3A_50 = tpu.vector_load %arg31[%swap3A] {strides = array<i32>} : memref<1024xi32, #tpu.memory_space<vmem>>, vector<16xi32>,
        tpu.vector_store %arg31[%swap3A], %broadcast_in_dim3A_10 {strides = array<i32>} : memref<1024xi32, #tpu.memory_space<vmem>>, vector<16xi32>,
        %mul3A_51 = arith.constant 16 : i32
        %mul3A_52 = arith.muli %add3A_47, %mul3A_51 : i32
        %swap3A_53 = arith.index_cast %mul3A_52 : i32 to index
        %swap3A_54 = tpu.vector_load %arg32[%swap3A_53] {strides = array<i32>} : memref<1024xf32, #tpu.memory_space<vmem>>, vector<16xf32>,
        tpu.vector_store %arg32[%swap3A_53], %broadcast_in_dim3A_12 {strides = array<i32>} : memref<1024xf32, #tpu.memory_space<vmem>>, vector<16xf32>,
      }
      %scan3A_16 = arith.constant 64 : i32
      %sub3A = arith.constant 32768 : i32
      %sub3A_17 = arith.subi %sub3A, %squeeze3A : i32
      %mul3A = arith.constant 2048 : i32
      %mul3A_18 = arith.muli %arg1, %mul3A : i32
      %add3A = arith.constant 0 : i32
      %add3A_19 = arith.addi %mul3A_18, %add3A : i32
      %multiple_of3A = tpu.assume_multiple %add3A_19, 8 : i32
      %add3A_20 = arith.addi %add3A_19, %squeeze3A : i32
      %multiple_of3A_21 = tpu.assume_multiple %add3A_20, 8 : i32
      %lt3A = arith.cmpi slt, %add3A_19, %sub3A_17 : i32
      %convert_element_type3A_22 = arith.extui %lt3A : i1 to i32
      %cond3A_23 = arith.constant 0 : i32
      %cond3A_24 = arith.cmpi ne, %convert_element_type3A_22, %cond3A_23 : i32
      scf.if %cond3A_24 {
        "tpu.region"() ({
          %run_scoped3A = tpu.sem_alloc : memref<!tpu.dma_semaphore, #tpu.memory_space<semaphore_mem>>
          %dma_start3A = tpu.memref_slice %arg3[%multiple_of3A_21] : memref<32768xi32, #tpu.memory_space<hbm>> -> memref<1024xi32, #tpu.memory_space<hbm>>
          %dma_start3A_43 = tpu.memref_slice %arg3[%multiple_of3A_21] : memref<32768xi32, #tpu.memory_space<hbm>> -> memref<1024xi32, #tpu.memory_space<hbm>>
          tpu.enqueue_dma source(%dma_start3A_43 : memref<1024xi32, #tpu.memory_space<hbm>>) target(%arg29 : memref<1024xi32, #tpu.memory_space<vmem>>) target_semaphore(%run_scoped3A : memref<!tpu.dma_semaphore, #tpu.memory_space<semaphore_mem>>)
          %dma_wait3A = tpu.memref_slice %arg3[%multiple_of3A_21] : memref<32768xi32, #tpu.memory_space<hbm>> -> memref<1024xi32, #tpu.memory_space<hbm>>
          %dma_wait3A_44 = tpu.memref_slice %arg3[%multiple_of3A_21] : memref<32768xi32, #tpu.memory_space<hbm>> -> memref<1024xi32, #tpu.memory_space<hbm>>
          tpu.wait_dma2 semaphore(%run_scoped3A : memref<!tpu.dma_semaphore, #tpu.memory_space<semaphore_mem>>) src(%dma_wait3A_44 : memref<1024xi32, #tpu.memory_space<hbm>>) dst(%arg29 : memref<1024xi32, #tpu.memory_space<vmem>>)
          tpu.yield
        }) : () -> ()
        "tpu.region"() ({
          %run_scoped3A = tpu.sem_alloc : memref<!tpu.dma_semaphore, #tpu.memory_space<semaphore_mem>>
          %dma_start3A = tpu.memref_slice %arg11[%multiple_of3A] : memref<32768xi32, #tpu.memory_space<hbm>> -> memref<1024xi32, #tpu.memory_space<hbm>>
          %dma_start3A_43 = tpu.memref_slice %arg11[%multiple_of3A] : memref<32768xi32, #tpu.memory_space<hbm>> -> memref<1024xi32, #tpu.memory_space<hbm>>
          tpu.enqueue_dma source(%arg29 : memref<1024xi32, #tpu.memory_space<vmem>>) target(%dma_start3A_43 : memref<1024xi32, #tpu.memory_space<hbm>>) target_semaphore(%run_scoped3A : memref<!tpu.dma_semaphore, #tpu.memory_space<semaphore_mem>>)
          %dma_wait3A = tpu.memref_slice %arg11[%multiple_of3A] : memref<32768xi32, #tpu.memory_space<hbm>> -> memref<1024xi32, #tpu.memory_space<hbm>>
          %dma_wait3A_44 = tpu.memref_slice %arg11[%multiple_of3A] : memref<32768xi32, #tpu.memory_space<hbm>> -> memref<1024xi32, #tpu.memory_space<hbm>>
          tpu.wait_dma2 semaphore(%run_scoped3A : memref<!tpu.dma_semaphore, #tpu.memory_space<semaphore_mem>>) src(%arg29 : memref<1024xi32, #tpu.memory_space<vmem>>) dst(%dma_wait3A_44 : memref<1024xi32, #tpu.memory_space<hbm>>)
          tpu.yield
        }) : () -> ()
        "tpu.region"() ({
          %run_scoped3A = tpu.sem_alloc : memref<!tpu.dma_semaphore, #tpu.memory_space<semaphore_mem>>
          %dma_start3A = tpu.memref_slice %arg4[%multiple_of3A_21] : memref<32768xi32, #tpu.memory_space<hbm>> -> memref<1024xi32, #tpu.memory_space<hbm>>
          %dma_start3A_43 = tpu.memref_slice %arg4[%multiple_of3A_21] : memref<32768xi32, #tpu.memory_space<hbm>> -> memref<1024xi32, #tpu.memory_space<hbm>>
          tpu.enqueue_dma source(%dma_start3A_43 : memref<1024xi32, #tpu.memory_space<hbm>>) target(%arg29 : memref<1024xi32, #tpu.memory_space<vmem>>) target_semaphore(%run_scoped3A : memref<!tpu.dma_semaphore, #tpu.memory_space<semaphore_mem>>)
          %dma_wait3A = tpu.memref_slice %arg4[%multiple_of3A_21] : memref<32768xi32, #tpu.memory_space<hbm>> -> memref<1024xi32, #tpu.memory_space<hbm>>
          %dma_wait3A_44 = tpu.memref_slice %arg4[%multiple_of3A_21] : memref<32768xi32, #tpu.memory_space<hbm>> -> memref<1024xi32, #tpu.memory_space<hbm>>
          tpu.wait_dma2 semaphore(%run_scoped3A : memref<!tpu.dma_semaphore, #tpu.memory_space<semaphore_mem>>) src(%dma_wait3A_44 : memref<1024xi32, #tpu.memory_space<hbm>>) dst(%arg29 : memref<1024xi32, #tpu.memory_space<vmem>>)
          tpu.yield
        }) : () -> ()
        "tpu.region"() ({
          %run_scoped3A = tpu.sem_alloc : memref<!tpu.dma_semaphore, #tpu.memory_space<semaphore_mem>>
          %dma_start3A = tpu.memref_slice %arg12[%multiple_of3A] : memref<32768xi32, #tpu.memory_space<hbm>> -> memref<1024xi32, #tpu.memory_space<hbm>>
          %dma_start3A_43 = tpu.memref_slice %arg12[%multiple_of3A] : memref<32768xi32, #tpu.memory_space<hbm>> -> memref<1024xi32, #tpu.memory_space<hbm>>
          tpu.enqueue_dma source(%arg29 : memref<1024xi32, #tpu.memory_space<vmem>>) target(%dma_start3A_43 : memref<1024xi32, #tpu.memory_space<hbm>>) target_semaphore(%run_scoped3A : memref<!tpu.dma_semaphore, #tpu.memory_space<semaphore_mem>>)
          %dma_wait3A = tpu.memref_slice %arg12[%multiple_of3A] : memref<32768xi32, #tpu.memory_space<hbm>> -> memref<1024xi32, #tpu.memory_space<hbm>>
          %dma_wait3A_44 = tpu.memref_slice %arg12[%multiple_of3A] : memref<32768xi32, #tpu.memory_space<hbm>> -> memref<1024xi32, #tpu.memory_space<hbm>>
          tpu.wait_dma2 semaphore(%run_scoped3A : memref<!tpu.dma_semaphore, #tpu.memory_space<semaphore_mem>>) src(%arg29 : memref<1024xi32, #tpu.memory_space<vmem>>) dst(%dma_wait3A_44 : memref<1024xi32, #tpu.memory_space<hbm>>)
          tpu.yield
        }) : () -> ()
        "tpu.region"() ({
          %run_scoped3A = tpu.sem_alloc : memref<!tpu.dma_semaphore, #tpu.memory_space<semaphore_mem>>
          %dma_start3A = tpu.memref_slice %arg5[%multiple_of3A_21] : memref<32768xi32, #tpu.memory_space<hbm>> -> memref<1024xi32, #tpu.memory_space<hbm>>
          %dma_start3A_43 = tpu.memref_slice %arg5[%multiple_of3A_21] : memref<32768xi32, #tpu.memory_space<hbm>> -> memref<1024xi32, #tpu.memory_space<hbm>>
          tpu.enqueue_dma source(%dma_start3A_43 : memref<1024xi32, #tpu.memory_space<hbm>>) target(%arg29 : memref<1024xi32, #tpu.memory_space<vmem>>) target_semaphore(%run_scoped3A : memref<!tpu.dma_semaphore, #tpu.memory_space<semaphore_mem>>)
          %dma_wait3A = tpu.memref_slice %arg5[%multiple_of3A_21] : memref<32768xi32, #tpu.memory_space<hbm>> -> memref<1024xi32, #tpu.memory_space<hbm>>
          %dma_wait3A_44 = tpu.memref_slice %arg5[%multiple_of3A_21] : memref<32768xi32, #tpu.memory_space<hbm>> -> memref<1024xi32, #tpu.memory_space<hbm>>
          tpu.wait_dma2 semaphore(%run_scoped3A : memref<!tpu.dma_semaphore, #tpu.memory_space<semaphore_mem>>) src(%dma_wait3A_44 : memref<1024xi32, #tpu.memory_space<hbm>>) dst(%arg29 : memref<1024xi32, #tpu.memory_space<vmem>>)
          tpu.yield
        }) : () -> ()
        "tpu.region"() ({
          %run_scoped3A = tpu.sem_alloc : memref<!tpu.dma_semaphore, #tpu.memory_space<semaphore_mem>>
          %dma_start3A = tpu.memref_slice %arg13[%multiple_of3A] : memref<32768xi32, #tpu.memory_space<hbm>> -> memref<1024xi32, #tpu.memory_space<hbm>>
          %dma_start3A_43 = tpu.memref_slice %arg13[%multiple_of3A] : memref<32768xi32, #tpu.memory_space<hbm>> -> memref<1024xi32, #tpu.memory_space<hbm>>
          tpu.enqueue_dma source(%arg29 : memref<1024xi32, #tpu.memory_space<vmem>>) target(%dma_start3A_43 : memref<1024xi32, #tpu.memory_space<hbm>>) target_semaphore(%run_scoped3A : memref<!tpu.dma_semaphore, #tpu.memory_space<semaphore_mem>>)
          %dma_wait3A = tpu.memref_slice %arg13[%multiple_of3A] : memref<32768xi32, #tpu.memory_space<hbm>> -> memref<1024xi32, #tpu.memory_space<hbm>>
          %dma_wait3A_44 = tpu.memref_slice %arg13[%multiple_of3A] : memref<32768xi32, #tpu.memory_space<hbm>> -> memref<1024xi32, #tpu.memory_space<hbm>>
          tpu.wait_dma2 semaphore(%run_scoped3A : memref<!tpu.dma_semaphore, #tpu.memory_space<semaphore_mem>>) src(%arg29 : memref<1024xi32, #tpu.memory_space<vmem>>) dst(%dma_wait3A_44 : memref<1024xi32, #tpu.memory_space<hbm>>)
          tpu.yield
        }) : () -> ()
        "tpu.region"() ({
          %run_scoped3A = tpu.sem_alloc : memref<!tpu.dma_semaphore, #tpu.memory_space<semaphore_mem>>
          %dma_start3A = tpu.memref_slice %arg2[%multiple_of3A_21] : memref<32768xf32, #tpu.memory_space<hbm>> -> memref<1024xf32, #tpu.memory_space<hbm>>
          %dma_start3A_43 = tpu.memref_slice %arg2[%multiple_of3A_21] : memref<32768xf32, #tpu.memory_space<hbm>> -> memref<1024xf32, #tpu.memory_space<hbm>>
          tpu.enqueue_dma source(%dma_start3A_43 : memref<1024xf32, #tpu.memory_space<hbm>>) target(%arg30 : memref<1024xf32, #tpu.memory_space<vmem>>) target_semaphore(%run_scoped3A : memref<!tpu.dma_semaphore, #tpu.memory_space<semaphore_mem>>)
          %dma_wait3A = tpu.memref_slice %arg2[%multiple_of3A_21] : memref<32768xf32, #tpu.memory_space<hbm>> -> memref<1024xf32, #tpu.memory_space<hbm>>
          %dma_wait3A_44 = tpu.memref_slice %arg2[%multiple_of3A_21] : memref<32768xf32, #tpu.memory_space<hbm>> -> memref<1024xf32, #tpu.memory_space<hbm>>
          tpu.wait_dma2 semaphore(%run_scoped3A : memref<!tpu.dma_semaphore, #tpu.memory_space<semaphore_mem>>) src(%dma_wait3A_44 : memref<1024xf32, #tpu.memory_space<hbm>>) dst(%arg30 : memref<1024xf32, #tpu.memory_space<vmem>>)
          tpu.yield
        }) : () -> ()
        "tpu.region"() ({
          %run_scoped3A = tpu.sem_alloc : memref<!tpu.dma_semaphore, #tpu.memory_space<semaphore_mem>>
          %dma_start3A = tpu.memref_slice %arg14[%multiple_of3A] : memref<32768xf32, #tpu.memory_space<hbm>> -> memref<1024xf32, #tpu.memory_space<hbm>>
          %dma_start3A_43 = tpu.memref_slice %arg14[%multiple_of3A] : memref<32768xf32, #tpu.memory_space<hbm>> -> memref<1024xf32, #tpu.memory_space<hbm>>
          tpu.enqueue_dma source(%arg30 : memref<1024xf32, #tpu.memory_space<vmem>>) target(%dma_start3A_43 : memref<1024xf32, #tpu.memory_space<hbm>>) target_semaphore(%run_scoped3A : memref<!tpu.dma_semaphore, #tpu.memory_space<semaphore_mem>>)
          %dma_wait3A = tpu.memref_slice %arg14[%multiple_of3A] : memref<32768xf32, #tpu.memory_space<hbm>> -> memref<1024xf32, #tpu.memory_space<hbm>>
          %dma_wait3A_44 = tpu.memref_slice %arg14[%multiple_of3A] : memref<32768xf32, #tpu.memory_space<hbm>> -> memref<1024xf32, #tpu.memory_space<hbm>>
          tpu.wait_dma2 semaphore(%run_scoped3A : memref<!tpu.dma_semaphore, #tpu.memory_space<semaphore_mem>>) src(%arg30 : memref<1024xf32, #tpu.memory_space<vmem>>) dst(%dma_wait3A_44 : memref<1024xf32, #tpu.memory_space<hbm>>)
          tpu.yield
        }) : () -> ()
      } else {
      }
      %ge3A = arith.cmpi sge, %add3A_19, %sub3A_17 : i32
      %convert_element_type3A_25 = arith.extui %ge3A : i1 to i32
      %cond3A_26 = arith.constant 0 : i32
      %cond3A_27 = arith.cmpi ne, %convert_element_type3A_25, %cond3A_26 : i32
      scf.if %cond3A_27 {
        "tpu.region"() ({
          %run_scoped3A = tpu.sem_alloc : memref<!tpu.dma_semaphore, #tpu.memory_space<semaphore_mem>>
          %dma_start3A = tpu.memref_slice %arg11[%multiple_of3A] : memref<32768xi32, #tpu.memory_space<hbm>> -> memref<1024xi32, #tpu.memory_space<hbm>>
          %dma_start3A_43 = tpu.memref_slice %arg11[%multiple_of3A] : memref<32768xi32, #tpu.memory_space<hbm>> -> memref<1024xi32, #tpu.memory_space<hbm>>
          tpu.enqueue_dma source(%arg31 : memref<1024xi32, #tpu.memory_space<vmem>>) target(%dma_start3A_43 : memref<1024xi32, #tpu.memory_space<hbm>>) target_semaphore(%run_scoped3A : memref<!tpu.dma_semaphore, #tpu.memory_space<semaphore_mem>>)
          %dma_wait3A = tpu.memref_slice %arg11[%multiple_of3A] : memref<32768xi32, #tpu.memory_space<hbm>> -> memref<1024xi32, #tpu.memory_space<hbm>>
          %dma_wait3A_44 = tpu.memref_slice %arg11[%multiple_of3A] : memref<32768xi32, #tpu.memory_space<hbm>> -> memref<1024xi32, #tpu.memory_space<hbm>>
          tpu.wait_dma2 semaphore(%run_scoped3A : memref<!tpu.dma_semaphore, #tpu.memory_space<semaphore_mem>>) src(%arg31 : memref<1024xi32, #tpu.memory_space<vmem>>) dst(%dma_wait3A_44 : memref<1024xi32, #tpu.memory_space<hbm>>)
          tpu.yield
        }) : () -> ()
        "tpu.region"() ({
          %run_scoped3A = tpu.sem_alloc : memref<!tpu.dma_semaphore, #tpu.memory_space<semaphore_mem>>
          %dma_start3A = tpu.memref_slice %arg12[%multiple_of3A] : memref<32768xi32, #tpu.memory_space<hbm>> -> memref<1024xi32, #tpu.memory_space<hbm>>
          %dma_start3A_43 = tpu.memref_slice %arg12[%multiple_of3A] : memref<32768xi32, #tpu.memory_space<hbm>> -> memref<1024xi32, #tpu.memory_space<hbm>>
          tpu.enqueue_dma source(%arg31 : memref<1024xi32, #tpu.memory_space<vmem>>) target(%dma_start3A_43 : memref<1024xi32, #tpu.memory_space<hbm>>) target_semaphore(%run_scoped3A : memref<!tpu.dma_semaphore, #tpu.memory_space<semaphore_mem>>)
          %dma_wait3A = tpu.memref_slice %arg12[%multiple_of3A] : memref<32768xi32, #tpu.memory_space<hbm>> -> memref<1024xi32, #tpu.memory_space<hbm>>
          %dma_wait3A_44 = tpu.memref_slice %arg12[%multiple_of3A] : memref<32768xi32, #tpu.memory_space<hbm>> -> memref<1024xi32, #tpu.memory_space<hbm>>
          tpu.wait_dma2 semaphore(%run_scoped3A : memref<!tpu.dma_semaphore, #tpu.memory_space<semaphore_mem>>) src(%arg31 : memref<1024xi32, #tpu.memory_space<vmem>>) dst(%dma_wait3A_44 : memref<1024xi32, #tpu.memory_space<hbm>>)
          tpu.yield
        }) : () -> ()
        "tpu.region"() ({
          %run_scoped3A = tpu.sem_alloc : memref<!tpu.dma_semaphore, #tpu.memory_space<semaphore_mem>>
          %dma_start3A = tpu.memref_slice %arg13[%multiple_of3A] : memref<32768xi32, #tpu.memory_space<hbm>> -> memref<1024xi32, #tpu.memory_space<hbm>>
          %dma_start3A_43 = tpu.memref_slice %arg13[%multiple_of3A] : memref<32768xi32, #tpu.memory_space<hbm>> -> memref<1024xi32, #tpu.memory_space<hbm>>
          tpu.enqueue_dma source(%arg31 : memref<1024xi32, #tpu.memory_space<vmem>>) target(%dma_start3A_43 : memref<1024xi32, #tpu.memory_space<hbm>>) target_semaphore(%run_scoped3A : memref<!tpu.dma_semaphore, #tpu.memory_space<semaphore_mem>>)
          %dma_wait3A = tpu.memref_slice %arg13[%multiple_of3A] : memref<32768xi32, #tpu.memory_space<hbm>> -> memref<1024xi32, #tpu.memory_space<hbm>>
          %dma_wait3A_44 = tpu.memref_slice %arg13[%multiple_of3A] : memref<32768xi32, #tpu.memory_space<hbm>> -> memref<1024xi32, #tpu.memory_space<hbm>>
          tpu.wait_dma2 semaphore(%run_scoped3A : memref<!tpu.dma_semaphore, #tpu.memory_space<semaphore_mem>>) src(%arg31 : memref<1024xi32, #tpu.memory_space<vmem>>) dst(%dma_wait3A_44 : memref<1024xi32, #tpu.memory_space<hbm>>)
          tpu.yield
        }) : () -> ()
        "tpu.region"() ({
          %run_scoped3A = tpu.sem_alloc : memref<!tpu.dma_semaphore, #tpu.memory_space<semaphore_mem>>
          %dma_start3A = tpu.memref_slice %arg14[%multiple_of3A] : memref<32768xf32, #tpu.memory_space<hbm>> -> memref<1024xf32, #tpu.memory_space<hbm>>
          %dma_start3A_43 = tpu.memref_slice %arg14[%multiple_of3A] : memref<32768xf32, #tpu.memory_space<hbm>> -> memref<1024xf32, #tpu.memory_space<hbm>>
          tpu.enqueue_dma source(%arg32 : memref<1024xf32, #tpu.memory_space<vmem>>) target(%dma_start3A_43 : memref<1024xf32, #tpu.memory_space<hbm>>) target_semaphore(%run_scoped3A : memref<!tpu.dma_semaphore, #tpu.memory_space<semaphore_mem>>)
          %dma_wait3A = tpu.memref_slice %arg14[%multiple_of3A] : memref<32768xf32, #tpu.memory_space<hbm>> -> memref<1024xf32, #tpu.memory_space<hbm>>
          %dma_wait3A_44 = tpu.memref_slice %arg14[%multiple_of3A] : memref<32768xf32, #tpu.memory_space<hbm>> -> memref<1024xf32, #tpu.memory_space<hbm>>
          tpu.wait_dma2 semaphore(%run_scoped3A : memref<!tpu.dma_semaphore, #tpu.memory_space<semaphore_mem>>) src(%arg32 : memref<1024xf32, #tpu.memory_space<vmem>>) dst(%dma_wait3A_44 : memref<1024xf32, #tpu.memory_space<hbm>>)
          tpu.yield
        }) : () -> ()
      } else {
      }
      %mul3A_28 = arith.constant 2048 : i32
      %mul3A_29 = arith.muli %arg1, %mul3A_28 : i32
      %add3A_30 = arith.constant 1024 : i32
      %add3A_31 = arith.addi %mul3A_29, %add3A_30 : i32
      %multiple_of3A_32 = tpu.assume_multiple %add3A_31, 8 : i32
      %add3A_33 = arith.addi %add3A_31, %squeeze3A : i32
      %multiple_of3A_34 = tpu.assume_multiple %add3A_33, 8 : i32
      %lt3A_35 = arith.cmpi slt, %add3A_31, %sub3A_17 : i32
      %convert_element_type3A_36 = arith.extui %lt3A_35 : i1 to i32
      %cond3A_37 = arith.constant 0 : i32
      %cond3A_38 = arith.cmpi ne, %convert_element_type3A_36, %cond3A_37 : i32
      scf.if %cond3A_38 {
        "tpu.region"() ({
          %run_scoped3A = tpu.sem_alloc : memref<!tpu.dma_semaphore, #tpu.memory_space<semaphore_mem>>
          %dma_start3A = tpu.memref_slice %arg3[%multiple_of3A_34] : memref<32768xi32, #tpu.memory_space<hbm>> -> memref<1024xi32, #tpu.memory_space<hbm>>
          %dma_start3A_43 = tpu.memref_slice %arg3[%multiple_of3A_34] : memref<32768xi32, #tpu.memory_space<hbm>> -> memref<1024xi32, #tpu.memory_space<hbm>>
          tpu.enqueue_dma source(%dma_start3A_43 : memref<1024xi32, #tpu.memory_space<hbm>>) target(%arg29 : memref<1024xi32, #tpu.memory_space<vmem>>) target_semaphore(%run_scoped3A : memref<!tpu.dma_semaphore, #tpu.memory_space<semaphore_mem>>)
          %dma_wait3A = tpu.memref_slice %arg3[%multiple_of3A_34] : memref<32768xi32, #tpu.memory_space<hbm>> -> memref<1024xi32, #tpu.memory_space<hbm>>
          %dma_wait3A_44 = tpu.memref_slice %arg3[%multiple_of3A_34] : memref<32768xi32, #tpu.memory_space<hbm>> -> memref<1024xi32, #tpu.memory_space<hbm>>
          tpu.wait_dma2 semaphore(%run_scoped3A : memref<!tpu.dma_semaphore, #tpu.memory_space<semaphore_mem>>) src(%dma_wait3A_44 : memref<1024xi32, #tpu.memory_space<hbm>>) dst(%arg29 : memref<1024xi32, #tpu.memory_space<vmem>>)
          tpu.yield
        }) : () -> ()
        "tpu.region"() ({
          %run_scoped3A = tpu.sem_alloc : memref<!tpu.dma_semaphore, #tpu.memory_space<semaphore_mem>>
          %dma_start3A = tpu.memref_slice %arg11[%multiple_of3A_32] : memref<32768xi32, #tpu.memory_space<hbm>> -> memref<1024xi32, #tpu.memory_space<hbm>>
          %dma_start3A_43 = tpu.memref_slice %arg11[%multiple_of3A_32] : memref<32768xi32, #tpu.memory_space<hbm>> -> memref<1024xi32, #tpu.memory_space<hbm>>
          tpu.enqueue_dma source(%arg29 : memref<1024xi32, #tpu.memory_space<vmem>>) target(%dma_start3A_43 : memref<1024xi32, #tpu.memory_space<hbm>>) target_semaphore(%run_scoped3A : memref<!tpu.dma_semaphore, #tpu.memory_space<semaphore_mem>>)
          %dma_wait3A = tpu.memref_slice %arg11[%multiple_of3A_32] : memref<32768xi32, #tpu.memory_space<hbm>> -> memref<1024xi32, #tpu.memory_space<hbm>>
          %dma_wait3A_44 = tpu.memref_slice %arg11[%multiple_of3A_32] : memref<32768xi32, #tpu.memory_space<hbm>> -> memref<1024xi32, #tpu.memory_space<hbm>>
          tpu.wait_dma2 semaphore(%run_scoped3A : memref<!tpu.dma_semaphore, #tpu.memory_space<semaphore_mem>>) src(%arg29 : memref<1024xi32, #tpu.memory_space<vmem>>) dst(%dma_wait3A_44 : memref<1024xi32, #tpu.memory_space<hbm>>)
          tpu.yield
        }) : () -> ()
        "tpu.region"() ({
          %run_scoped3A = tpu.sem_alloc : memref<!tpu.dma_semaphore, #tpu.memory_space<semaphore_mem>>
          %dma_start3A = tpu.memref_slice %arg4[%multiple_of3A_34] : memref<32768xi32, #tpu.memory_space<hbm>> -> memref<1024xi32, #tpu.memory_space<hbm>>
          %dma_start3A_43 = tpu.memref_slice %arg4[%multiple_of3A_34] : memref<32768xi32, #tpu.memory_space<hbm>> -> memref<1024xi32, #tpu.memory_space<hbm>>
          tpu.enqueue_dma source(%dma_start3A_43 : memref<1024xi32, #tpu.memory_space<hbm>>) target(%arg29 : memref<1024xi32, #tpu.memory_space<vmem>>) target_semaphore(%run_scoped3A : memref<!tpu.dma_semaphore, #tpu.memory_space<semaphore_mem>>)
          %dma_wait3A = tpu.memref_slice %arg4[%multiple_of3A_34] : memref<32768xi32, #tpu.memory_space<hbm>> -> memref<1024xi32, #tpu.memory_space<hbm>>
          %dma_wait3A_44 = tpu.memref_slice %arg4[%multiple_of3A_34] : memref<32768xi32, #tpu.memory_space<hbm>> -> memref<1024xi32, #tpu.memory_space<hbm>>
          tpu.wait_dma2 semaphore(%run_scoped3A : memref<!tpu.dma_semaphore, #tpu.memory_space<semaphore_mem>>) src(%dma_wait3A_44 : memref<1024xi32, #tpu.memory_space<hbm>>) dst(%arg29 : memref<1024xi32, #tpu.memory_space<vmem>>)
          tpu.yield
        }) : () -> ()
        "tpu.region"() ({
          %run_scoped3A = tpu.sem_alloc : memref<!tpu.dma_semaphore, #tpu.memory_space<semaphore_mem>>
          %dma_start3A = tpu.memref_slice %arg12[%multiple_of3A_32] : memref<32768xi32, #tpu.memory_space<hbm>> -> memref<1024xi32, #tpu.memory_space<hbm>>
          %dma_start3A_43 = tpu.memref_slice %arg12[%multiple_of3A_32] : memref<32768xi32, #tpu.memory_space<hbm>> -> memref<1024xi32, #tpu.memory_space<hbm>>
          tpu.enqueue_dma source(%arg29 : memref<1024xi32, #tpu.memory_space<vmem>>) target(%dma_start3A_43 : memref<1024xi32, #tpu.memory_space<hbm>>) target_semaphore(%run_scoped3A : memref<!tpu.dma_semaphore, #tpu.memory_space<semaphore_mem>>)
          %dma_wait3A = tpu.memref_slice %arg12[%multiple_of3A_32] : memref<32768xi32, #tpu.memory_space<hbm>> -> memref<1024xi32, #tpu.memory_space<hbm>>
          %dma_wait3A_44 = tpu.memref_slice %arg12[%multiple_of3A_32] : memref<32768xi32, #tpu.memory_space<hbm>> -> memref<1024xi32, #tpu.memory_space<hbm>>
          tpu.wait_dma2 semaphore(%run_scoped3A : memref<!tpu.dma_semaphore, #tpu.memory_space<semaphore_mem>>) src(%arg29 : memref<1024xi32, #tpu.memory_space<vmem>>) dst(%dma_wait3A_44 : memref<1024xi32, #tpu.memory_space<hbm>>)
          tpu.yield
        }) : () -> ()
        "tpu.region"() ({
          %run_scoped3A = tpu.sem_alloc : memref<!tpu.dma_semaphore, #tpu.memory_space<semaphore_mem>>
          %dma_start3A = tpu.memref_slice %arg5[%multiple_of3A_34] : memref<32768xi32, #tpu.memory_space<hbm>> -> memref<1024xi32, #tpu.memory_space<hbm>>
          %dma_start3A_43 = tpu.memref_slice %arg5[%multiple_of3A_34] : memref<32768xi32, #tpu.memory_space<hbm>> -> memref<1024xi32, #tpu.memory_space<hbm>>
          tpu.enqueue_dma source(%dma_start3A_43 : memref<1024xi32, #tpu.memory_space<hbm>>) target(%arg29 : memref<1024xi32, #tpu.memory_space<vmem>>) target_semaphore(%run_scoped3A : memref<!tpu.dma_semaphore, #tpu.memory_space<semaphore_mem>>)
          %dma_wait3A = tpu.memref_slice %arg5[%multiple_of3A_34] : memref<32768xi32, #tpu.memory_space<hbm>> -> memref<1024xi32, #tpu.memory_space<hbm>>
          %dma_wait3A_44 = tpu.memref_slice %arg5[%multiple_of3A_34] : memref<32768xi32, #tpu.memory_space<hbm>> -> memref<1024xi32, #tpu.memory_space<hbm>>
          tpu.wait_dma2 semaphore(%run_scoped3A : memref<!tpu.dma_semaphore, #tpu.memory_space<semaphore_mem>>) src(%dma_wait3A_44 : memref<1024xi32, #tpu.memory_space<hbm>>) dst(%arg29 : memref<1024xi32, #tpu.memory_space<vmem>>)
          tpu.yield
        }) : () -> ()
        "tpu.region"() ({
          %run_scoped3A = tpu.sem_alloc : memref<!tpu.dma_semaphore, #tpu.memory_space<semaphore_mem>>
          %dma_start3A = tpu.memref_slice %arg13[%multiple_of3A_32] : memref<32768xi32, #tpu.memory_space<hbm>> -> memref<1024xi32, #tpu.memory_space<hbm>>
          %dma_start3A_43 = tpu.memref_slice %arg13[%multiple_of3A_32] : memref<32768xi32, #tpu.memory_space<hbm>> -> memref<1024xi32, #tpu.memory_space<hbm>>
          tpu.enqueue_dma source(%arg29 : memref<1024xi32, #tpu.memory_space<vmem>>) target(%dma_start3A_43 : memref<1024xi32, #tpu.memory_space<hbm>>) target_semaphore(%run_scoped3A : memref<!tpu.dma_semaphore, #tpu.memory_space<semaphore_mem>>)
          %dma_wait3A = tpu.memref_slice %arg13[%multiple_of3A_32] : memref<32768xi32, #tpu.memory_space<hbm>> -> memref<1024xi32, #tpu.memory_space<hbm>>
          %dma_wait3A_44 = tpu.memref_slice %arg13[%multiple_of3A_32] : memref<32768xi32, #tpu.memory_space<hbm>> -> memref<1024xi32, #tpu.memory_space<hbm>>
          tpu.wait_dma2 semaphore(%run_scoped3A : memref<!tpu.dma_semaphore, #tpu.memory_space<semaphore_mem>>) src(%arg29 : memref<1024xi32, #tpu.memory_space<vmem>>) dst(%dma_wait3A_44 : memref<1024xi32, #tpu.memory_space<hbm>>)
          tpu.yield
        }) : () -> ()
        "tpu.region"() ({
          %run_scoped3A = tpu.sem_alloc : memref<!tpu.dma_semaphore, #tpu.memory_space<semaphore_mem>>
          %dma_start3A = tpu.memref_slice %arg2[%multiple_of3A_34] : memref<32768xf32, #tpu.memory_space<hbm>> -> memref<1024xf32, #tpu.memory_space<hbm>>
          %dma_start3A_43 = tpu.memref_slice %arg2[%multiple_of3A_34] : memref<32768xf32, #tpu.memory_space<hbm>> -> memref<1024xf32, #tpu.memory_space<hbm>>
          tpu.enqueue_dma source(%dma_start3A_43 : memref<1024xf32, #tpu.memory_space<hbm>>) target(%arg30 : memref<1024xf32, #tpu.memory_space<vmem>>) target_semaphore(%run_scoped3A : memref<!tpu.dma_semaphore, #tpu.memory_space<semaphore_mem>>)
          %dma_wait3A = tpu.memref_slice %arg2[%multiple_of3A_34] : memref<32768xf32, #tpu.memory_space<hbm>> -> memref<1024xf32, #tpu.memory_space<hbm>>
          %dma_wait3A_44 = tpu.memref_slice %arg2[%multiple_of3A_34] : memref<32768xf32, #tpu.memory_space<hbm>> -> memref<1024xf32, #tpu.memory_space<hbm>>
          tpu.wait_dma2 semaphore(%run_scoped3A : memref<!tpu.dma_semaphore, #tpu.memory_space<semaphore_mem>>) src(%dma_wait3A_44 : memref<1024xf32, #tpu.memory_space<hbm>>) dst(%arg30 : memref<1024xf32, #tpu.memory_space<vmem>>)
          tpu.yield
        }) : () -> ()
        "tpu.region"() ({
          %run_scoped3A = tpu.sem_alloc : memref<!tpu.dma_semaphore, #tpu.memory_space<semaphore_mem>>
          %dma_start3A = tpu.memref_slice %arg14[%multiple_of3A_32] : memref<32768xf32, #tpu.memory_space<hbm>> -> memref<1024xf32, #tpu.memory_space<hbm>>
          %dma_start3A_43 = tpu.memref_slice %arg14[%multiple_of3A_32] : memref<32768xf32, #tpu.memory_space<hbm>> -> memref<1024xf32, #tpu.memory_space<hbm>>
          tpu.enqueue_dma source(%arg30 : memref<1024xf32, #tpu.memory_space<vmem>>) target(%dma_start3A_43 : memref<1024xf32, #tpu.memory_space<hbm>>) target_semaphore(%run_scoped3A : memref<!tpu.dma_semaphore, #tpu.memory_space<semaphore_mem>>)
          %dma_wait3A = tpu.memref_slice %arg14[%multiple_of3A_32] : memref<32768xf32, #tpu.memory_space<hbm>> -> memref<1024xf32, #tpu.memory_space<hbm>>
          %dma_wait3A_44 = tpu.memref_slice %arg14[%multiple_of3A_32] : memref<32768xf32, #tpu.memory_space<hbm>> -> memref<1024xf32, #tpu.memory_space<hbm>>
          tpu.wait_dma2 semaphore(%run_scoped3A : memref<!tpu.dma_semaphore, #tpu.memory_space<semaphore_mem>>) src(%arg30 : memref<1024xf32, #tpu.memory_space<vmem>>) dst(%dma_wait3A_44 : memref<1024xf32, #tpu.memory_space<hbm>>)
          tpu.yield
        }) : () -> ()
      } else {
      }
      %ge3A_39 = arith.cmpi sge, %add3A_31, %sub3A_17 : i32
      %convert_element_type3A_40 = arith.extui %ge3A_39 : i1 to i32
      %cond3A_41 = arith.constant 0 : i32
      %cond3A_42 = arith.cmpi ne, %convert_element_type3A_40, %cond3A_41 : i32
      scf.if %cond3A_42 {
        "tpu.region"() ({
          %run_scoped3A = tpu.sem_alloc : memref<!tpu.dma_semaphore, #tpu.memory_space<semaphore_mem>>
          %dma_start3A = tpu.memref_slice %arg11[%multiple_of3A_32] : memref<32768xi32, #tpu.memory_space<hbm>> -> memref<1024xi32, #tpu.memory_space<hbm>>
          %dma_start3A_43 = tpu.memref_slice %arg11[%multiple_of3A_32] : memref<32768xi32, #tpu.memory_space<hbm>> -> memref<1024xi32, #tpu.memory_space<hbm>>
          tpu.enqueue_dma source(%arg31 : memref<1024xi32, #tpu.memory_space<vmem>>) target(%dma_start3A_43 : memref<1024xi32, #tpu.memory_space<hbm>>) target_semaphore(%run_scoped3A : memref<!tpu.dma_semaphore, #tpu.memory_space<semaphore_mem>>)
          %dma_wait3A = tpu.memref_slice %arg11[%multiple_of3A_32] : memref<32768xi32, #tpu.memory_space<hbm>> -> memref<1024xi32, #tpu.memory_space<hbm>>
          %dma_wait3A_44 = tpu.memref_slice %arg11[%multiple_of3A_32] : memref<32768xi32, #tpu.memory_space<hbm>> -> memref<1024xi32, #tpu.memory_space<hbm>>
          tpu.wait_dma2 semaphore(%run_scoped3A : memref<!tpu.dma_semaphore, #tpu.memory_space<semaphore_mem>>) src(%arg31 : memref<1024xi32, #tpu.memory_space<vmem>>) dst(%dma_wait3A_44 : memref<1024xi32, #tpu.memory_space<hbm>>)
          tpu.yield
        }) : () -> ()
        "tpu.region"() ({
          %run_scoped3A = tpu.sem_alloc : memref<!tpu.dma_semaphore, #tpu.memory_space<semaphore_mem>>
          %dma_start3A = tpu.memref_slice %arg12[%multiple_of3A_32] : memref<32768xi32, #tpu.memory_space<hbm>> -> memref<1024xi32, #tpu.memory_space<hbm>>
          %dma_start3A_43 = tpu.memref_slice %arg12[%multiple_of3A_32] : memref<32768xi32, #tpu.memory_space<hbm>> -> memref<1024xi32, #tpu.memory_space<hbm>>
          tpu.enqueue_dma source(%arg31 : memref<1024xi32, #tpu.memory_space<vmem>>) target(%dma_start3A_43 : memref<1024xi32, #tpu.memory_space<hbm>>) target_semaphore(%run_scoped3A : memref<!tpu.dma_semaphore, #tpu.memory_space<semaphore_mem>>)
          %dma_wait3A = tpu.memref_slice %arg12[%multiple_of3A_32] : memref<32768xi32, #tpu.memory_space<hbm>> -> memref<1024xi32, #tpu.memory_space<hbm>>
          %dma_wait3A_44 = tpu.memref_slice %arg12[%multiple_of3A_32] : memref<32768xi32, #tpu.memory_space<hbm>> -> memref<1024xi32, #tpu.memory_space<hbm>>
          tpu.wait_dma2 semaphore(%run_scoped3A : memref<!tpu.dma_semaphore, #tpu.memory_space<semaphore_mem>>) src(%arg31 : memref<1024xi32, #tpu.memory_space<vmem>>) dst(%dma_wait3A_44 : memref<1024xi32, #tpu.memory_space<hbm>>)
          tpu.yield
        }) : () -> ()
        "tpu.region"() ({
          %run_scoped3A = tpu.sem_alloc : memref<!tpu.dma_semaphore, #tpu.memory_space<semaphore_mem>>
          %dma_start3A = tpu.memref_slice %arg13[%multiple_of3A_32] : memref<32768xi32, #tpu.memory_space<hbm>> -> memref<1024xi32, #tpu.memory_space<hbm>>
          %dma_start3A_43 = tpu.memref_slice %arg13[%multiple_of3A_32] : memref<32768xi32, #tpu.memory_space<hbm>> -> memref<1024xi32, #tpu.memory_space<hbm>>
          tpu.enqueue_dma source(%arg31 : memref<1024xi32, #tpu.memory_space<vmem>>) target(%dma_start3A_43 : memref<1024xi32, #tpu.memory_space<hbm>>) target_semaphore(%run_scoped3A : memref<!tpu.dma_semaphore, #tpu.memory_space<semaphore_mem>>)
          %dma_wait3A = tpu.memref_slice %arg13[%multiple_of3A_32] : memref<32768xi32, #tpu.memory_space<hbm>> -> memref<1024xi32, #tpu.memory_space<hbm>>
          %dma_wait3A_44 = tpu.memref_slice %arg13[%multiple_of3A_32] : memref<32768xi32, #tpu.memory_space<hbm>> -> memref<1024xi32, #tpu.memory_space<hbm>>
          tpu.wait_dma2 semaphore(%run_scoped3A : memref<!tpu.dma_semaphore, #tpu.memory_space<semaphore_mem>>) src(%arg31 : memref<1024xi32, #tpu.memory_space<vmem>>) dst(%dma_wait3A_44 : memref<1024xi32, #tpu.memory_space<hbm>>)
          tpu.yield
        }) : () -> ()
        "tpu.region"() ({
          %run_scoped3A = tpu.sem_alloc : memref<!tpu.dma_semaphore, #tpu.memory_space<semaphore_mem>>
          %dma_start3A = tpu.memref_slice %arg14[%multiple_of3A_32] : memref<32768xf32, #tpu.memory_space<hbm>> -> memref<1024xf32, #tpu.memory_space<hbm>>
          %dma_start3A_43 = tpu.memref_slice %arg14[%multiple_of3A_32] : memref<32768xf32, #tpu.memory_space<hbm>> -> memref<1024xf32, #tpu.memory_space<hbm>>
          tpu.enqueue_dma source(%arg32 : memref<1024xf32, #tpu.memory_space<vmem>>) target(%dma_start3A_43 : memref<1024xf32, #tpu.memory_space<hbm>>) target_semaphore(%run_scoped3A : memref<!tpu.dma_semaphore, #tpu.memory_space<semaphore_mem>>)
          %dma_wait3A = tpu.memref_slice %arg14[%multiple_of3A_32] : memref<32768xf32, #tpu.memory_space<hbm>> -> memref<1024xf32, #tpu.memory_space<hbm>>
          %dma_wait3A_44 = tpu.memref_slice %arg14[%multiple_of3A_32] : memref<32768xf32, #tpu.memory_space<hbm>> -> memref<1024xf32, #tpu.memory_space<hbm>>
          tpu.wait_dma2 semaphore(%run_scoped3A : memref<!tpu.dma_semaphore, #tpu.memory_space<semaphore_mem>>) src(%arg32 : memref<1024xf32, #tpu.memory_space<vmem>>) dst(%dma_wait3A_44 : memref<1024xf32, #tpu.memory_space<hbm>>)
          tpu.yield
        }) : () -> ()
      } else {
      }
    } else {
    }
    return
  }
}

</mosaic_0001>

<sc_bundles>
// kernel: _packed.3.cloned.1.call-start
scs
__scs_entry_jumppad:
0x0: {  	(pc) =	sbr.rel $0x88, $3  }
0x1: {  	(tag) =	ssettag $0x0;
	lr =	simm.s32 $0x1  }
0x2: {  	[smem:$0x3F9C] =	sst lr;
	_ =	strace $0xD0000000  }
0x3: {  	_ = 	snop  }
0x4: {  	_ = 	snop  }
0x5: {  	_ = 	snop  }
0x6: {  	_ = 	snop  }
0x7: {  	_ = 	snop  }
__scs_overlays_trampoline_lowered:
0x8: {  	[smem:$0x3FAB] =	sst s0  }
0x9: {  	[smem:$0x3FAC] =	sst s1  }
0xa: {  	[smem:$0x3FAD] =	sst s2  }
0xb: {  	[smem:$0x3FAE] =	sst s3  }
0xc: {  	[smem:$0x3FAF] =	sst s4  }
0xd: {  	[smem:$0x3FB0] =	sst s5  }
0xe: {  	[smem:$0x3FB1] =	sst s6  }
0xf: {  	[smem:$0x3FB2] =	sst s7  }
0x10: {  	[smem:$0x3FB3] =	sst s8  }
0x11: {  	[smem:$0x3FB4] =	sst s9;
	s0 =	simm.s32 @!p0 $0x0  }
0x12: {  	s1 =	sld [smem:$0x3F9A];
	s0 =	simm.s32 @p0 $0x1  }
0x13: {  	[smem:$0x3FB5] =	sst s0;
	s0 =	simm.s32 @!p1 $0x0  }
0x14: {  	s2 =	sld [smem:$0x3F99];
	s0 =	simm.s32 @p1 $0x1  }
0x15: {  	[smem:$0x3FB6] =	sst s0;
	s0 =	simm.s32 @!p2 $0x0  }
0x16: {  	s3 =	sld [smem:$0x3FDB];
	s0 =	simm.s32 @p2 $0x1  }
0x17: {  	s4 =	simm.s32 $0x1BF5;
	[smem:$0x3FB8] =	sst s0  }
0x18: {  	s0 =	sld [smem:$0x3F9B];
	_ =	swait.ge [sflag:s4], $0x0  }
0x19: {  	s7 =	sld [smem:$0x3F9C]  }
0x1a: {  	s8 =	sadd.s32 $0xFFFFE003, lr  }
0x1b: {  	s9 =	sadd.s32 $0xFFFFFEF7, lr;
	s5 =	simm.s32 $0xFFFFFFFF;
	p2 =	slt.u32 s8, $0xFFFFF086  }
0x1c: {  	p1 =	slt.u32 s9, $0xF7A;
	s5 =	simm.s32 @!p2 $0x0  }
0x1d: {  	s5 =	simm.s32 @p1 $0x1;
	p0 =	seq.s32 s7, s2  }
0x1e: {  	s7 =	smul.u32 @!p0 $0xF7A, s2;
	p2 =	seq.s32 @!p0 s5, $0x0  }
0x1f: {  	s9 =	smul.u32 $0xF7A, s1;
	s8 =	simm.s32 @!p0 $0x1BF5;
	p2 =	por !p2, p0  }
0x20: {  	[sflag:s8] =	ssyncset.s32 @!p0 $0xFFFFF086;
	s6 =	sadd.s32 @!p0 s3, s7;
	s7 =	simm.s32 @!p0 $0x108  }
0x21: {  	s3 =	sadd.s32 s3, s9;
	s6 =	sadd.s32 @!p0 $0x88, s6;
	s7 =	simm.s32 @p2 $0x1082  }
0x22: {  	[simem:s7], [sflag:s8] =	dma.local @!p0 [hbm:s6], $0xF7A  }
0x23: {  	s9 =	sor.u32 $0xD0000000, s2;
	s6 =	simm.s32 $0x108;
	_ =	swait.ge @!p0 [sflag:s8], $0x0  }
0x24: {  	s3 =	sadd.s32 $0x88, s3;
	s6 =	simm.s32 @!p1 $0x1082;
	[sflag:s4] =	ssyncset.s32 $0xFFFFF086  }
0x25: {  	[simem:s6], [sflag:s4] =	dma.local [hbm:s3], $0xF7A  }
0x26: {  	[smem:$0x3F9C] =	sst s1;
	(tag) =	ssettag s2;
	_ =	strace s9  }
0x27: {  	s1 =	sld [smem:$0x3FAC]  }
0x28: {  	s2 =	sld [smem:$0x3FAD]  }
0x29: {  	s4 =	sld [smem:$0x3FAF]  }
0x2a: {  	p0 =	seq.s32 s5, $0x0;
	s5 =	sld [smem:$0x3FB0]  }
0x2b: {  	s6 =	sld [smem:$0x3FB1]  }
0x2c: {  	s7 =	sld [smem:$0x3FB2]  }
0x2d: {  	s3 =	simm.s32 $0x108;
	s8 =	sld [smem:$0x3FB3]  }
0x2e: {  	s3 =	simm.s32 @!p0 $0x1082;
	s9 =	sld [smem:$0x3FB4]  }
0x2f: {  	lr =	sadd.s32 s0, s3;
	s0 =	sld [smem:$0x3FAB]  }
0x30: {  	s3 =	sld [smem:$0x3FAE]  }
0x31: {  	[smem:$0x3FB7] =	sst s10  }
0x32: {  	s10 =	sld [smem:$0x3FB5];
	_ =	sdelay $0x3  }
0x33: {  	p0 =	seq.s32 s10, $0x1;
	s10 =	sld [smem:$0x3FB7];
	_ =	sdelay $0x3  }
0x34: {  	[smem:$0x3FB7] =	sst s10  }
0x35: {  	s10 =	sld [smem:$0x3FB6];
	_ =	sdelay $0x3  }
0x36: {  	p1 =	seq.s32 s10, $0x1;
	s10 =	sld [smem:$0x3FB7];
	_ =	sdelay $0x3  }
0x37: {  	[smem:$0x3FB7] =	sst s10  }
0x38: {  	s10 =	sld [smem:$0x3FB8]  }
0x39: {  	_ = 	snop;
	(pc) =	sbr.ind lr, $3  }
0x3a: {  	_ = 	snop  }
0x3b: {  	_ = 	snop  }
0x3c: {  	p2 =	seq.s32 s10, $0x1;
	s10 =	sld [smem:$0x3FB7]  }
0x3d: {  	_ =	shalt  }
0x3e: {  	_ =	shalt  }
0x3f: {  	_ =	shalt  }
0x40: {  	_ =	shalt  }
0x41: {  	_ =	shalt  }
0x42: {  	_ =	shalt  }
0x43: {  	_ =	shalt  }
0x44: {  	_ =	shalt  }
0x45: {  	_ =	shalt  }
0x46: {  	_ =	shalt  }
0x47: {  	_ =	shalt  }
0x48: {  	_ =	shalt  }
0x49: {  	_ =	shalt  }
0x4a: {  	_ =	shalt  }
0x4b: {  	_ =	shalt  }
0x4c: {  	_ =	shalt  }
0x4d: {  	_ =	shalt  }
0x4e: {  	_ =	shalt  }
0x4f: {  	_ =	shalt  }
0x50: {  	_ =	shalt  }
0x51: {  	_ =	shalt  }
0x52: {  	_ =	shalt  }
0x53: {  	_ =	shalt  }
0x54: {  	_ =	shalt  }
0x55: {  	_ =	shalt  }
0x56: {  	_ =	shalt  }
0x57: {  	_ =	shalt  }
0x58: {  	_ =	shalt  }
0x59: {  	_ =	shalt  }
0x5a: {  	_ =	shalt  }
0x5b: {  	_ =	shalt  }
0x5c: {  	_ =	shalt  }
0x5d: {  	_ =	shalt  }
0x5e: {  	_ =	shalt  }
0x5f: {  	_ =	shalt  }
0x60: {  	_ =	shalt  }
0x61: {  	_ =	shalt  }
0x62: {  	_ =	shalt  }
0x63: {  	_ =	shalt  }
0x64: {  	_ =	shalt  }
0x65: {  	_ =	shalt  }
0x66: {  	_ =	shalt  }
0x67: {  	_ =	shalt  }
0x68: {  	_ =	shalt  }
0x69: {  	_ =	shalt  }
0x6a: {  	_ =	shalt  }
0x6b: {  	_ =	shalt  }
0x6c: {  	_ =	shalt  }
0x6d: {  	_ =	shalt  }
0x6e: {  	_ =	shalt  }
0x6f: {  	_ =	shalt  }
0x70: {  	_ =	shalt  }
0x71: {  	_ =	shalt  }
0x72: {  	_ =	shalt  }
0x73: {  	_ =	shalt  }
0x74: {  	_ =	shalt  }
0x75: {  	_ =	shalt  }
0x76: {  	_ =	shalt  }
0x77: {  	_ =	shalt  }
0x78: {  	_ =	shalt  }
0x79: {  	_ =	shalt  }
0x7a: {  	_ =	shalt  }
0x7b: {  	_ =	shalt  }
0x7c: {  	_ =	shalt  }
0x7d: {  	_ =	shalt  }
0x7e: {  	_ =	shalt  }
0x7f: {  	_ =	shalt  }
0x80: {  	_ =	shalt  }
0x81: {  	_ =	shalt  }
0x82: {  	_ =	shalt  }
0x83: {  	_ =	shalt  }
0x84: {  	_ =	shalt  }
0x85: {  	_ =	shalt  }
0x86: {  	_ =	shalt  }
0x87: {  	_ =	shalt  }
.Lfunc_end0:
.L_simem_size_0:
called_computation_lowered:
.L_overlay_start_0:
0x88: {  	s2 =	sld [smem:$0x3FD9]  }
0x89: {  	s3 =	sld [smem:$0x3FFE];
	_ =	sdelay $0x1  }
0x8a: {  	s1 =	srdreg.scid  }
0x8b: {  	s0 =	sand.u32 $0x1, s1  }
0x8c: {  	s23 =	sshll.u32 s0, $0xA;
	s2 =	sadd.s32 s3, s2  }
0x8d: {  	s2 =	sadd.s32 s2, s23  }
0x8e: {  	[smem:$0x3FC3] =	sst s2  }
0x8f: {  	_ = 	snop  }
0x90: {  	s2 =	sld [smem:$0x3FC9]  }
0x91: {  	s3 =	sld [smem:$0x3FC8]  }
0x92: {  	s15 =	sld [smem:$0x3FD0]  }
0x93: {  	s4 =	sld [smem:$0x3FC7]  }
0x94: {  	s5 =	sld [smem:$0x3FC6]  }
0x95: {  	s16 =	simm.s32 $0xA;
	s17 =	simm.s32 $0x10;
	s6 =	sld [smem:$0x3FC5]  }
0x96: {  	[smem:s17], [sflag:s16] =	dma.local [hbm:s15], $0x1  }
0x97: {  	_ =	swait.eq [sflag:s16], $0x1  }
0x98: {  	s7 =	sld [smem:$0x10]  }
0x99: {  	s8 =	sld [smem:$0x11]  }
0x9a: {  	s9 =	sld [smem:$0x12]  }
0x9b: {  	s10 =	sld [smem:$0x13]  }
0x9c: {  	s11 =	sld [smem:$0x14]  }
0x9d: {  	s12 =	sld [smem:$0x15];
	[sflag:s16] =	ssyncset.done $0x0  }
0x9e: {  	s13 =	sld [smem:$0x16];
	[sflag:s16] =	ssyncadd.s32 $0xFFFFFFFF  }
0x9f: {  	s15 =	sadd.s32 $0x1, s15;
	s14 =	sld [smem:$0x17]  }
0xa0: {  	[smem:s17], [sflag:s16] =	dma.local [hbm:s15], $0x1  }
0xa1: {  	_ =	swait.eq [sflag:s16], $0x1  }
0xa2: {  	[sflag:s16] =	ssyncset.done $0x0  }
0xa3: {  	[sflag:s16] =	ssyncadd.s32 $0xFFFFFFFF  }
0xa4: {  	s15 =	sld [smem:$0x10];
	(tm) =	ssettm $0x1  }
0xa5: {  	s24 =	sld [smem:$0x3FFB];
	_ =	sdelay $0x3  }
0xa6: {  	_ =	strace s24  }
0xa7: {  	s16 =	sld [smem:$0x3FFC];
	_ =	sdelay $0x3  }
0xa8: {  	_ =	strace s16  }
0xa9: {  	s16 =	sld [smem:$0x3FFD];
	_ =	sdelay $0x3  }
0xaa: {  	_ =	strace s16  }
0xab: {  	_ =	strace $0x8FFFFFFF  }
0xac: {  	s25 =	sld [smem:$0x3FDB];
	_ =	sdelay $0x1  }
0xad: {  	s26 =	simm.s32 $_scs_section_size  }
0xae: {  	s18 =	simm.s32 $_size__tile_task_arg_handler_lowered;
	s19 =	simm.s32 $_tile_task_arg_handler_lowered  }
0xaf: {  	s30 =	simm.s32 $0x1BFF;
	s29 =	sshll.u32 s19, $0x1;
	s17 =	sadd.s32 s26, s25  }
0xb0: {  	s20 =	simm.s32 $0x60;
	s28 =	sshll.u32 s18, $0x1;
	s18 =	sadd.s32 s29, s17  }
0xb1: {  	[timem:s20], [sflag:s30] =	dma.local [hbm:s18], s28  }
0xb2: {  	_ =	swait.ge [sflag:s30], s28  }
0xb3: {  	s31 =	simm.s32 $_tile_overlayer_lowered;
	s16 =	ssub.s32 $0x0, s28;
	[sflag:s30] =	ssyncset.done $0x0  }
0xb4: {  	s20 =	simm.s32 $_size__tile_overlayer_lowered;
	s18 =	sshll.u32 s31, $0x1;
	[sflag:s30] =	ssyncadd.s32 s16  }
0xb5: {  	s22 =	simm.s32 $0x0;
	s21 =	sshll.u32 s20, $0x1;
	s18 =	sadd.s32 s18, s17  }
0xb6: {  	[timem:s22], [sflag:s30] =	dma.local [hbm:s18], s21  }
0xb7: {  	_ =	swait.ge [sflag:s30], s21  }
0xb8: {  	s23 =	ssub.s32 $0x0, s21;
	[sflag:s30] =	ssyncset.done $0x0  }
0xb9: {  	[sflag:s30] =	ssyncadd.s32 s23;
	_ =	sdelay $0x1  }
0xba: {  	s24 =	simm.s32 $0x1B8B  }
0xbb: {  	_ =	swait.ge [sflag:s24], $0x1  }
0xbc: {  	[sflag:s24] =	ssyncset.done $0x0  }
0xbd: {  	s25 =	simm.s32 $0x1B8E;
	[sflag:s24] =	ssyncadd.s32 $0xFFFFFFFF  }
0xbe: {  	s26 =	simm.s32 $execute0_lowered;
	[smem:$0x3FD2] =	sst s25  }
0xbf: {  	s18 =	sshll.u32 s26, $0x1;
	_ =	strace $0x80000046;
	[dreg:$0x1] =	wrdreg $0xFFFFFFFF  }
0xc0: {  	s28 =	simm.s32 $_size_execute0_lowered;
	s17 =	sadd.s32 s17, s18;
	[dreg:$0x0] =	wrdreg $0x0  }
0xc1: {  	s18 =	sshll.u32 s28, $0x1;
	[dreg:$0x2] =	wrdreg s17  }
0xc2: {  	[dreg:$0x3] =	wrdreg s18  }
0xc3: {  	[dreg:$0x4] =	wrdreg $0xC0  }
0xc4: {  	_ =	task [dreg:s22], $0x5FFFF  }
0xc5: {  	[dreg:$0x1] =	wrdreg $0xFFFFFFFF  }
0xc6: {  	[dreg:$0x0] =	wrdreg $0x30  }
0xc7: {  	[dreg:$0x2] =	wrdreg $0x0  }
0xc8: {  	[dreg:$0x3] =	wrdreg $0x4F800  }
0xc9: {  	[dreg:$0x4] =	wrdreg $0x9  }
0xca: {  	_ =	task [dreg:s22], $0x5FFFF  }
0xcb: {  	[dreg:$0x1] =	wrdreg $0xFFFFFFFF  }
0xcc: {  	[dreg:$0x0] =	wrdreg $0x60  }
0xcd: {  	[dreg:$0x2] =	wrdreg s2  }
0xce: {  	[dreg:$0x3] =	wrdreg s3  }
0xcf: {  	[dreg:$0x4] =	wrdreg s4  }
0xd0: {  	[dreg:$0x5] =	wrdreg s5  }
0xd1: {  	[dreg:$0x6] =	wrdreg s6  }
0xd2: {  	[dreg:$0x7] =	wrdreg s7  }
0xd3: {  	[dreg:$0x8] =	wrdreg s8  }
0xd4: {  	[dreg:$0x9] =	wrdreg s9  }
0xd5: {  	[dreg:$0xa] =	wrdreg s10  }
0xd6: {  	[dreg:$0xb] =	wrdreg s11  }
0xd7: {  	[dreg:$0xc] =	wrdreg s12  }
0xd8: {  	[dreg:$0xd] =	wrdreg s13  }
0xd9: {  	[dreg:$0xe] =	wrdreg s14  }
0xda: {  	[dreg:$0xf] =	wrdreg s15  }
0xdb: {  	_ =	task.clear_ibuf [dreg:s22], $0x10FFFF;
	_ =	strace $0x90000046  }
0xdc: {  	s29 =	simm.s32 $0x9;
	_ =	strace $0x80000050  }
0xdd: {  	_ =	swait.ge [sflag:s29], $0x1  }
0xde: {  	[sflag:s29] =	ssyncadd.s32 $0xFFFFFFFF  }
0xdf: {  	_ =	strace $0x90000050  }
0xe0: {  	_ =	sfence  }
0xe1: {  	s30 =	sld [smem:$0x0];
	_ =	sdelay $0x2  }
0xe2: {  	s31 =	sshll.u32 s1, $0xD;
	s1 =	sshrl.u32 s1, $0x2  }
0xe3: {  	s3 =	sand.u32 $0x4000, s31;
	s1 =	sadd.s32 s1, s30  }
0xe4: {  	s0 =	sor.u32 s3, s0;
	s1 =	sshll.u32 s1, $0x11  }
0xe5: {  	s0 =	sor.u32 s1, s0  }
0xe6: {  	s0 =	sadd.s32 $0x8F2B, s0  }
0xe7: {  	[sflag:s0] =	ssyncadd.remote.s32 $0x1  }
0xe8: {  	_ =	sfence.sel $0xFFFF  }
0xe9: {  	[dreg:$0x0] =	wrdreg $0xFFFFFFFF;
	(pc) =	sbr.abs _section_cstart, $3  }
0xea: {  	[dreg:$0x1] =	wrdreg $0xFFFFFFFF  }
0xeb: {  	_ =	task.clear_ibuf [dreg:s22], $0x2FFFF;
	_ =	strace $0x9FFFFFFF  }
0xec: {  	(tm) =	ssettm $0x7FFFFFFF  }
0xed: {  	_ =	shalt  }
tec
_tile_task_arg_handler_lowered:
.L_overlay_start_1:
0x0: {  	(tag) =	ssettag $0x1  }
0x1: {  	s0 =	rddreg [dreg:$0x0]  }
0x2: {  	s1 =	rddreg [dreg:$0x1]  }
0x3: {  	s2 =	rddreg [dreg:$0x2]  }
0x4: {  	s3 =	rddreg [dreg:$0x3]  }
0x5: {  	s4 =	rddreg [dreg:$0x4]  }
0x6: {  	s5 =	rddreg [dreg:$0x5]  }
0x7: {  	s6 =	rddreg [dreg:$0x6]  }
0x8: {  	s7 =	rddreg [dreg:$0x7]  }
0x9: {  	s8 =	rddreg [dreg:$0x8]  }
0xa: {  	s9 =	rddreg [dreg:$0x9]  }
0xb: {  	s10 =	rddreg [dreg:$0xa]  }
0xc: {  	s11 =	rddreg [dreg:$0xb]  }
0xd: {  	s12 =	rddreg [dreg:$0xc]  }
0xe: {  	s13 =	rddreg [dreg:$0xd]  }
0xf: {  	[smem:s0] =	sst s1  }
0x10: {  	[smem:s0+$0x1] =	sst s2  }
0x11: {  	[smem:s0+$0x2] =	sst s3  }
0x12: {  	[smem:s0+$0x3] =	sst s4  }
0x13: {  	[smem:s0+$0x4] =	sst s5  }
0x14: {  	[smem:s0+$0x5] =	sst s6  }
0x15: {  	[smem:s0+$0x6] =	sst s7  }
0x16: {  	[smem:s0+$0x7] =	sst s8  }
0x17: {  	[smem:s0+$0x8] =	sst s9  }
0x18: {  	[smem:s0+$0x9] =	sst s10  }
0x19: {  	[smem:s0+$0xA] =	sst s11  }
0x1a: {  	[smem:s0+$0xB] =	sst s12  }
0x1b: {  	[smem:s0+$0xC] =	sst s13;
	_ =	shalt  }
.Lfunc_end2:
execute0_lowered:
.L_overlay_start_2:
0x1c: {  	(tag) =	ssettag $0x2  }
0x1d: {  	s22 =	rddreg [dreg:$0x0]  }
0x1e: {  	s23 =	rddreg [dreg:$0x1]  }
0x1f: {  	s24 =	rddreg [dreg:$0x2]  }
0x20: {  	s26 =	rddreg [dreg:$0x3]  }
0x21: {  	s10 =	rddreg [dreg:$0x9]  }
0x22: {  	s13 =	rddreg [dreg:$0xa]  }
0x23: {  	s17 =	rddreg [dreg:$0xb]  }
0x24: {  	s0 =	srdreg.scid;
	s12 =	rddreg [dreg:$0xc]  }
0x25: {  	s28 =	simm.s32 $0x0;
	s3 =	stileid.u32;
	s5 =	simm.s32 $0x1  }
0x26: {  	s6 =	simm.s32 $0x1;
	s8 =	simm.s32 $0x1;
	s18 =	simm.s32 $0x1  }
0x27: {  	s16 =	simm.s32 $0x1;
	s20 =	simm.s32 $0x1;
	s21 =	simm.s32 $0x1  }
0x28: {  	s30 =	simm.s32 $0x1;
	s31 =	simm.s32 $0x1C00;
	s0 =	sand.u32 $0x1, s0  }
0x29: {  	[smem:$0x7FF] =	sst s28;
	s14 =	sshll.u32 s3, $0x8;
	s11 =	sshll.u32 s3, $0x7  }
0x2a: {  	p1 =	sgt.u32 s3, $0x1;
	p2 =	sgt.u32 s3, $0x3;
	s1 =	ssub.s32 $0x2, s0  }
0x2b: {  	s4 =	sld [smem:$0x0];
	p0 =	seq.s32 s0, $0x1;
	s15 =	sadd.s32 s10, s14  }
0x2c: {  	s9 =	sand.u32 $0x800, s14;
	s19 =	sadd.s32 s13, s14;
	[dreg:$0x10] =	wrdreg s15  }
0x2d: {  	s7 =	sand.u32 $0x380, s11;
	s25 =	sadd.s32 s17, s14;
	[dreg:$0x11] =	wrdreg s19  }
0x2e: {  	s0 =	simm.s32 $0x1;
	s14 =	sadd.s32 s12, s14;
	[dreg:$0x12] =	wrdreg s25  }
0x2f: {  	s2 =	sshrl.u32 s1, $0x1;
	s0 =	simm.s32 @!p1 $0x0;
	[dreg:$0x13] =	wrdreg s14  }
0x30: {  	p1 =	sgt.u32 s3, $0x2;
	s25 =	simm.s32 $0x1;
	s14 =	sld [smem:$0x1]  }
0x31: {  	s2 =	ssub.s32 s1, s2;
	s1 =	simm.s32 $0x1;
	[dreg:$0xe] =	wrdreg s4  }
0x32: {  	s11 =	sadd.s32 s9, s4;
	s4 =	simm.s32 $0x1;
	s1 =	simm.s32 @!p2 $0x0  }
0x33: {  	p2 =	sgt.u32 s3, $0x5;
	s9 =	simm.s32 $0x1;
	s29 =	smax.u32 s2, $0x1  }
0x34: {  	s2 =	simm.s32 $0xC00;
	s4 =	simm.s32 @!p1 $0x0;
	p1 =	sgt.u32 s3, $0x4  }
0x35: {  	s6 =	simm.s32 @!p2 $0x0;
	p2 =	sgt.u32 s3, $0x7;
	s7 =	sadd.s32 s7, s11  }
0x36: {  	[dreg:$0x15] =	wrdreg s14;
	v3 =	vmov s1;
	s1 =	simm.s32 $0xA80;
	s5 =	simm.s32 @!p1 $0x0  }
0x37: {  	p1 =	sgt.u32 s3, $0x6;
	s9 =	simm.s32 @!p2 $0x0;
	p2 =	sgt.u32 s3, $0x9  }
0x38: {  	[dreg:$0xf] =	wrdreg s7;
	s7 =	sshll.u32 s3, $0xB;
	v5 =	vmov s6;
	s6 =	simm.s32 $0x3D00  }
0x39: {  	s8 =	simm.s32 @!p1 $0x0;
	p1 =	sgt.u32 s3, $0x8;
	s16 =	simm.s32 @!p2 $0x0  }
0x3a: {  	p2 =	sgt.u32 s3, $0xB;
	s11 =	sor.u32 $0x400, s7;
	v4 =	vmov s5;
	s5 =	simm.s32 $0xB00  }
0x3b: {  	s18 =	simm.s32 @!p1 $0x0;
	p1 =	sgt.u32 s3, $0xA;
	s21 =	simm.s32 @!p2 $0x0  }
0x3c: {  	s19 =	sshrl.u32 s11, $0x3;
	p2 =	sgt.u32 s3, $0xD;
	s20 =	simm.s32 @!p1 $0x0  }
0x3d: {  	p1 =	sgt.u32 s3, $0xC;
	s10 =	sadd.s32 s10, s19;
	s15 =	sadd.s32 s13, s19  }
0x3e: {  	s17 =	sadd.s32 s17, s19;
	s19 =	sadd.s32 s12, s19;
	s25 =	simm.s32 @!p2 $0x0  }
0x3f: {  	p2 =	seq.s32 s3, $0xF;
	s12 =	simm.s32 $0x1;
	s13 =	simm.s32 $0x80  }
0x40: {  	[dreg:$0x14] =	wrdreg s10;
	s10 =	simm.s32 $0x1;
	v13 =	vmov s25;
	s25 =	simm.s32 $0x0  }
0x41: {  	s10 =	simm.s32 @!p1 $0x0;
	p1 =	sne.s32 s3, $0x0;
	s3 =	sshll.u32 s3, $0x6  }
0x42: {  	v15 =	vimm.s32 $0xFFFFFFFF;
	v17 =	vlaneseq.u32;
	_ =	strace $0x80000047;
	s23 =	sadd.s32 s23, s3;
	s24 =	sadd.s32 s24, s3  }
.Ltmp0:
0x43: {  	v16 =	vimm.f32 $0.0e+00;
	v18 =	vimm.s32 $0x0;
	v19 =	vmul.u32 $0x20, v17;
	s26 =	sadd.s32 s26, s3;
	[dreg:$0x16] =	wrdreg s23;
	(pc) =	sbr.rel .LBB3_1-.Ltmp0, $4  }
0x44: {  	v20 =	vmul.u32 $0x100, v17;
	v1 =	vmov s0;
	v2 =	vmov s4;
	s3 =	sadd.s32 s22, s3;
	s12 =	simm.s32 @!p1 $0x0;
	[dreg:$0x17] =	wrdreg s24  }
0x45: {  	v7 =	vmov s9;
	v6 =	vmov s8;
	v9 =	vmov s16;
	s22 =	simm.s32 $0x2;
	[dreg:$0x18] =	wrdreg s26;
	s26 =	simm.s32 $0x1  }
0x46: {  	v8 =	vmov s18;
	v11 =	vmov s21;
	v10 =	vmov s20;
	[dreg:$0x19] =	wrdreg s3;
	s23 =	simm.s32 $0x200;
	s26 =	simm.s32 @!p2 $0x0  }
0x47: {  	v12 =	vmov s10;
	s3 =	simm.s32 $0x800;
	v0 =	vmov s12;
	s12 =	simm.s32 $0xA00;
	s24 =	simm.s32 $0xB80;
	v14 =	vmov s26  }
.LBB3_13:
0x48: {  	s4 =	ssub.s32 $0x8000, s0  }
0x49: {  	[tilespmem:s8+$0x4780] =	vst v15;
	s16 =	rddreg [dreg:$0x10];
	p2 =	sge.s32 s7, s4  }
0x4a: {  	[tilespmem:s8+$0x4B80] =	vst v16;
	s8 =	simm.s32 @p2 $0x0;
	s9 =	simm.s32 @p2 $0x4780;
	s10 =	simm.s32 @p2 $0x2  }
0x4b: {  	[hbm4b:s16+s8] =	stream.linear.scatter @p2 [tilespmem:s9], [sflag:$0x2], $0x400, $0x38;
	[tilespmem:$0x5080] =	vst v63  }
0x4c: {  	_ =	swait.ge @p2 [sflag:s10], $0x400  }
0x4d: {  	[sflag:s10] =	ssyncset.done @p2 $0x0  }
0x4e: {  	s21 =	rddreg [dreg:$0x11];
	[sflag:s10] =	ssyncadd.s32 @p2 $0xFFFFFC00  }
0x4f: {  	[hbm4b:s21+s8] =	stream.linear.scatter @p2 [tilespmem:s9], [sflag:$0x2], $0x400, $0x38;
	[tilespmem:$0x5080] =	vst v63  }
0x50: {  	_ =	swait.ge @p2 [sflag:s10], $0x400  }
0x51: {  	[sflag:s10] =	ssyncset.done @p2 $0x0  }
0x52: {  	s26 =	rddreg [dreg:$0x12];
	[sflag:s10] =	ssyncadd.s32 @p2 $0xFFFFFC00  }
0x53: {  	[hbm4b:s26+s8] =	stream.linear.scatter @p2 [tilespmem:s9], [sflag:$0x2], $0x400, $0x38;
	[tilespmem:$0x5080] =	vst v63  }
0x54: {  	s8 =	sadd.s32 @!p2 s7, s0  }
0x55: {  	s18 =	rddreg [dreg:$0x1];
	s8 =	sshrl.u32 @!p2 s8, $0x3  }
0x56: {  	s14 =	simm.s32 @!p2 $0x3F80;
	s10 =	simm.s32 @!p2 $0x0;
	s9 =	sadd.s32 @!p2 s18, s8  }
0x57: {  	[tilespmem:s14], [sflag:$0x2] =	stream.linear.gather @!p2 [hbm4b:s9+s10], $0x400, $0x38;
	[tilespmem:$0x5080] =	vst v63  }
0x58: {  	s9 =	simm.s32 @!p2 $0x2  }
0x59: {  	_ =	swait.ge @!p2 [sflag:s9], $0x400  }
0x5a: {  	[sflag:s9] =	ssyncset.done @!p2 $0x0  }
0x5b: {  	[sflag:s9] =	ssyncadd.s32 @!p2 $0xFFFFFC00  }
0x5c: {  	[hbm4b:s16+s10] =	stream.linear.scatter @!p2 [tilespmem:s14], [sflag:$0x2], $0x400, $0x38;
	[tilespmem:$0x5080] =	vst v63  }
0x5d: {  	_ =	swait.ge @!p2 [sflag:s9], $0x400  }
0x5e: {  	[sflag:s9] =	ssyncset.done @!p2 $0x0  }
0x5f: {  	[sflag:s9] =	ssyncadd.s32 @!p2 $0xFFFFFC00  }
0x60: {  	s20 =	rddreg [dreg:$0x2]  }
0x61: {  	s16 =	sadd.s32 @!p2 s20, s8  }
0x62: {  	[tilespmem:s14], [sflag:$0x2] =	stream.linear.gather @!p2 [hbm4b:s16+s10], $0x400, $0x38;
	[tilespmem:$0x5080] =	vst v63  }
0x63: {  	_ =	swait.ge @!p2 [sflag:s9], $0x400  }
0x64: {  	[sflag:s9] =	ssyncset.done @!p2 $0x0  }
0x65: {  	[sflag:s9] =	ssyncadd.s32 @!p2 $0xFFFFFC00  }
0x66: {  	[hbm4b:s21+s10] =	stream.linear.scatter @!p2 [tilespmem:s14], [sflag:$0x2], $0x400, $0x38;
	[tilespmem:$0x5080] =	vst v63  }
0x67: {  	_ =	swait.ge @!p2 [sflag:s9], $0x400  }
0x68: {  	[sflag:s9] =	ssyncset.done @!p2 $0x0  }
0x69: {  	[sflag:s9] =	ssyncadd.s32 @!p2 $0xFFFFFC00  }
0x6a: {  	s21 =	rddreg [dreg:$0x3]  }
0x6b: {  	s16 =	sadd.s32 @!p2 s21, s8  }
0x6c: {  	[tilespmem:s14], [sflag:$0x2] =	stream.linear.gather @!p2 [hbm4b:s16+s10], $0x400, $0x38;
	[tilespmem:$0x5080] =	vst v63  }
0x6d: {  	_ =	swait.ge @!p2 [sflag:s9], $0x400  }
0x6e: {  	[sflag:s9] =	ssyncset.done @!p2 $0x0  }
0x6f: {  	[sflag:s9] =	ssyncadd.s32 @!p2 $0xFFFFFC00  }
0x70: {  	[hbm4b:s26+s10] =	stream.linear.scatter @!p2 [tilespmem:s14], [sflag:$0x2], $0x400, $0x38;
	[tilespmem:$0x5080] =	vst v63  }
0x71: {  	_ =	swait.ge @!p2 [sflag:s9], $0x400  }
0x72: {  	[sflag:s9] =	ssyncset.done @!p2 $0x0  }
0x73: {  	[sflag:s9] =	ssyncadd.s32 @!p2 $0xFFFFFC00  }
0x74: {  	s14 =	rddreg [dreg:$0x0]  }
0x75: {  	s9 =	simm.s32 @!p2 $0x4380;
	s8 =	sadd.s32 @!p2 s14, s8  }
0x76: {  	[tilespmem:s9], [sflag:$0x2] =	stream.linear.gather @!p2 [hbm4b:s8+s10], $0x400, $0x38;
	[tilespmem:$0x5080] =	vst v63  }
0x77: {  	_ =	swait.ge [sflag:s22], $0x400  }
0x78: {  	[sflag:s22] =	ssyncset.done $0x0  }
0x79: {  	s9 =	simm.s32 @p2 $0x4B80;
	s26 =	rddreg [dreg:$0x13];
	[sflag:s22] =	ssyncadd.s32 $0xFFFFFC00  }
0x7a: {  	[hbm4b:s26+s28] =	stream.linear.scatter [tilespmem:s9], [sflag:$0x2], $0x400, $0x38;
	[tilespmem:$0x5080] =	vst v63  }
0x7b: {  	p2 =	sge.s32 s11, s4;
	_ =	swait.ge [sflag:s22], $0x400  }
0x7c: {  	s4 =	simm.s32 @p2 $0x0;
	s8 =	simm.s32 @p2 $0x4780;
	[sflag:s22] =	ssyncset.done $0x0  }
0x7d: {  	s9 =	simm.s32 @p2 $0x2;
	s10 =	rddreg [dreg:$0x14];
	[sflag:s22] =	ssyncadd.s32 $0xFFFFFC00  }
0x7e: {  	[hbm4b:s10+s4] =	stream.linear.scatter @p2 [tilespmem:s8], [sflag:$0x2], $0x400, $0x38;
	[tilespmem:$0x5080] =	vst v63  }
0x7f: {  	_ =	swait.ge @p2 [sflag:s9], $0x400  }
0x80: {  	[sflag:s9] =	ssyncset.done @p2 $0x0  }
0x81: {  	[sflag:s9] =	ssyncadd.s32 @p2 $0xFFFFFC00  }
0x82: {  	[hbm4b:s15+s4] =	stream.linear.scatter @p2 [tilespmem:s8], [sflag:$0x2], $0x400, $0x38;
	[tilespmem:$0x5080] =	vst v63  }
0x83: {  	_ =	swait.ge @p2 [sflag:s9], $0x400  }
0x84: {  	[sflag:s9] =	ssyncset.done @p2 $0x0  }
0x85: {  	[sflag:s9] =	ssyncadd.s32 @p2 $0xFFFFFC00  }
0x86: {  	[hbm4b:s17+s4] =	stream.linear.scatter @p2 [tilespmem:s8], [sflag:$0x2], $0x400, $0x38;
	[tilespmem:$0x5080] =	vst v63  }
0x87: {  	_ =	swait.ge @p2 [sflag:s9], $0x400  }
0x88: {  	[sflag:s9] =	ssyncset.done @p2 $0x0  }
0x89: {  	s0 =	sadd.s32 @!p2 s11, s0;
	s8 =	simm.s32 @p2 $0x4B80;
	[sflag:s9] =	ssyncadd.s32 @p2 $0xFFFFFC00  }
0x8a: {  	[hbm4b:s19+s4] =	stream.linear.scatter @p2 [tilespmem:s8], [sflag:$0x2], $0x400, $0x38;
	[tilespmem:$0x5080] =	vst v63  }
0x8b: {  	s0 =	sshrl.u32 @!p2 s0, $0x3;
	_ =	swait.ge @p2 [sflag:s9], $0x400  }
0x8c: {  	s4 =	sadd.s32 @!p2 s18, s0;
	[sflag:s9] =	ssyncset.done @p2 $0x0  }
0x8d: {  	s8 =	simm.s32 @!p2 $0x0;
	[sflag:s9] =	ssyncadd.s32 @p2 $0xFFFFFC00;
	s9 =	simm.s32 @!p2 $0x3F80  }
0x8e: {  	[tilespmem:s9], [sflag:$0x2] =	stream.linear.gather @!p2 [hbm4b:s4+s8], $0x400, $0x38;
	[tilespmem:$0x5080] =	vst v63  }
0x8f: {  	s4 =	simm.s32 @!p2 $0x2  }
0x90: {  	_ =	swait.ge @!p2 [sflag:s4], $0x400  }
0x91: {  	[sflag:s4] =	ssyncset.done @!p2 $0x0  }
0x92: {  	[sflag:s4] =	ssyncadd.s32 @!p2 $0xFFFFFC00  }
0x93: {  	[hbm4b:s10+s8] =	stream.linear.scatter @!p2 [tilespmem:s9], [sflag:$0x2], $0x400, $0x38;
	[tilespmem:$0x5080] =	vst v63  }
0x94: {  	_ =	swait.ge @!p2 [sflag:s4], $0x400  }
0x95: {  	[sflag:s4] =	ssyncset.done @!p2 $0x0  }
0x96: {  	s10 =	sadd.s32 @!p2 s20, s0;
	[sflag:s4] =	ssyncadd.s32 @!p2 $0xFFFFFC00  }
0x97: {  	[tilespmem:s9], [sflag:$0x2] =	stream.linear.gather @!p2 [hbm4b:s10+s8], $0x400, $0x38;
	[tilespmem:$0x5080] =	vst v63  }
0x98: {  	_ =	swait.ge @!p2 [sflag:s4], $0x400  }
0x99: {  	[sflag:s4] =	ssyncset.done @!p2 $0x0  }
0x9a: {  	[sflag:s4] =	ssyncadd.s32 @!p2 $0xFFFFFC00  }
0x9b: {  	[hbm4b:s15+s8] =	stream.linear.scatter @!p2 [tilespmem:s9], [sflag:$0x2], $0x400, $0x38;
	[tilespmem:$0x5080] =	vst v63  }
0x9c: {  	_ =	swait.ge @!p2 [sflag:s4], $0x400  }
0x9d: {  	[sflag:s4] =	ssyncset.done @!p2 $0x0  }
0x9e: {  	s10 =	sadd.s32 @!p2 s21, s0;
	[sflag:s4] =	ssyncadd.s32 @!p2 $0xFFFFFC00  }
0x9f: {  	[tilespmem:s9], [sflag:$0x2] =	stream.linear.gather @!p2 [hbm4b:s10+s8], $0x400, $0x38;
	[tilespmem:$0x5080] =	vst v63  }
0xa0: {  	_ =	swait.ge @!p2 [sflag:s4], $0x400  }
0xa1: {  	[sflag:s4] =	ssyncset.done @!p2 $0x0  }
0xa2: {  	[sflag:s4] =	ssyncadd.s32 @!p2 $0xFFFFFC00  }
0xa3: {  	[hbm4b:s17+s8] =	stream.linear.scatter @!p2 [tilespmem:s9], [sflag:$0x2], $0x400, $0x38;
	[tilespmem:$0x5080] =	vst v63  }
0xa4: {  	_ =	swait.ge @!p2 [sflag:s4], $0x400  }
0xa5: {  	[sflag:s4] =	ssyncset.done @!p2 $0x0  }
0xa6: {  	s0 =	sadd.s32 @!p2 s14, s0;
	s9 =	simm.s32 @!p2 $0x4380;
	[sflag:s4] =	ssyncadd.s32 @!p2 $0xFFFFFC00  }
0xa7: {  	[tilespmem:s9], [sflag:$0x2] =	stream.linear.gather @!p2 [hbm4b:s0+s8], $0x400, $0x38;
	[tilespmem:$0x5080] =	vst v63  }
0xa8: {  	_ =	swait.ge @!p2 [sflag:s4], $0x400  }
0xa9: {  	[sflag:s4] =	ssyncset.done @!p2 $0x0  }
0xaa: {  	[sflag:s4] =	ssyncadd.s32 @!p2 $0xFFFFFC00  }
0xab: {  	[hbm4b:s19+s8] =	stream.linear.scatter @!p2 [tilespmem:s9], [sflag:$0x2], $0x400, $0x38;
	[tilespmem:$0x5080] =	vst v63  }
0xac: {  	_ =	swait.ge @!p2 [sflag:s4], $0x400  }
0xad: {  	[sflag:s4] =	ssyncset.done @!p2 $0x0  }
0xae: {  	[sflag:s4] =	ssyncadd.s32 @!p2 $0xFFFFFC00  }
.LBB3_14:
0xaf: {  	s25 =	sadd.s32 $0x1, s25  }
0xb0: {  	p2 =	sne.s32 s25, s29  }
.Ltmp1:
0xb1: {  	_ = 	snop;
	(pc) =	sbr.rel @!p2 .LBB3_15-.Ltmp1, $1  }
0xb2: {  	_ =	sdelay $0x3  }
.LBB3_1:
0xb3: {  	s0 =	rddreg [dreg:$0x4];
	s4 =	simm.s32 $0x3F00  }
0xb4: {  	[tilespmem:s4], [sflag:$0x2] =	stream.linear.gather [hbm4b:s0+s28], $0x80, $0x38;
	[tilespmem:$0x5080] =	vst v63  }
0xb5: {  	_ =	swait.ge [sflag:s22], $0x80  }
0xb6: {  	[sflag:s22] =	ssyncset.done $0x0  }
0xb7: {  	[sflag:s22] =	ssyncadd.s32 $0xFFFFFF80  }
0xb8: {  	v21 =	vld [tilespmem:$0x3F00];
	_ =	sdelay $0x4  }
0xb9: {  	(v2sf) =	vpush v21, $0x0;
	_ =	sdelay $0xa  }
.Ltmp2:
0xba: {  	_ = 	snop;
	(pc) =	sbr.rel @!p0 .LBB3_2-.Ltmp2, $2  }
0xbb: {  	_ =	sdelay $0x2  }
0xbc: {  	s0 =	spop (v2sf)  }
0xbd: {  	s4 =	simm.s32 $0x40;
	s8 =	simm.s32 $0x0  }
.LBB3_12:
0xbe: {  	p2 =	sne.s32 s4, $0xFC0;
	[tilespmem:s8+$0x4780] =	vst v15;
	s9 =	smov.u32 s4;
	s4 =	sadd.s32 $0x40, s4  }
.Ltmp3:
0xbf: {  	[tilespmem:s8+$0x4B80] =	vst v16;
	(pc) =	sbr.rel @p2 .LBB3_12-.Ltmp3, $2  }
0xc0: {  	_ =	sdelay $0x2  }
0xc1: {  	s8 =	sshra.s32 s9, $0x2  }
.Ltmp4:
0xc2: {  	_ = 	snop;
	(pc) =	sbr.rel .LBB3_13-.Ltmp4, $1  }
0xc3: {  	_ =	sdelay $0x3  }
.LBB3_2:
0xc4: {  	_ =	strace $0x80000048  }
0xc5: {  	s0 =	simm.s32 $0x0;
	s4 =	rddreg [dreg:$0x16]  }
0xc6: {  	[tilespmem:s0], [sflag:$0x2] =	stream.linear.gather [hbm4b:s4+s0], $0x200, $0x200038;
	[tilespmem:$0x5080] =	vst v63  }
0xc7: {  	_ =	swait.ge [sflag:s22], $0x200  }
0xc8: {  	[sflag:s22] =	ssyncset.done $0x0  }
0xc9: {  	s20 =	rddreg [dreg:$0x17];
	[sflag:s22] =	ssyncadd.s32 $0xFFFFFE00  }
0xca: {  	[tilespmem:s23], [sflag:$0x2] =	stream.linear.gather [hbm4b:s20+s0], $0x200, $0x200038;
	[tilespmem:$0x5080] =	vst v63  }
0xcb: {  	_ =	swait.ge [sflag:s22], $0x200  }
0xcc: {  	[sflag:s22] =	ssyncset.done $0x0  }
0xcd: {  	s8 =	simm.s32 $0x400;
	s21 =	rddreg [dreg:$0x18];
	[sflag:s22] =	ssyncadd.s32 $0xFFFFFE00  }
0xce: {  	[tilespmem:s8], [sflag:$0x2] =	stream.linear.gather [hbm4b:s21+s0], $0x200, $0x200038;
	[tilespmem:$0x5080] =	vst v63  }
0xcf: {  	_ =	swait.ge [sflag:s22], $0x200  }
0xd0: {  	[sflag:s22] =	ssyncset.done $0x0  }
0xd1: {  	s28 =	simm.s32 $0x600;
	s26 =	rddreg [dreg:$0x19];
	[sflag:s22] =	ssyncadd.s32 $0xFFFFFE00  }
0xd2: {  	[tilespmem:s28], [sflag:$0x2] =	stream.linear.gather [hbm4b:s26+s0], $0x200, $0x200038;
	[tilespmem:$0x5080] =	vst v63  }
0xd3: {  	_ =	swait.ge [sflag:s22], $0x200  }
0xd4: {  	[sflag:s22] =	ssyncset.done $0x0  }
0xd5: {  	[sflag:s22] =	ssyncadd.s32 $0xFFFFFE00  }
0xd6: {  	_ =	strace $0x90000048  }
0xd7: {  	s4 =	simm.s32 $0x0;
	s0 =	simm.s32 $0x40;
	_ =	strace $0x80000049  }
.LBB3_3:
0xd8: {  	p2 =	sne.s32 s0, $0x3FC0;
	[tilespmem:s4+$0xC00] =	vst v18;
	s4 =	smov.u32 s0;
	s0 =	sadd.s32 $0x40, s0  }
.Ltmp5:
0xd9: {  	(pc) =	sbr.rel @p2 .LBB3_3-.Ltmp5, $2  }
0xda: {  	_ =	sdelay $0x2  }
0xdb: {  	s4 =	sshra.s32 s4, $0x2  }
0xdc: {  	s0 =	simm.s32 $0x0  }
0xdd: {  	v22 =	vor.u32 s0, v19;
	_ =	sdelay $0x1  }
0xde: {  	[tilespmem:s4+$0xC00] =	vst v18  }
0xdf: {  	_ =	strace $0x90000049  }
0xe0: {  	_ =	strace $0x8000004A  }
0xe1: {  	v23 =	vld.idx.msk [tilespmem:v22+s23+$0x0], $0xffff;
	_ =	sdelay $0x4  }
0xe2: {  	v23 =	vadd.s32 v20, v23;
	_ =	sdelay $0x4  }
0xe3: {  	v25 =	vld.idx.msk [tilespmem:v23+s2+$0x0], $0xffff  }
0xe4: {  	s28 =	simm.s32 $0x1  }
0xe5: {  	v24 =	vor.u32 s28, v19;
	s0 =	simm.s32 $0x2  }
.LBB3_5:
0xe6: {  	p2 =	sne.s32 s0, $0x1F;
	_ =	sdelay $0x1  }
0xe7: {  	[tilespmem:v22+s3+$0x0] =	vst.idx.msk $0xffff, v25;
	v25 =	vadd.s32 $0x1, v25;
	v22 =	vmov v24  }
0xe8: {  	[tilespmem:v23+s2+$0x0] =	vst.idx.msk $0xffff, v25  }
0xe9: {  	v23 =	vld.idx.msk [tilespmem:v24+s23+$0x0], $0xffff;
	_ =	sdelay $0x5  }
0xea: {  	v23 =	vadd.s32 v20, v23;
	_ =	sdelay $0x3  }
.Ltmp6:
0xeb: {  	(pc) =	sbr.rel @p2 .LBB3_5-.Ltmp6, $2  }
0xec: {  	v25 =	vld.idx.msk [tilespmem:v23+s2+$0x0], $0xffff;
	_ =	sdelay $0x2  }
0xed: {  	v24 =	vor.u32 s0, v19;
	s0 =	sadd.s32 $0x1, s0  }
0xee: {  	_ =	sdelay $0x3  }
0xef: {  	[tilespmem:v22+s3+$0x0] =	vst.idx.msk $0xffff, v25;
	v22 =	vadd.s32 $0x1, v25  }
0xf0: {  	[tilespmem:v23+s2+$0x0] =	vst.idx.msk $0xffff, v22  }
0xf1: {  	v22 =	vld.idx.msk [tilespmem:v24+s23+$0x0], $0xffff;
	_ =	sdelay $0x4  }
0xf2: {  	v22 =	vadd.s32 v20, v22;
	_ =	sdelay $0x4  }
0xf3: {  	v23 =	vld.idx.msk [tilespmem:v22+s2+$0x0], $0xffff;
	_ =	sdelay $0x4  }
0xf4: {  	[tilespmem:v24+s3+$0x0] =	vst.idx.msk $0xffff, v23;
	v23 =	vadd.s32 $0x1, v23  }
0xf5: {  	[tilespmem:v22+s2+$0x0] =	vst.idx.msk $0xffff, v23  }
0xf6: {  	_ =	strace $0x9000004A  }
0xf7: {  	s0 =	simm.s32 $0x0;
	_ =	strace $0x8000004B  }
0xf8: {  	v22 =	vld [tilespmem:s0+$0xC00]  }
0xf9: {  	v23 =	vld [tilespmem:s0+$0xD00]  }
0xfa: {  	v24 =	vld [tilespmem:s0+$0xE00]  }
0xfb: {  	v25 =	vld [tilespmem:s0+$0xF00]  }
0xfc: {  	v26 =	vld [tilespmem:s0+$0x1000]  }
0xfd: {  	[tilespmem:s0+$0x1C00] =	vst v18;
	v27 =	vld [tilespmem:s0+$0x1100]  }
0xfe: {  	[tilespmem:s0+$0x1D00] =	vst v22;
	v22 =	vadd.s32 v22, v23;
	v23 =	vld [tilespmem:s0+$0x1200]  }
0xff: {  	[tilespmem:s0+$0x1E00] =	vst v22;
	v22 =	vadd.s32 v22, v24;
	v24 =	vld [tilespmem:s0+$0x1300]  }
0x100: {  	[tilespmem:s0+$0x1F00] =	vst v22;
	v22 =	vadd.s32 v22, v25;
	v25 =	vld [tilespmem:s0+$0x1400]  }
0x101: {  	[tilespmem:s0+$0x2000] =	vst v22;
	v22 =	vadd.s32 v22, v26;
	v26 =	vld [tilespmem:s0+$0x1500]  }
0x102: {  	[tilespmem:s0+$0x2100] =	vst v22;
	v22 =	vadd.s32 v22, v27;
	v27 =	vld [tilespmem:s0+$0x1600]  }
0x103: {  	v28 =	vld [tilespmem:s0+$0x1700];
	[tilespmem:s0+$0x2200] =	vst v22;
	v22 =	vadd.s32 v22, v23  }
0x104: {  	v29 =	vld [tilespmem:s0+$0x1800];
	[tilespmem:s0+$0x2300] =	vst v22;
	v22 =	vadd.s32 v22, v24  }
0x105: {  	v23 =	vld [tilespmem:s0+$0x1900];
	[tilespmem:s0+$0x2400] =	vst v22;
	v22 =	vadd.s32 v22, v25  }
0x106: {  	v24 =	vld [tilespmem:s0+$0x1A00];
	[tilespmem:s0+$0x2500] =	vst v22;
	v22 =	vadd.s32 v22, v26  }
0x107: {  	v25 =	vld [tilespmem:s0+$0x1B00];
	[tilespmem:s0+$0x2600] =	vst v22;
	v22 =	vadd.s32 v22, v27  }
0x108: {  	s4 =	simm.s32 $0x10;
	[tilespmem:s0+$0x2700] =	vst v22;
	v26 =	vadd.s32 v22, v28  }
0x109: {  	s8 =	simm.s32 $0x80;
	v22 =	vld [tilespmem:s4+$0xC00];
	[tilespmem:s0+$0x2800] =	vst v26;
	v26 =	vadd.s32 v26, v29  }
.LBB3_7:
0x10a: {  	p2 =	sne.s32 s8, $0x3C0;
	v27 =	vld [tilespmem:s4+$0xD00];
	[tilespmem:s0+$0x2900] =	vst v26;
	v23 =	vadd.s32 v26, v23  }
0x10b: {  	v26 =	vld [tilespmem:s4+$0xE00];
	[tilespmem:s0+$0x2A00] =	vst v23;
	v23 =	vadd.s32 v23, v24  }
0x10c: {  	v24 =	vld [tilespmem:s4+$0xF00];
	[tilespmem:s0+$0x2B00] =	vst v23;
	v23 =	vadd.s32 v23, v25  }
0x10d: {  	v25 =	vld [tilespmem:s4+$0x1000];
	[tilespmem:s0+$0x2C00] =	vst v23;
	s0 =	smov.u32 s4  }
0x10e: {  	[tilespmem:s0+$0x1D00] =	vst v22;
	v23 =	vld [tilespmem:s0+$0x1100]  }
0x10f: {  	[tilespmem:s0+$0x1C00] =	vst v18;
	v22 =	vadd.s32 v22, v27;
	v27 =	vld [tilespmem:s0+$0x1200]  }
0x110: {  	[tilespmem:s0+$0x1E00] =	vst v22;
	v22 =	vadd.s32 v22, v26;
	v26 =	vld [tilespmem:s0+$0x1300]  }
0x111: {  	[tilespmem:s0+$0x1F00] =	vst v22;
	v22 =	vadd.s32 v22, v24;
	v24 =	vld [tilespmem:s0+$0x1400]  }
0x112: {  	[tilespmem:s0+$0x2000] =	vst v22;
	v22 =	vadd.s32 v22, v25;
	v25 =	vld [tilespmem:s0+$0x1500]  }
0x113: {  	[tilespmem:s0+$0x2100] =	vst v22;
	v22 =	vadd.s32 v22, v23;
	v28 =	vld [tilespmem:s0+$0x1600]  }
0x114: {  	[tilespmem:s0+$0x2200] =	vst v22;
	v22 =	vadd.s32 v22, v27;
	v27 =	vld [tilespmem:s0+$0x1700]  }
0x115: {  	[tilespmem:s0+$0x2300] =	vst v22;
	v22 =	vadd.s32 v22, v26;
	v26 =	vld [tilespmem:s0+$0x1800]  }
.Ltmp7:
0x116: {  	[tilespmem:s0+$0x2400] =	vst v22;
	v22 =	vadd.s32 v22, v24;
	v23 =	vld [tilespmem:s0+$0x1900];
	(pc) =	sbr.rel @p2 .LBB3_7-.Ltmp7, $4  }
0x117: {  	[tilespmem:s0+$0x2500] =	vst v22;
	v22 =	vadd.s32 v22, v25;
	v24 =	vld [tilespmem:s0+$0x1A00]  }
0x118: {  	[tilespmem:s0+$0x2600] =	vst v22;
	v22 =	vadd.s32 v22, v28;
	v25 =	vld [tilespmem:s0+$0x1B00]  }
0x119: {  	s4 =	sshra.s32 s8, $0x2;
	[tilespmem:s0+$0x2700] =	vst v22;
	v27 =	vadd.s32 v22, v27  }
0x11a: {  	s8 =	sadd.s32 $0x40, s8;
	v22 =	vld [tilespmem:s4+$0xC00];
	[tilespmem:s0+$0x2800] =	vst v27;
	v26 =	vadd.s32 v27, v26  }
0x11b: {  	v27 =	vld [tilespmem:s4+$0xD00];
	[tilespmem:s0+$0x2900] =	vst v26;
	v23 =	vadd.s32 v26, v23  }
0x11c: {  	v26 =	vld [tilespmem:s4+$0xE00];
	[tilespmem:s0+$0x2A00] =	vst v23;
	v23 =	vadd.s32 v23, v24  }
0x11d: {  	v24 =	vld [tilespmem:s4+$0xF00];
	[tilespmem:s0+$0x2B00] =	vst v23;
	v23 =	vadd.s32 v23, v25  }
0x11e: {  	v25 =	vld [tilespmem:s4+$0x1000];
	[tilespmem:s0+$0x2C00] =	vst v23  }
0x11f: {  	[tilespmem:s4+$0x1D00] =	vst v22;
	v23 =	vld [tilespmem:s4+$0x1100]  }
0x120: {  	[tilespmem:s4+$0x1C00] =	vst v18;
	v22 =	vadd.s32 v22, v27;
	v27 =	vld [tilespmem:s4+$0x1200]  }
0x121: {  	[tilespmem:s4+$0x1E00] =	vst v22;
	v22 =	vadd.s32 v22, v26;
	v26 =	vld [tilespmem:s4+$0x1300]  }
0x122: {  	[tilespmem:s4+$0x1F00] =	vst v22;
	v22 =	vadd.s32 v22, v24;
	v24 =	vld [tilespmem:s4+$0x1400]  }
0x123: {  	[tilespmem:s4+$0x2000] =	vst v22;
	v22 =	vadd.s32 v22, v25;
	v25 =	vld [tilespmem:s4+$0x1500]  }
0x124: {  	[tilespmem:s4+$0x2100] =	vst v22;
	v22 =	vadd.s32 v22, v23;
	v23 =	vld [tilespmem:s4+$0x1600]  }
0x125: {  	[tilespmem:s4+$0x2200] =	vst v22;
	v22 =	vadd.s32 v22, v27;
	v27 =	vld [tilespmem:s4+$0x1700]  }
0x126: {  	[tilespmem:s4+$0x2300] =	vst v22;
	v22 =	vadd.s32 v22, v26;
	v26 =	vld [tilespmem:s4+$0x1800]  }
0x127: {  	[tilespmem:s4+$0x2400] =	vst v22;
	v22 =	vadd.s32 v22, v24;
	v24 =	vld [tilespmem:s4+$0x1900]  }
0x128: {  	[tilespmem:s4+$0x2500] =	vst v22;
	v22 =	vadd.s32 v22, v25;
	v25 =	vld [tilespmem:s4+$0x1A00]  }
0x129: {  	[tilespmem:s4+$0x2600] =	vst v22;
	v22 =	vadd.s32 v22, v23;
	v23 =	vld [tilespmem:s4+$0x1B00]  }
0x12a: {  	[tilespmem:s4+$0x2700] =	vst v22;
	v22 =	vadd.s32 v22, v27  }
0x12b: {  	[tilespmem:s4+$0x2800] =	vst v22;
	v22 =	vadd.s32 v22, v26  }
0x12c: {  	[tilespmem:s4+$0x2900] =	vst v22;
	v22 =	vadd.s32 v22, v24  }
0x12d: {  	[tilespmem:s4+$0x2A00] =	vst v22;
	v22 =	vadd.s32 v22, v25  }
0x12e: {  	[tilespmem:s4+$0x2B00] =	vst v22;
	v22 =	vadd.s32 v22, v23  }
0x12f: {  	[tilespmem:s4+$0x2C00] =	vst v22  }
0x130: {  	_ =	strace $0x9000004B  }
0x131: {  	_ =	strace $0x8000004C  }
0x132: {  	s10 =	simm.s32 $0x400;
	s8 =	simm.s32 $0x2C00;
	s9 =	rddreg [dreg:$0xf]  }
0x133: {  	[spmem:s9] =	stream.strided.scatter [tilespmem:s8], [sflag:$0x2], $0x100, s10, s13, $0x200038;
	[tilespmem:$0x5080] =	vst v63  }
0x134: {  	_ =	swait.ge [sflag:s22], $0x100  }
0x135: {  	[sflag:s22] =	ssyncset.done $0x0  }
0x136: {  	[sflag:s22] =	ssyncadd.s32 $0xFFFFFF00  }
0x137: {  	[bflag:$0x0] =	sbarrier.arrive $0xFFFF  }
0x138: {  	s16 =	simm.s32 $0x2D00;
	s14 =	rddreg [dreg:$0xe]  }
0x139: {  	[tilespmem:s16], [sflag:$0x2] =	stream.linear.gather [spmem:s14], $0x1000, $0x200038;
	[tilespmem:$0x5080] =	vst v63  }
0x13a: {  	_ =	swait.ge [sflag:s22], $0x1000  }
0x13b: {  	[sflag:s22] =	ssyncset.done $0x0  }
0x13c: {  	s4 =	simm.s32 $0x0;
	[sflag:s22] =	ssyncadd.s32 $0xFFFFF000  }
0x13d: {  	s18 =	sand.u32 $0x70, s4;
	s20 =	sand.u32 $0x400, s4;
	_ =	strace $0x9000004C  }
0x13e: {  	s0 =	sor.u32 s18, s20;
	_ =	strace $0x8000004D  }
0x13f: {  	v22 =	vld [tilespmem:s0+$0x2D80]  }
0x140: {  	v23 =	vld [tilespmem:s0+$0x2D00]  }
0x141: {  	v24 =	vld [tilespmem:s0+$0x2E00]  }
0x142: {  	v25 =	vld [tilespmem:s0+$0x2E80]  }
0x143: {  	v26 =	vld [tilespmem:s0+$0x2F00]  }
0x144: {  	v27 =	vld [tilespmem:s0+$0x2F80]  }
0x145: {  	v28 =	vld [tilespmem:s0+$0x3000];
	v29 =	vadd.s32 v23, v22  }
0x146: {  	v30 =	vld [tilespmem:s0+$0x3080];
	v29 =	vadd.s32 v24, v29  }
0x147: {  	v31 =	vld [tilespmem:s0+$0x3500];
	v29 =	vadd.s32 v25, v29  }
0x148: {  	v32 =	vld [tilespmem:s0+$0x3580];
	v29 =	vadd.s32 v26, v29  }
0x149: {  	v33 =	vld [tilespmem:s0+$0x3600];
	v29 =	vadd.s32 v27, v29  }
0x14a: {  	v34 =	vld [tilespmem:s0+$0x3680];
	v29 =	vadd.s32 v28, v29  }
0x14b: {  	v35 =	vld [tilespmem:s0+$0x3700];
	v29 =	vadd.s32 v30, v29  }
0x14c: {  	v36 =	vld [tilespmem:s0+$0x3780];
	v29 =	vadd.s32 v31, v29  }
0x14d: {  	v37 =	vld [tilespmem:s0+$0x3800];
	v23 =	vmul.u32 v0, v23;
	v22 =	vmul.u32 v1, v22;
	v29 =	vadd.s32 v32, v29  }
0x14e: {  	v38 =	vld [tilespmem:s0+$0x3880];
	v24 =	vmul.u32 v2, v24;
	v29 =	vadd.s32 v33, v29  }
0x14f: {  	v22 =	vadd.s32 v23, v22;
	v23 =	vmul.u32 v3, v25;
	v25 =	vadd.s32 v34, v29  }
0x150: {  	v22 =	vadd.s32 v24, v22;
	v24 =	vmul.u32 v4, v26;
	v25 =	vadd.s32 v35, v25  }
0x151: {  	v22 =	vadd.s32 v23, v22;
	v23 =	vmul.u32 v5, v27;
	v25 =	vadd.s32 v36, v25  }
0x152: {  	v22 =	vadd.s32 v24, v22;
	v24 =	vmul.u32 v6, v28;
	v25 =	vadd.s32 v37, v25  }
0x153: {  	v26 =	vmul.u32 v7, v30;
	v22 =	vadd.s32 v23, v22;
	v23 =	vadd.s32 v38, v25  }
0x154: {  	v22 =	vadd.s32 v24, v22;
	v24 =	vmul.u32 v8, v31;
	(xrf0) =	vadd.scan.msk.s32 $0xffff, v23  }
0x155: {  	v22 =	vadd.s32 v26, v22;
	v25 =	vmul.u32 v9, v32  }
0x156: {  	v22 =	vadd.s32 v24, v22;
	v24 =	vmul.u32 v10, v33  }
0x157: {  	v22 =	vadd.s32 v25, v22;
	v25 =	vmul.u32 v11, v34  }
0x158: {  	v22 =	vadd.s32 v24, v22;
	v24 =	vmul.u32 v12, v35  }
0x159: {  	v22 =	vadd.s32 v25, v22;
	v25 =	vmul.u32 v13, v36  }
0x15a: {  	s26 =	simm.s32 $0x10;
	s18 =	simm.s32 $0x80;
	v26 =	vmul.u32 v14, v37;
	v24 =	vadd.s32 v24, v22;
	v27, _, _ =	vpop (xrf0)  }
0x15b: {  	s28 =	simm.s32 $0x3D00;
	s21 =	sand.u32 $0x70, s26;
	s10 =	sand.u32 $0x400, s18;
	v22 =	vbroadcast v21, $0x0;
	v24 =	vadd.s32 v25, v24;
	v25 =	vsub.s32 v27, v23  }
0x15c: {  	s9 =	simm.s32 $0x20;
	s8 =	simm.s32 $0x3D00;
	s20 =	sor.u32 s21, s10;
	v24 =	vadd.s32 v26, v24;
	(v2sf) =	vpush v27, $0xF;
	v25 =	vadd.s32 s4, v25  }
0x15d: {  	s21 =	simm.s32 $0x3E00;
	s16 =	simm.s32 $0x0;
	s0 =	simm.s32 $0x3E00;
	v21 =	vbroadcast v21, $0x1;
	v24 =	vadd.s32 v25, v24;
	v25 =	vsub.s32 v22, v25  }
.LBB3_9:
0x15e: {  	s28 =	sadd.s32 $0x10, s28  }
0x15f: {  	vm0 =	vgt.s32 v25, $0x0;
	s0 =	sadd.s32 $0x10, s0;
	s14 =	smov.u32 s9;
	s10 =	sadd.s32 $0x10, s9  }
0x160: {  	p2 =	sne.s32 s9, $0xF0;
	v26 =	vor.u32 s4, v17;
	s4 =	smov.u32 s26;
	v25 =	vnsel vm0, $0x0, v25;
	s26 =	smov.u32 s14  }
0x161: {  	vm1 =	vlt.s32 v26, v21;
	vm0 =	vlt.s32 v25, v23  }
0x162: {  	[tilespmem:s8+$0x0] =	vst v24;
	v23 =	vsel vm0, v25, v23;
	s8 =	smov.u32 s28  }
0x163: {  	v23 =	vnsel vm1, $0x0, v23  }
0x164: {  	[tilespmem:s21+$0x0] =	vst v23;
	s21 =	smov.u32 s0  }
0x165: {  	v23 =	vld [tilespmem:s20+$0x2D80]  }
0x166: {  	v24 =	vld [tilespmem:s20+$0x2E00]  }
0x167: {  	v25 =	vld [tilespmem:s20+$0x2D00]  }
0x168: {  	v26 =	vld [tilespmem:s20+$0x2E80]  }
0x169: {  	v27 =	vld [tilespmem:s20+$0x2F80]  }
0x16a: {  	v28 =	vld [tilespmem:s20+$0x2F00]  }
0x16b: {  	v29 =	vmul.u32 v2, v24;
	v30 =	vld [tilespmem:s20+$0x3000];
	s9 =	spop (v2sf)  }
0x16c: {  	v31 =	vmul.u32 v0, v25;
	v25 =	vadd.s32 v25, v23;
	v23 =	vmul.u32 v1, v23;
	v32 =	vld [tilespmem:s20+$0x3080];
	s16 =	sadd.s32 s16, s9  }
0x16d: {  	v24 =	vadd.s32 v24, v25;
	v25 =	vmul.u32 v3, v26;
	v33 =	vld [tilespmem:s20+$0x3500]  }
0x16e: {  	v23 =	vadd.s32 v31, v23;
	v24 =	vadd.s32 v26, v24;
	v26 =	vmul.u32 v5, v27;
	v31 =	vld [tilespmem:s20+$0x3580]  }
0x16f: {  	v23 =	vadd.s32 v29, v23;
	v24 =	vadd.s32 v28, v24;
	v28 =	vmul.u32 v4, v28;
	v29 =	vld [tilespmem:s20+$0x3600]  }
0x170: {  	v23 =	vadd.s32 v25, v23;
	v24 =	vadd.s32 v27, v24;
	v25 =	vld [tilespmem:s20+$0x3680]  }
0x171: {  	v27 =	vmul.u32 v6, v30;
	v23 =	vadd.s32 v28, v23;
	v24 =	vadd.s32 v30, v24;
	v28 =	vld [tilespmem:s20+$0x3700]  }
0x172: {  	v23 =	vadd.s32 v26, v23;
	v24 =	vadd.s32 v32, v24;
	v26 =	vmul.u32 v7, v32;
	v30 =	vld [tilespmem:s20+$0x3780]  }
0x173: {  	v23 =	vadd.s32 v27, v23;
	v24 =	vadd.s32 v33, v24;
	v27 =	vmul.u32 v8, v33;
	v32 =	vld [tilespmem:s20+$0x3800]  }
0x174: {  	v23 =	vadd.s32 v26, v23;
	v24 =	vadd.s32 v31, v24;
	v26 =	vmul.u32 v9, v31;
	v31 =	vld [tilespmem:s20+$0x3880]  }
0x175: {  	v23 =	vadd.s32 v27, v23;
	v24 =	vadd.s32 v29, v24;
	v27 =	vmul.u32 v10, v29  }
0x176: {  	v23 =	vadd.s32 v26, v23;
	v24 =	vadd.s32 v25, v24;
	v25 =	vmul.u32 v11, v25  }
0x177: {  	v26 =	vmul.u32 v12, v28;
	v23 =	vadd.s32 v27, v23;
	v24 =	vadd.s32 v28, v24  }
0x178: {  	v23 =	vadd.s32 v25, v23;
	v24 =	vadd.s32 v30, v24;
	v25 =	vmul.u32 v13, v30  }
0x179: {  	v23 =	vadd.s32 v26, v23;
	v24 =	vadd.s32 v32, v24  }
0x17a: {  	v25 =	vadd.s32 v25, v23;
	v23 =	vadd.s32 v31, v24  }
0x17b: {  	(xrf0) =	vadd.scan.msk.s32 $0xffff, v23;
	_ =	sdelay $0x1  }
0x17c: {  	s18 =	sadd.s32 $0x80, s18  }
0x17d: {  	s14 =	sand.u32 $0x400, s18;
	s9 =	sand.u32 $0x70, s26  }
0x17e: {  	s20 =	sor.u32 s9, s14  }
.Ltmp8:
0x17f: {  	(pc) =	sbr.rel @p2 .LBB3_9-.Ltmp8, $4  }
0x180: {  	v24 =	vmul.u32 v14, v32;
	v26, _, _ =	vpop (xrf0)  }
0x181: {  	v27 =	vsub.s32 v26, v23;
	(v2sf) =	vpush v26, $0xF  }
0x182: {  	v24 =	vadd.s32 v24, v25;
	v25 =	vadd.s32 s16, v27  }
0x183: {  	s9 =	smov.u32 s10;
	v24 =	vadd.s32 v25, v24;
	v25 =	vsub.s32 v22, v25  }
0x184: {  	vm0 =	vgt.s32 v25, $0x0  }
0x185: {  	v25 =	vnsel vm0, $0x0, v25  }
0x186: {  	v26 =	vor.u32 s4, v17;
	vm0 =	vlt.s32 v25, v23  }
0x187: {  	vm1 =	vlt.s32 v26, v21;
	v23 =	vsel vm0, v25, v23  }
0x188: {  	[tilespmem:s8+$0x0] =	vst v24;
	v23 =	vnsel vm1, $0x0, v23  }
0x189: {  	[tilespmem:s21+$0x0] =	vst v23  }
0x18a: {  	v23 =	vld [tilespmem:s20+$0x2D80]  }
0x18b: {  	v24 =	vld [tilespmem:s20+$0x2D00]  }
0x18c: {  	v62 =	vld [tilespmem:s20+$0x2E00]  }
0x18d: {  	v63 =	vld [tilespmem:s20+$0x2E80]  }
0x18e: {  	v27 =	vld [tilespmem:s20+$0x2F00]  }
0x18f: {  	v28 =	vld [tilespmem:s20+$0x2F80]  }
0x190: {  	v29 =	vld [tilespmem:s20+$0x3000];
	v30 =	vadd.s32 v24, v23  }
0x191: {  	v31 =	vld [tilespmem:s20+$0x3080];
	v30 =	vadd.s32 v62, v30  }
0x192: {  	v32 =	vld [tilespmem:s20+$0x3500];
	v30 =	vadd.s32 v63, v30  }
0x193: {  	v33 =	vld [tilespmem:s20+$0x3580];
	v30 =	vadd.s32 v27, v30  }
0x194: {  	v34 =	vld [tilespmem:s20+$0x3600];
	v30 =	vadd.s32 v28, v30  }
0x195: {  	v35 =	vld [tilespmem:s20+$0x3680];
	v30 =	vadd.s32 v29, v30  }
0x196: {  	v36 =	vld [tilespmem:s20+$0x3700];
	v30 =	vadd.s32 v31, v30  }
0x197: {  	v37 =	vld [tilespmem:s20+$0x3780];
	v30 =	vadd.s32 v32, v30  }
0x198: {  	v38 =	vld [tilespmem:s20+$0x3800];
	v30 =	vadd.s32 v33, v30  }
0x199: {  	v39 =	vld [tilespmem:s20+$0x3880];
	v30 =	vadd.s32 v34, v30  }
0x19a: {  	v30 =	vadd.s32 v35, v30  }
0x19b: {  	v30 =	vadd.s32 v36, v30  }
0x19c: {  	v30 =	vadd.s32 v37, v30  }
0x19d: {  	v30 =	vadd.s32 v38, v30  }
0x19e: {  	v30 =	vadd.s32 v39, v30  }
0x19f: {  	(xrf0) =	vadd.scan.msk.s32 $0xffff, v30;
	_ =	sdelay $0x1  }
0x1a0: {  	v24 =	vmul.u32 v0, v24;
	v23 =	vmul.u32 v1, v23  }
0x1a1: {  	v25 =	vmul.u32 v2, v62  }
0x1a2: {  	v40 =	vmul.u32 v3, v63;
	v23 =	vadd.s32 v24, v23  }
0x1a3: {  	v41 =	vmul.u32 v4, v27;
	v23 =	vadd.s32 v25, v23  }
0x1a4: {  	v42 =	vmul.u32 v5, v28;
	v23 =	vadd.s32 v40, v23;
	v43, _, _ =	vpop (xrf0)  }
0x1a5: {  	v44 =	vmul.u32 v6, v29;
	v23 =	vadd.s32 v41, v23;
	(v2sf) =	vpush v43, $0xF  }
0x1a6: {  	v45 =	vmul.u32 v7, v31;
	v23 =	vadd.s32 v42, v23  }
0x1a7: {  	v46 =	vmul.u32 v8, v32;
	v23 =	vadd.s32 v44, v23  }
0x1a8: {  	v47 =	vmul.u32 v9, v33;
	v23 =	vadd.s32 v45, v23  }
0x1a9: {  	v48 =	vmul.u32 v10, v34;
	s21 =	spop (v2sf);
	v23 =	vadd.s32 v46, v23  }
0x1aa: {  	v49 =	vmul.u32 v11, v35;
	s4 =	sadd.s32 s16, s21;
	v23 =	vadd.s32 v47, v23;
	v24 =	vsub.s32 v43, v30  }
0x1ab: {  	v50 =	vmul.u32 v12, v36;
	v23 =	vadd.s32 v48, v23;
	v24 =	vadd.s32 s4, v24  }
0x1ac: {  	v51 =	vmul.u32 v13, v37;
	v23 =	vadd.s32 v49, v23;
	v22 =	vsub.s32 v22, v24  }
0x1ad: {  	v52 =	vmul.u32 v14, v38;
	v23 =	vadd.s32 v50, v23;
	vm14 =	vgt.s32 v22, $0x0  }
0x1ae: {  	v23 =	vadd.s32 v51, v23;
	v22 =	vnsel vm14, $0x0, v22  }
0x1af: {  	v53 =	vor.u32 s26, v17;
	v23 =	vadd.s32 v52, v23;
	vm0 =	vlt.s32 v22, v30  }
0x1b0: {  	s26 =	sadd.s32 $0x10, s28;
	vm15 =	vlt.s32 v53, v21;
	v23 =	vadd.s32 v24, v23;
	v21 =	vsel vm0, v22, v30  }
0x1b1: {  	s0 =	sadd.s32 $0x10, s0;
	[tilespmem:s26+$0x0] =	vst v23;
	v21 =	vnsel vm15, $0x0, v21  }
0x1b2: {  	s8 =	rddreg [dreg:$0xd];
	s4 =	simm.s32 @!p1 $0x3E00;
	[tilespmem:s0+$0x0] =	vst v21;
	s0 =	simm.s32 @!p1 $0x0  }
0x1b3: {  	[hbm4b:s8+s0] =	stream.linear.scatter @!p1 [tilespmem:s4], [sflag:$0x2], $0x100, $0x200038;
	[tilespmem:$0x5080] =	vst v63  }
0x1b4: {  	s0 =	simm.s32 @!p1 $0x2;
	s8 =	spop (v2sf)  }
0x1b5: {  	_ =	swait.ge @!p1 [sflag:s0], $0x100  }
0x1b6: {  	[sflag:s0] =	ssyncset.done @!p1 $0x0  }
0x1b7: {  	[sflag:s0] =	ssyncadd.s32 @!p1 $0xFFFFFF00  }
0x1b8: {  	_ =	strace $0x9000004D  }
0x1b9: {  	_ =	strace $0x8000004E  }
0x1ba: {  	v21 =	vld [tilespmem:$0x200];
	_ =	sdelay $0x6  }
0x1bb: {  	v23 =	vld [tilespmem:$0x210]  }
0x1bc: {  	v22 =	vld.idx.msk [tilespmem:v21+s6+$0x0], $0xffff  }
0x1bd: {  	v21 =	vld.idx.msk [tilespmem:v21+s31+$0x0], $0xffff  }
0x1be: {  	v54 =	vld [tilespmem:$0x800];
	_ =	sdelay $0x3  }
0x1bf: {  	v21 =	vadd.s32 v22, v21  }
0x1c0: {  	v21 =	vadd.s32 v54, v21  }
0x1c1: {  	[tilespmem:$0xA00] =	vst v21  }
0x1c2: {  	v21 =	vld.idx.msk [tilespmem:v23+s6+$0x0], $0xffff  }
0x1c3: {  	v22 =	vld.idx.msk [tilespmem:v23+s31+$0x0], $0xffff  }
0x1c4: {  	v23 =	vld [tilespmem:$0x220]  }
0x1c5: {  	v55 =	vld [tilespmem:$0x810];
	_ =	sdelay $0x3  }
0x1c6: {  	v21 =	vadd.s32 v21, v22;
	v22 =	vadd.s32 $0x100, v23  }
0x1c7: {  	v21 =	vadd.s32 v55, v21  }
0x1c8: {  	[tilespmem:$0xA10] =	vst v21  }
0x1c9: {  	v21 =	vld.idx.msk [tilespmem:v23+s6+$0x0], $0xffff  }
0x1ca: {  	v23 =	vld [tilespmem:$0x230]  }
0x1cb: {  	v22 =	vld.idx.msk [tilespmem:v22+s31+$0x0], $0xffff  }
0x1cc: {  	v56 =	vld [tilespmem:$0x820];
	_ =	sdelay $0x2  }
0x1cd: {  	v57 =	vadd.s32 $0x100, v23  }
0x1ce: {  	v21 =	vadd.s32 v21, v22  }
0x1cf: {  	v21 =	vadd.s32 v56, v21  }
0x1d0: {  	[tilespmem:$0xA20] =	vst v21  }
0x1d1: {  	v21 =	vld.idx.msk [tilespmem:v23+s6+$0x0], $0xffff  }
0x1d2: {  	v22 =	vld.idx.msk [tilespmem:v57+s31+$0x0], $0xffff  }
0x1d3: {  	v23 =	vld [tilespmem:$0x240]  }
0x1d4: {  	v58 =	vld [tilespmem:$0x830];
	_ =	sdelay $0x3  }
0x1d5: {  	v21 =	vadd.s32 v21, v22;
	v22 =	vadd.s32 $0x200, v23  }
0x1d6: {  	v21 =	vadd.s32 v58, v21  }
0x1d7: {  	[tilespmem:$0xA30] =	vst v21  }
0x1d8: {  	v21 =	vld.idx.msk [tilespmem:v23+s6+$0x0], $0xffff  }
0x1d9: {  	v23 =	vld [tilespmem:$0x250]  }
0x1da: {  	v22 =	vld.idx.msk [tilespmem:v22+s31+$0x0], $0xffff  }
0x1db: {  	v59 =	vld [tilespmem:$0x840];
	_ =	sdelay $0x2  }
0x1dc: {  	v60 =	vadd.s32 $0x200, v23  }
0x1dd: {  	v21 =	vadd.s32 v21, v22  }
0x1de: {  	v21 =	vadd.s32 v59, v21  }
0x1df: {  	[tilespmem:$0xA40] =	vst v21  }
0x1e0: {  	v21 =	vld.idx.msk [tilespmem:v23+s6+$0x0], $0xffff  }
0x1e1: {  	v22 =	vld.idx.msk [tilespmem:v60+s31+$0x0], $0xffff  }
0x1e2: {  	v23 =	vld [tilespmem:$0x260]  }
0x1e3: {  	v61 =	vld [tilespmem:$0x850];
	_ =	sdelay $0x3  }
0x1e4: {  	v21 =	vadd.s32 v21, v22;
	v22 =	vadd.s32 $0x300, v23  }
0x1e5: {  	v21 =	vadd.s32 v61, v21  }
0x1e6: {  	[tilespmem:$0xA50] =	vst v21  }
0x1e7: {  	v21 =	vld.idx.msk [tilespmem:v23+s6+$0x0], $0xffff  }
0x1e8: {  	v23 =	vld [tilespmem:$0x270]  }
0x1e9: {  	v22 =	vld.idx.msk [tilespmem:v22+s31+$0x0], $0xffff  }
0x1ea: {  	v62 =	vld [tilespmem:$0x860];
	_ =	sdelay $0x2  }
0x1eb: {  	v63 =	vadd.s32 $0x300, v23  }
0x1ec: {  	v21 =	vadd.s32 v21, v22  }
0x1ed: {  	v21 =	vadd.s32 v62, v21  }
0x1ee: {  	[tilespmem:$0xA60] =	vst v21  }
0x1ef: {  	v21 =	vld.idx.msk [tilespmem:v23+s6+$0x0], $0xffff  }
0x1f0: {  	v22 =	vld.idx.msk [tilespmem:v63+s31+$0x0], $0xffff  }
0x1f1: {  	v23 =	vld [tilespmem:$0x280]  }
0x1f2: {  	v28 =	vld [tilespmem:$0x870];
	_ =	sdelay $0x3  }
0x1f3: {  	v21 =	vadd.s32 v21, v22;
	v22 =	vadd.s32 $0x400, v23  }
0x1f4: {  	v21 =	vadd.s32 v28, v21  }
0x1f5: {  	[tilespmem:$0xA70] =	vst v21  }
0x1f6: {  	v21 =	vld.idx.msk [tilespmem:v23+s6+$0x0], $0xffff  }
0x1f7: {  	v23 =	vld [tilespmem:$0x290]  }
0x1f8: {  	v22 =	vld.idx.msk [tilespmem:v22+s31+$0x0], $0xffff  }
0x1f9: {  	v29 =	vld [tilespmem:$0x880];
	_ =	sdelay $0x2  }
0x1fa: {  	v30 =	vadd.s32 $0x400, v23  }
0x1fb: {  	v21 =	vadd.s32 v21, v22  }
0x1fc: {  	v21 =	vadd.s32 v29, v21  }
0x1fd: {  	[tilespmem:$0xA80] =	vst v21  }
0x1fe: {  	v21 =	vld.idx.msk [tilespmem:v23+s6+$0x0], $0xffff  }
0x1ff: {  	v22 =	vld.idx.msk [tilespmem:v30+s31+$0x0], $0xffff  }
0x200: {  	v23 =	vld [tilespmem:$0x2A0]  }
0x201: {  	v31 =	vld [tilespmem:$0x890];
	_ =	sdelay $0x3  }
0x202: {  	v21 =	vadd.s32 v21, v22;
	v22 =	vadd.s32 $0x500, v23  }
0x203: {  	v21 =	vadd.s32 v31, v21  }
0x204: {  	[tilespmem:$0xA90] =	vst v21  }
0x205: {  	v21 =	vld.idx.msk [tilespmem:v23+s6+$0x0], $0xffff  }
0x206: {  	v23 =	vld [tilespmem:$0x2B0]  }
0x207: {  	v22 =	vld.idx.msk [tilespmem:v22+s31+$0x0], $0xffff  }
0x208: {  	v32 =	vld [tilespmem:$0x8A0];
	_ =	sdelay $0x2  }
0x209: {  	v33 =	vadd.s32 $0x500, v23  }
0x20a: {  	v21 =	vadd.s32 v21, v22  }
0x20b: {  	v21 =	vadd.s32 v32, v21  }
0x20c: {  	[tilespmem:$0xAA0] =	vst v21  }
0x20d: {  	v21 =	vld.idx.msk [tilespmem:v23+s6+$0x0], $0xffff  }
0x20e: {  	v22 =	vld.idx.msk [tilespmem:v33+s31+$0x0], $0xffff  }
0x20f: {  	v23 =	vld [tilespmem:$0x2C0]  }
0x210: {  	v34 =	vld [tilespmem:$0x8B0];
	_ =	sdelay $0x3  }
0x211: {  	v21 =	vadd.s32 v21, v22;
	v22 =	vadd.s32 $0x600, v23  }
0x212: {  	v21 =	vadd.s32 v34, v21  }
0x213: {  	[tilespmem:$0xAB0] =	vst v21  }
0x214: {  	v21 =	vld.idx.msk [tilespmem:v23+s6+$0x0], $0xffff  }
0x215: {  	v23 =	vld [tilespmem:$0x2D0]  }
0x216: {  	v22 =	vld.idx.msk [tilespmem:v22+s31+$0x0], $0xffff  }
0x217: {  	v35 =	vld [tilespmem:$0x8C0];
	_ =	sdelay $0x2  }
0x218: {  	v36 =	vadd.s32 $0x600, v23  }
0x219: {  	v21 =	vadd.s32 v21, v22  }
0x21a: {  	v21 =	vadd.s32 v35, v21  }
0x21b: {  	[tilespmem:$0xAC0] =	vst v21  }
0x21c: {  	v21 =	vld.idx.msk [tilespmem:v23+s6+$0x0], $0xffff  }
0x21d: {  	v22 =	vld.idx.msk [tilespmem:v36+s31+$0x0], $0xffff  }
0x21e: {  	v23 =	vld [tilespmem:$0x2E0]  }
0x21f: {  	v37 =	vld [tilespmem:$0x8D0];
	_ =	sdelay $0x3  }
0x220: {  	v21 =	vadd.s32 v21, v22;
	v22 =	vadd.s32 $0x700, v23  }
0x221: {  	v21 =	vadd.s32 v37, v21  }
0x222: {  	[tilespmem:$0xAD0] =	vst v21  }
0x223: {  	v21 =	vld.idx.msk [tilespmem:v23+s6+$0x0], $0xffff  }
0x224: {  	v23 =	vld [tilespmem:$0x2F0]  }
0x225: {  	v22 =	vld.idx.msk [tilespmem:v22+s31+$0x0], $0xffff  }
0x226: {  	v38 =	vld [tilespmem:$0x8E0];
	_ =	sdelay $0x2  }
0x227: {  	v39 =	vadd.s32 $0x700, v23  }
0x228: {  	v21 =	vadd.s32 v21, v22  }
0x229: {  	v21 =	vadd.s32 v38, v21  }
0x22a: {  	[tilespmem:$0xAE0] =	vst v21  }
0x22b: {  	v21 =	vld.idx.msk [tilespmem:v23+s6+$0x0], $0xffff  }
0x22c: {  	v22 =	vld.idx.msk [tilespmem:v39+s31+$0x0], $0xffff  }
0x22d: {  	v23 =	vld [tilespmem:$0x300]  }
0x22e: {  	v40 =	vld [tilespmem:$0x8F0];
	_ =	sdelay $0x3  }
0x22f: {  	v21 =	vadd.s32 v21, v22;
	v22 =	vadd.s32 $0x800, v23  }
0x230: {  	v21 =	vadd.s32 v40, v21  }
0x231: {  	[tilespmem:$0xAF0] =	vst v21  }
0x232: {  	v21 =	vld.idx.msk [tilespmem:v23+s6+$0x0], $0xffff  }
0x233: {  	v23 =	vld [tilespmem:$0x310]  }
0x234: {  	v22 =	vld.idx.msk [tilespmem:v22+s31+$0x0], $0xffff  }
0x235: {  	v41 =	vld [tilespmem:$0x900];
	_ =	sdelay $0x2  }
0x236: {  	v42 =	vadd.s32 $0x800, v23  }
0x237: {  	v21 =	vadd.s32 v21, v22  }
0x238: {  	v21 =	vadd.s32 v41, v21  }
0x239: {  	[tilespmem:$0xB00] =	vst v21  }
0x23a: {  	v21 =	vld.idx.msk [tilespmem:v23+s6+$0x0], $0xffff  }
0x23b: {  	v22 =	vld.idx.msk [tilespmem:v42+s31+$0x0], $0xffff  }
0x23c: {  	v23 =	vld [tilespmem:$0x320]  }
0x23d: {  	v43 =	vld [tilespmem:$0x910];
	_ =	sdelay $0x3  }
0x23e: {  	v21 =	vadd.s32 v21, v22;
	v22 =	vadd.s32 $0x900, v23  }
0x23f: {  	v21 =	vadd.s32 v43, v21  }
0x240: {  	[tilespmem:$0xB10] =	vst v21  }
0x241: {  	v21 =	vld.idx.msk [tilespmem:v23+s6+$0x0], $0xffff  }
0x242: {  	v23 =	vld [tilespmem:$0x330]  }
0x243: {  	v22 =	vld.idx.msk [tilespmem:v22+s31+$0x0], $0xffff  }
0x244: {  	v44 =	vld [tilespmem:$0x920];
	_ =	sdelay $0x2  }
0x245: {  	v45 =	vadd.s32 $0x900, v23  }
0x246: {  	v21 =	vadd.s32 v21, v22  }
0x247: {  	v21 =	vadd.s32 v44, v21  }
0x248: {  	[tilespmem:$0xB20] =	vst v21  }
0x249: {  	v21 =	vld.idx.msk [tilespmem:v23+s6+$0x0], $0xffff  }
0x24a: {  	v22 =	vld.idx.msk [tilespmem:v45+s31+$0x0], $0xffff  }
0x24b: {  	v23 =	vld [tilespmem:$0x340]  }
0x24c: {  	v46 =	vld [tilespmem:$0x930];
	_ =	sdelay $0x3  }
0x24d: {  	v21 =	vadd.s32 v21, v22;
	v22 =	vadd.s32 $0xA00, v23  }
0x24e: {  	v21 =	vadd.s32 v46, v21  }
0x24f: {  	[tilespmem:$0xB30] =	vst v21  }
0x250: {  	v21 =	vld.idx.msk [tilespmem:v23+s6+$0x0], $0xffff  }
0x251: {  	v23 =	vld [tilespmem:$0x350]  }
0x252: {  	v22 =	vld.idx.msk [tilespmem:v22+s31+$0x0], $0xffff  }
0x253: {  	v47 =	vld [tilespmem:$0x940];
	_ =	sdelay $0x2  }
0x254: {  	v48 =	vadd.s32 $0xA00, v23  }
0x255: {  	v21 =	vadd.s32 v21, v22  }
0x256: {  	v21 =	vadd.s32 v47, v21  }
0x257: {  	[tilespmem:$0xB40] =	vst v21  }
0x258: {  	v21 =	vld.idx.msk [tilespmem:v23+s6+$0x0], $0xffff  }
0x259: {  	v22 =	vld.idx.msk [tilespmem:v48+s31+$0x0], $0xffff  }
0x25a: {  	v23 =	vld [tilespmem:$0x360]  }
0x25b: {  	v49 =	vld [tilespmem:$0x950];
	_ =	sdelay $0x3  }
0x25c: {  	v21 =	vadd.s32 v21, v22;
	v22 =	vadd.s32 $0xB00, v23  }
0x25d: {  	v21 =	vadd.s32 v49, v21  }
0x25e: {  	[tilespmem:$0xB50] =	vst v21  }
0x25f: {  	v21 =	vld.idx.msk [tilespmem:v23+s6+$0x0], $0xffff  }
0x260: {  	v23 =	vld [tilespmem:$0x370]  }
0x261: {  	v22 =	vld.idx.msk [tilespmem:v22+s31+$0x0], $0xffff  }
0x262: {  	v50 =	vld [tilespmem:$0x960];
	_ =	sdelay $0x2  }
0x263: {  	v51 =	vadd.s32 $0xB00, v23  }
0x264: {  	v21 =	vadd.s32 v21, v22  }
0x265: {  	v21 =	vadd.s32 v50, v21  }
0x266: {  	[tilespmem:$0xB60] =	vst v21  }
0x267: {  	v21 =	vld.idx.msk [tilespmem:v23+s6+$0x0], $0xffff  }
0x268: {  	v22 =	vld.idx.msk [tilespmem:v51+s31+$0x0], $0xffff  }
0x269: {  	v23 =	vld [tilespmem:$0x380]  }
0x26a: {  	v52 =	vld [tilespmem:$0x970];
	_ =	sdelay $0x3  }
0x26b: {  	v21 =	vadd.s32 v21, v22;
	v22 =	vadd.s32 $0xC00, v23  }
0x26c: {  	v21 =	vadd.s32 v52, v21  }
0x26d: {  	[tilespmem:$0xB70] =	vst v21  }
0x26e: {  	v21 =	vld.idx.msk [tilespmem:v23+s6+$0x0], $0xffff  }
0x26f: {  	v23 =	vld [tilespmem:$0x390]  }
0x270: {  	v22 =	vld.idx.msk [tilespmem:v22+s31+$0x0], $0xffff  }
0x271: {  	v53 =	vld [tilespmem:$0x980];
	_ =	sdelay $0x2  }
0x272: {  	v54 =	vadd.s32 $0xC00, v23  }
0x273: {  	v21 =	vadd.s32 v21, v22  }
0x274: {  	v21 =	vadd.s32 v53, v21  }
0x275: {  	[tilespmem:$0xB80] =	vst v21  }
0x276: {  	v21 =	vld.idx.msk [tilespmem:v23+s6+$0x0], $0xffff  }
0x277: {  	v22 =	vld.idx.msk [tilespmem:v54+s31+$0x0], $0xffff  }
0x278: {  	v23 =	vld [tilespmem:$0x3A0]  }
0x279: {  	v55 =	vld [tilespmem:$0x990];
	_ =	sdelay $0x3  }
0x27a: {  	v21 =	vadd.s32 v21, v22;
	v22 =	vadd.s32 $0xD00, v23  }
0x27b: {  	v21 =	vadd.s32 v55, v21  }
0x27c: {  	[tilespmem:$0xB90] =	vst v21  }
0x27d: {  	v21 =	vld.idx.msk [tilespmem:v23+s6+$0x0], $0xffff  }
0x27e: {  	v23 =	vld [tilespmem:$0x3B0]  }
0x27f: {  	v22 =	vld.idx.msk [tilespmem:v22+s31+$0x0], $0xffff  }
0x280: {  	v56 =	vld [tilespmem:$0x9A0];
	_ =	sdelay $0x2  }
0x281: {  	v57 =	vadd.s32 $0xD00, v23  }
0x282: {  	v21 =	vadd.s32 v21, v22  }
0x283: {  	v21 =	vadd.s32 v56, v21  }
0x284: {  	[tilespmem:$0xBA0] =	vst v21  }
0x285: {  	v21 =	vld.idx.msk [tilespmem:v23+s6+$0x0], $0xffff  }
0x286: {  	v22 =	vld.idx.msk [tilespmem:v57+s31+$0x0], $0xffff  }
0x287: {  	v23 =	vld [tilespmem:$0x3C0]  }
0x288: {  	v58 =	vld [tilespmem:$0x9B0];
	_ =	sdelay $0x3  }
0x289: {  	v21 =	vadd.s32 v21, v22;
	v22 =	vadd.s32 $0xE00, v23  }
0x28a: {  	v21 =	vadd.s32 v58, v21  }
0x28b: {  	[tilespmem:$0xBB0] =	vst v21  }
0x28c: {  	v21 =	vld.idx.msk [tilespmem:v23+s6+$0x0], $0xffff  }
0x28d: {  	v23 =	vld [tilespmem:$0x3D0]  }
0x28e: {  	v22 =	vld.idx.msk [tilespmem:v22+s31+$0x0], $0xffff  }
0x28f: {  	v59 =	vld [tilespmem:$0x9C0];
	_ =	sdelay $0x2  }
0x290: {  	v60 =	vadd.s32 $0xE00, v23  }
0x291: {  	v21 =	vadd.s32 v21, v22  }
0x292: {  	v21 =	vadd.s32 v59, v21  }
0x293: {  	[tilespmem:$0xBC0] =	vst v21  }
0x294: {  	v21 =	vld.idx.msk [tilespmem:v23+s6+$0x0], $0xffff  }
0x295: {  	v22 =	vld.idx.msk [tilespmem:v60+s31+$0x0], $0xffff  }
0x296: {  	v23 =	vld [tilespmem:$0x3E0]  }
0x297: {  	v61 =	vld [tilespmem:$0x9D0];
	_ =	sdelay $0x3  }
0x298: {  	v21 =	vadd.s32 v21, v22;
	v22 =	vadd.s32 $0xF00, v23  }
0x299: {  	v21 =	vadd.s32 v61, v21  }
0x29a: {  	[tilespmem:$0xBD0] =	vst v21  }
0x29b: {  	v21 =	vld.idx.msk [tilespmem:v23+s6+$0x0], $0xffff  }
0x29c: {  	v23 =	vld [tilespmem:$0x3F0]  }
0x29d: {  	v22 =	vld.idx.msk [tilespmem:v22+s31+$0x0], $0xffff  }
0x29e: {  	v62 =	vld [tilespmem:$0x9E0];
	_ =	sdelay $0x2  }
0x29f: {  	v63 =	vadd.s32 $0xF00, v23  }
0x2a0: {  	v21 =	vadd.s32 v21, v22  }
0x2a1: {  	v21 =	vadd.s32 v62, v21  }
0x2a2: {  	[tilespmem:$0xBE0] =	vst v21  }
0x2a3: {  	v21 =	vld.idx.msk [tilespmem:v23+s6+$0x0], $0xffff  }
0x2a4: {  	v22 =	vld.idx.msk [tilespmem:v63+s31+$0x0], $0xffff  }
0x2a5: {  	v23 =	vld [tilespmem:$0x9F0];
	_ =	sdelay $0x3  }
0x2a6: {  	v21 =	vadd.s32 v21, v22  }
0x2a7: {  	v21 =	vadd.s32 v23, v21  }
0x2a8: {  	[tilespmem:$0xBF0] =	vst v21  }
0x2a9: {  	_ =	strace $0x9000004E  }
0x2aa: {  	_ =	strace $0x8000004F  }
0x2ab: {  	s28 =	simm.s32 $0x0;
	s9 =	rddreg [dreg:$0x5]  }
0x2ac: {  	[hbm4b:s9+s13] =	stream.indirect.scatter [tilespmem:s28], [sflag:$0x1], $0x1, s12, s13, $0x2000b8;
	[tilespmem:$0x5080] =	vst v63  }
0x2ad: {  	_ = 	snop  }
0x2ae: {  	[hbm4b:s9+s13] =	stream.indirect.scatter [tilespmem:s13], [sflag:$0x1], $0x1, s1, s13, $0x2000b8;
	[tilespmem:$0x5080] =	vst v63  }
0x2af: {  	s10 =	simm.s32 $0x100  }
0x2b0: {  	[hbm4b:s9+s13] =	stream.indirect.scatter [tilespmem:s10], [sflag:$0x1], $0x1, s5, s13, $0x2000b8;
	[tilespmem:$0x5080] =	vst v63  }
0x2b1: {  	s14 =	simm.s32 $0x180  }
0x2b2: {  	[hbm4b:s9+s13] =	stream.indirect.scatter [tilespmem:s14], [sflag:$0x1], $0x1, s24, s13, $0x2000b8;
	[tilespmem:$0x5080] =	vst v63  }
0x2b3: {  	s16 =	rddreg [dreg:$0x6]  }
0x2b4: {  	[hbm4b:s16+s13] =	stream.indirect.scatter [tilespmem:s23], [sflag:$0x1], $0x1, s12, s13, $0x2000b8;
	[tilespmem:$0x5080] =	vst v63  }
0x2b5: {  	s18 =	simm.s32 $0x280  }
0x2b6: {  	[hbm4b:s16+s13] =	stream.indirect.scatter [tilespmem:s18], [sflag:$0x1], $0x1, s1, s13, $0x2000b8;
	[tilespmem:$0x5080] =	vst v63  }
0x2b7: {  	s20 =	simm.s32 $0x300  }
0x2b8: {  	[hbm4b:s16+s13] =	stream.indirect.scatter [tilespmem:s20], [sflag:$0x1], $0x1, s5, s13, $0x2000b8;
	[tilespmem:$0x5080] =	vst v63  }
0x2b9: {  	s21 =	simm.s32 $0x380  }
0x2ba: {  	[hbm4b:s16+s13] =	stream.indirect.scatter [tilespmem:s21], [sflag:$0x1], $0x1, s24, s13, $0x2000b8;
	[tilespmem:$0x5080] =	vst v63  }
0x2bb: {  	s8 =	simm.s32 $0x400;
	s26 =	rddreg [dreg:$0x7]  }
0x2bc: {  	[hbm4b:s26+s13] =	stream.indirect.scatter [tilespmem:s8], [sflag:$0x1], $0x1, s12, s13, $0x2000b8;
	[tilespmem:$0x5080] =	vst v63  }
0x2bd: {  	s9 =	simm.s32 $0x480  }
0x2be: {  	[hbm4b:s26+s13] =	stream.indirect.scatter [tilespmem:s9], [sflag:$0x1], $0x1, s1, s13, $0x2000b8;
	[tilespmem:$0x5080] =	vst v63  }
0x2bf: {  	s10 =	simm.s32 $0x500  }
0x2c0: {  	[hbm4b:s26+s13] =	stream.indirect.scatter [tilespmem:s10], [sflag:$0x1], $0x1, s5, s13, $0x2000b8;
	[tilespmem:$0x5080] =	vst v63  }
0x2c1: {  	s14 =	simm.s32 $0x580  }
0x2c2: {  	[hbm4b:s26+s13] =	stream.indirect.scatter [tilespmem:s14], [sflag:$0x1], $0x1, s24, s13, $0x2000b8;
	[tilespmem:$0x5080] =	vst v63  }
0x2c3: {  	s18 =	simm.s32 $0x600;
	s16 =	rddreg [dreg:$0x8]  }
0x2c4: {  	[hbm4b:s16+s13] =	stream.indirect.scatter [tilespmem:s18], [sflag:$0x1], $0x1, s12, s13, $0x2000b8;
	[tilespmem:$0x5080] =	vst v63  }
0x2c5: {  	s20 =	simm.s32 $0x680  }
0x2c6: {  	[hbm4b:s16+s13] =	stream.indirect.scatter [tilespmem:s20], [sflag:$0x1], $0x1, s1, s13, $0x2000b8;
	[tilespmem:$0x5080] =	vst v63  }
0x2c7: {  	s21 =	simm.s32 $0x700  }
0x2c8: {  	[hbm4b:s16+s13] =	stream.indirect.scatter [tilespmem:s21], [sflag:$0x1], $0x1, s5, s13, $0x2000b8;
	[tilespmem:$0x5080] =	vst v63  }
0x2c9: {  	s26 =	simm.s32 $0x780  }
0x2ca: {  	[hbm4b:s16+s13] =	stream.indirect.scatter [tilespmem:s26], [sflag:$0x1], $0x1, s24, s13, $0x2000b8;
	[tilespmem:$0x5080] =	vst v63  }
0x2cb: {  	_ =	swait.ge [sflag:s30], $0x80  }
0x2cc: {  	[sflag:s30] =	ssyncset.done $0x0  }
0x2cd: {  	[sflag:s30] =	ssyncadd.s32 $0xFFFFFF80  }
0x2ce: {  	_ =	swait.ge [sflag:s30], $0x80  }
0x2cf: {  	[sflag:s30] =	ssyncset.done $0x0  }
0x2d0: {  	[sflag:s30] =	ssyncadd.s32 $0xFFFFFF80  }
0x2d1: {  	_ =	swait.ge [sflag:s30], $0x80  }
0x2d2: {  	[sflag:s30] =	ssyncset.done $0x0  }
0x2d3: {  	[sflag:s30] =	ssyncadd.s32 $0xFFFFFF80  }
0x2d4: {  	_ =	swait.ge [sflag:s30], $0x80  }
0x2d5: {  	[sflag:s30] =	ssyncset.done $0x0  }
0x2d6: {  	[sflag:s30] =	ssyncadd.s32 $0xFFFFFF80  }
0x2d7: {  	_ =	swait.ge [sflag:s30], $0x80  }
0x2d8: {  	[sflag:s30] =	ssyncset.done $0x0  }
0x2d9: {  	[sflag:s30] =	ssyncadd.s32 $0xFFFFFF80  }
0x2da: {  	_ =	swait.ge [sflag:s30], $0x80  }
0x2db: {  	[sflag:s30] =	ssyncset.done $0x0  }
0x2dc: {  	[sflag:s30] =	ssyncadd.s32 $0xFFFFFF80  }
0x2dd: {  	_ =	swait.ge [sflag:s30], $0x80  }
0x2de: {  	[sflag:s30] =	ssyncset.done $0x0  }
0x2df: {  	[sflag:s30] =	ssyncadd.s32 $0xFFFFFF80  }
0x2e0: {  	_ =	swait.ge [sflag:s30], $0x80  }
0x2e1: {  	[sflag:s30] =	ssyncset.done $0x0  }
0x2e2: {  	[sflag:s30] =	ssyncadd.s32 $0xFFFFFF80  }
0x2e3: {  	_ =	swait.ge [sflag:s30], $0x80  }
0x2e4: {  	[sflag:s30] =	ssyncset.done $0x0  }
0x2e5: {  	[sflag:s30] =	ssyncadd.s32 $0xFFFFFF80  }
0x2e6: {  	_ =	swait.ge [sflag:s30], $0x80  }
0x2e7: {  	[sflag:s30] =	ssyncset.done $0x0  }
0x2e8: {  	[sflag:s30] =	ssyncadd.s32 $0xFFFFFF80  }
0x2e9: {  	_ =	swait.ge [sflag:s30], $0x80  }
0x2ea: {  	[sflag:s30] =	ssyncset.done $0x0  }
0x2eb: {  	[sflag:s30] =	ssyncadd.s32 $0xFFFFFF80  }
0x2ec: {  	_ =	swait.ge [sflag:s30], $0x80  }
0x2ed: {  	[sflag:s30] =	ssyncset.done $0x0  }
0x2ee: {  	[sflag:s30] =	ssyncadd.s32 $0xFFFFFF80  }
0x2ef: {  	_ =	swait.ge [sflag:s30], $0x80  }
0x2f0: {  	[sflag:s30] =	ssyncset.done $0x0  }
0x2f1: {  	[sflag:s30] =	ssyncadd.s32 $0xFFFFFF80  }
0x2f2: {  	_ =	swait.ge [sflag:s30], $0x80  }
0x2f3: {  	[sflag:s30] =	ssyncset.done $0x0  }
0x2f4: {  	[sflag:s30] =	ssyncadd.s32 $0xFFFFFF80  }
0x2f5: {  	_ =	swait.ge [sflag:s30], $0x80  }
0x2f6: {  	[sflag:s30] =	ssyncset.done $0x0  }
.Ltmp9:
0x2f7: {  	[sflag:s30] =	ssyncadd.s32 $0xFFFFFF80;
	(pc) =	sbr.rel .LBB3_14-.Ltmp9, $4  }
0x2f8: {  	_ =	swait.ge [sflag:s30], $0x80  }
0x2f9: {  	[sflag:s30] =	ssyncset.done $0x0  }
0x2fa: {  	[sflag:s30] =	ssyncadd.s32 $0xFFFFFF80  }
0x2fb: {  	_ =	strace $0x9000004F  }
.LBB3_15:
0x2fc: {  	_ =	sfence.sel $0x180000  }
0x2fd: {  	[bflag:$0x0] =	sbarrier.arrive $0xFFFF  }
0x2fe: {  	_ =	strace $0x90000047  }
0x2ff: {  	[bflag:$0x2] =	sbarrier.arrive $0xFFFF  }
0x300: {  	s0 =	rddreg [dreg:$0x15]  }
0x301: {  	s0 =	sadd.s32 @!p1 $0x100000, s0  }
0x302: {  	[sflag:s0] =	ssyncadd.tile.s32 @!p1 $0x1;
	_ =	shalt  }
.Lfunc_end3:
_tile_overlayer_lowered:
.L_overlay_start_3:
0x303: {  	(tag) =	ssettag $0x3  }
0x304: {  	s0 =	rddreg [dreg:$0x0];
	s2 =	stileid.u32  }
0x305: {  	s1 =	rddreg [dreg:$0x1];
	p0 =	sne.s32 s2, $0x0  }
0x306: {  	s3 =	rddreg [dreg:$0x2];
	[bflag:$0x3] =	sbarrier.arrive $0xFFFF;
	s2 =	simm.s32 @!p0 $0x1C02  }
0x307: {  	[timem:s3], [sflag:s2] =	dma.local @!p0 [hbm:s0], s1  }
0x308: {  	s0 =	simm.s32 @!p0 $0x2  }
0x309: {  	_ =	swait.ge @!p0 [sflag:s0], s1  }
0x30a: {  	s1 =	ssub.s32 @!p0 $0x0, s1;
	[sflag:s0] =	ssyncset.done @!p0 $0x0  }
0x30b: {  	[sflag:s0] =	ssyncadd.s32 @!p0 s1  }
0x30c: {  	[bflag:$0x3] =	sbarrier.arrive $0xFFFF  }
0x30d: {  	_ =	shalt  }

</sc_bundles>
